<compile_context>
chip_gen: v7x
topology: tpu7x:2x2x1
jax: 0.10.2.dev20260603
libtpu: 0.0.44.dev20260713+nightly
codegen_flags: <defaults>
</compile_context>

<pallas_src>
import functools

import jax
import jax.numpy as jnp
from jax import lax
from jax.experimental import pallas as pl
from jax.experimental.pallas import tpu as pltpu
from jax.experimental.pallas import tpu_sc as plsc

NC = 2
NS = 16
NW = NC * NS
CHUNK = 128
EPS = 1e-5


def _sc_mesh():
    return plsc.VectorSubcoreMesh(core_axis_name="c", subcore_axis_name="s",
                                  num_cores=NC, num_subcores=NS)


def _make_deg(e_pad, n_pad):
    k_pw = e_pad // (NW * CHUNK)
    stripe = n_pad // NS

    @functools.partial(
        pl.kernel,
        out_type=jax.ShapeDtypeStruct((NC * n_pad,), jnp.float32),
        mesh=_sc_mesh(),
        scratch_types=[
            pltpu.VMEM((k_pw, CHUNK), jnp.int32),
            pltpu.VMEM((CHUNK,), jnp.float32),
            pltpu.VMEM_SHARED((n_pad,), jnp.float32),
            pltpu.SemaphoreType.DMA,
        ],
    )
    def deg_kernel(dst_hbm, out_hbm, didx, ones, acc, sem):
        c = lax.axis_index("c")
        s = lax.axis_index("s")
        wid = s * NC + c

        pltpu.sync_copy(dst_hbm.at[pl.ds(wid * k_pw, k_pw)], didx)

        one16 = jnp.ones((16,), jnp.float32)
        zero16 = jnp.zeros((16,), jnp.float32)

        def _fill_zero(i, carry):
            ones[pl.ds(i * 16, 16)] = zero16
            return carry

        lax.fori_loop(0, CHUNK // 16, _fill_zero, 0)

        def _zacc(i, carry):
            pltpu.sync_copy(ones, acc.at[pl.ds(s * stripe + i * CHUNK, CHUNK)])
            return carry

        lax.fori_loop(0, stripe // CHUNK, _zacc, 0)

        def _fill_one(i, carry):
            ones[pl.ds(i * 16, 16)] = one16
            return carry

        lax.fori_loop(0, CHUNK // 16, _fill_one, 0)

        plsc.subcore_barrier()

        def _step(t, carry):
            pltpu.sync_copy(ones, acc.at[didx.at[t]], add=True)
            return carry

        lax.fori_loop(0, k_pw, _step, 0)

        plsc.subcore_barrier()

        def _out(i, carry):
            off = s * stripe + i * CHUNK
            pltpu.sync_copy(acc.at[pl.ds(off, CHUNK)],
                            out_hbm.at[pl.ds(c * n_pad + off, CHUNK)])
            return carry

        lax.fori_loop(0, stripe // CHUNK, _out, 0)

    return deg_kernel


KF_PAD = 4


def _make_agg(e_pad, n_pad, d):
    k_pw = e_pad // (NW * CHUNK)
    stripe = n_pad // NS
    stage_g = d <= 64

    scratch = [
        pltpu.VMEM((k_pw, CHUNK), jnp.int32),
        pltpu.VMEM((k_pw, CHUNK), jnp.int32),
        pltpu.VMEM((CHUNK, d), jnp.float32),
        pltpu.VMEM((CHUNK, d), jnp.float32),
        pltpu.VMEM_SHARED((n_pad, d), jnp.float32),
        pltpu.SemaphoreType.DMA,
        pltpu.SemaphoreType.DMA,
    ]
    if stage_g:
        scratch.append(pltpu.VMEM_SHARED((n_pad, d), jnp.float32))

    @functools.partial(
        pl.kernel,
        out_type=jax.ShapeDtypeStruct((NC * n_pad, d), jnp.float32),
        mesh=_sc_mesh(),
        scratch_types=scratch,
        compiler_params=pltpu.CompilerParams(use_tc_tiling_on_sc=False),
    )
    def agg_kernel(src_hbm, dst_hbm, g_hbm, out_hbm, *refs):
        if stage_g:
            sidx, didx, ra, rb, acc, sem_a, sem_b, gtab = refs
        else:
            sidx, didx, ra, rb, acc, sem_a, sem_b = refs
            gtab = g_hbm
        rows = ra
        c = lax.axis_index("c")
        s = lax.axis_index("s")
        wid = s * NC + c

        pltpu.sync_copy(src_hbm.at[pl.ds(wid * k_pw, k_pw)], sidx)
        pltpu.sync_copy(dst_hbm.at[pl.ds(wid * k_pw, k_pw)], didx)

        zero16 = jnp.zeros((16,), jnp.float32)
        vecs_per_row = d // 16

        def _zrow(i, carry):
            r = i // vecs_per_row
            q = i % vecs_per_row
            rows[r, pl.ds(q * 16, 16)] = zero16
            return carry

        lax.fori_loop(0, CHUNK * vecs_per_row, _zrow, 0)

        def _zacc(i, carry):
            pltpu.sync_copy(rows, acc.at[pl.ds(s * stripe + i * CHUNK, CHUNK)])
            return carry

        lax.fori_loop(0, stripe // CHUNK, _zacc, 0)

        if stage_g:
            pltpu.sync_copy(g_hbm.at[pl.ds(s * stripe, stripe)],
                            gtab.at[pl.ds(s * stripe, stripe)])

        plsc.subcore_barrier()

        def _gather(t, buf, sem):
            pltpu.async_copy(gtab.at[sidx.at[t]], buf, sem)

        def _gwait(t, buf, sem):
            pltpu.make_async_copy(gtab.at[sidx.at[t]], buf, sem).wait()

        _gather(0, ra, sem_a)
        _gather(1, rb, sem_b)

        def _step(i, carry):
            _gwait(2 * i, ra, sem_a)
            pltpu.sync_copy(ra, acc.at[didx.at[2 * i]], add=True)
            _gather(2 * i + 2, ra, sem_a)
            _gwait(2 * i + 1, rb, sem_b)
            pltpu.sync_copy(rb, acc.at[didx.at[2 * i + 1]], add=True)
            _gather(2 * i + 3, rb, sem_b)
            return carry

        lax.fori_loop(0, k_pw // 2 - 1, _step, 0)
        _gwait(k_pw - 2, ra, sem_a)
        pltpu.sync_copy(ra, acc.at[didx.at[k_pw - 2]], add=True)
        _gwait(k_pw - 1, rb, sem_b)
        pltpu.sync_copy(rb, acc.at[didx.at[k_pw - 1]], add=True)

        plsc.subcore_barrier()

        def _out(i, carry):
            off = s * stripe + i * CHUNK
            pltpu.sync_copy(acc.at[pl.ds(off, CHUNK)],
                            out_hbm.at[pl.ds(c * n_pad + off, CHUNK)])
            return carry

        lax.fori_loop(0, stripe // CHUNK, _out, 0)

    return agg_kernel



def _tc1_body(n, degp, x, w1, dinv_o, g1_o):
    deg = degp[0] + degp[1] + 1.0
    dinv = lax.rsqrt(deg)
    dinv_o[...] = dinv
    g1_o[...] = jnp.dot(x[...], w1[...], preferred_element_type=jnp.float32) * dinv


def _tc2_body(n, a1, g1, dinv, b1, bn1g, bn1b, w2, wres, bres, g2_o, res_o):
    p = g1.shape[0]
    dv = dinv[...]
    s1 = dv * (a1[0] + a1[1] + g1[...]) + b1[...]
    rid = lax.broadcasted_iota(jnp.int32, (p, 1), 0)
    valid = rid < n
    s1m = jnp.where(valid, s1, 0.0)
    mean = jnp.sum(s1m, axis=0, keepdims=True) / n
    dlt = jnp.where(valid, s1 - mean, 0.0)
    var = jnp.sum(dlt * dlt, axis=0, keepdims=True) / n
    x1 = bn1g[...] * (s1 - mean) * lax.rsqrt(var + EPS) + bn1b[...]
    x1 = jnp.where(valid, jnp.maximum(x1, 0.0), 0.0)
    g2_o[...] = jnp.dot(x1, w2[...], preferred_element_type=jnp.float32) * dv
    res_o[...] = jnp.dot(x1, wres[...], preferred_element_type=jnp.float32) + bres[...]


def _tc3_body(n, a2, g2, res, dinv, b2, bn2g, bn2b, lng, lnb, w3p, g3_o):
    p = g2.shape[0]
    dv = dinv[...]
    s2 = dv * (a2[0] + a2[1] + g2[...]) + b2[...]
    rid = lax.broadcasted_iota(jnp.int32, (p, 1), 0)
    valid = rid < n
    s2m = jnp.where(valid, s2, 0.0)
    mean = jnp.sum(s2m, axis=0, keepdims=True) / n
    dlt = jnp.where(valid, s2 - mean, 0.0)
    var = jnp.sum(dlt * dlt, axis=0, keepdims=True) / n
    x2 = bn2g[...] * (s2 - mean) * lax.rsqrt(var + EPS) + bn2b[...]
    x2 = jnp.where(valid, jnp.maximum(x2, 0.0), 0.0)
    xr = res[...] + x2
    m = jnp.mean(xr, axis=1, keepdims=True)
    v = jnp.mean((xr - m) * (xr - m), axis=1, keepdims=True)
    xr = lng[...] * (xr - m) * lax.rsqrt(v + EPS) + lnb[...]
    xr = jnp.where(valid, jnp.maximum(xr, 0.0), 0.0)
    g3_o[...] = jnp.dot(xr, w3p[...], preferred_element_type=jnp.float32) * dv


def _tc4_body(a3, g3, dinv, b3p, out_o):
    p, w = g3.shape
    o = dinv[...] * (a3[0] + a3[1] + g3[...]) + b3p[...]
    cid = lax.broadcasted_iota(jnp.int32, (p, w), 1)
    cm = cid < 2
    om = jnp.where(cm, o, -jnp.inf)
    mx = jnp.max(om, axis=1, keepdims=True)
    e = jnp.where(cm, jnp.exp(o - mx), 0.0)
    lse = mx + jnp.log(jnp.sum(e, axis=1, keepdims=True))
    out_o[...] = o - lse


def _f32(*shapes):
    return [jax.ShapeDtypeStruct(sh, jnp.float32) for sh in shapes]


def kernel(x, edge_index, W1, b1, bn1_g, bn1_b, W2, b2, bn2_g, bn2_b,
           Wres, bres, ln_g, ln_b, W3, b3):
    n, d0 = x.shape
    e = edge_index.shape[1]
    d1 = W2.shape[1]
    d3 = 16
    p = -(-n // (16 * NS)) * (16 * NS)
    e_pad = -(-e // (NW * CHUNK * KF_PAD)) * (NW * CHUNK * KF_PAD)

    src = jnp.concatenate(
        [edge_index[0], jnp.zeros((e_pad - e,), jnp.int32)]
    ).reshape(e_pad // CHUNK, CHUNK)
    dst = jnp.concatenate(
        [edge_index[1], jnp.full((e_pad - e,), n, jnp.int32)]
    ).reshape(e_pad // CHUNK, CHUNK)
    xp = jnp.pad(x, ((0, p - n), (0, 0)))
    w3p = jnp.pad(W3, ((0, 0), (0, d3 - W3.shape[1])))
    b3p = jnp.pad(b3, (0, d3 - b3.shape[0]))

    degp = _make_deg(e_pad, p)(dst).reshape(NC, p, 1)

    dinv, g1 = pl.pallas_call(
        functools.partial(_tc1_body, n),
        out_shape=_f32((p, 1), (p, d0)),
    )(degp, xp, W1)

    dh = d0 // 2
    a1a = _make_agg(e_pad, p, dh)(src, dst, g1[:, :dh]).reshape(NC, p, dh)
    a1b = _make_agg(e_pad, p, dh)(src, dst, g1[:, dh:]).reshape(NC, p, dh)
    a1 = jnp.concatenate([a1a, a1b], axis=2)

    g2, res = pl.pallas_call(
        functools.partial(_tc2_body, n),
        out_shape=_f32((p, d1), (p, d1)),
    )(a1, g1, dinv, b1, bn1_g, bn1_b, W2, Wres, bres)

    a2 = _make_agg(e_pad, p, d1)(src, dst, g2).reshape(NC, p, d1)

    g3 = pl.pallas_call(
        functools.partial(_tc3_body, n),
        out_shape=_f32((p, d3))[0],
    )(a2, g2, res, dinv, b2, bn2_g, bn2_b, ln_g, ln_b, w3p)

    a3 = _make_agg(e_pad, p, d3)(src, dst, g3).reshape(NC, p, d3)

    outp = pl.pallas_call(
        _tc4_body,
        out_shape=_f32((p, d3))[0],
    )(a3, g3, dinv, b3p)

    return outp[:n, :2]

# --- scband reference (transcript-rebuilt; emitter-appended) ---
"""Pipeline reference for scband-gnn-34505767256754 (READ-ONLY COPY).

The authoritative reference and input builder live on the scoring server;
editing this copy changes nothing except your own understanding.
"""

import jax, jax.numpy as jnp
import numpy as np

N = 10000
E = 320000
D = 128


def _xavier(key, fan_in, fan_out):
    a = (6.0 / (fan_in + fan_out)) ** 0.5
    return jax.random.uniform(key, (fan_in, fan_out), dtype=jnp.float32, minval=-a, maxval=a)


def setup_inputs(seed: int = 0) -> dict:
    key = jax.random.key(seed)
    ks = jax.random.split(key, 8)
    inp = {}
    inp['x'] = jax.random.normal(ks[0], (N, D), dtype=jnp.float32)
    inp['edge_index'] = jax.random.randint(ks[1], (2, E), 0, N, dtype=jnp.int32)
    # GCNConv1: 128 -> 128
    inp['W1'] = _xavier(ks[2], 128, 128)
    inp['b1'] = jnp.zeros((128,), jnp.float32)
    inp['bn1_g'] = jnp.ones((128,), jnp.float32)
    inp['bn1_b'] = jnp.zeros((128,), jnp.float32)
    # GCNConv2: 128 -> 64
    inp['W2'] = _xavier(ks[3], 128, 64)
    inp['b2'] = jnp.zeros((64,), jnp.float32)
    inp['bn2_g'] = jnp.ones((64,), jnp.float32)
    inp['bn2_b'] = jnp.zeros((64,), jnp.float32)
    # res_proj Linear: 128 -> 64
    inp['Wres'] = _xavier(ks[4], 128, 64)
    inp['bres'] = jnp.zeros((64,), jnp.float32)
    # LayerNorm(64)
    inp['ln_g'] = jnp.ones((64,), jnp.float32)
    inp['ln_b'] = jnp.zeros((64,), jnp.float32)
    # GCNConv3: 64 -> 2
    inp['W3'] = _xavier(ks[5], 64, 2)
    inp['b3'] = jnp.zeros((2,), jnp.float32)
    return inp


def _gcn_conv(x, W, b, src, dst, n):
    h = x @ W
    loop = jnp.arange(n, dtype=src.dtype)
    s = jnp.concatenate([src, loop])
    d = jnp.concatenate([dst, loop])
    deg = jnp.zeros((n,), x.dtype).at[d].add(1.0)
    dinv = jnp.where(deg > 0, jax.lax.rsqrt(deg), 0.0)
    norm = dinv[s] * dinv[d]
    msg = h[s] * norm[:, None]
    out = jnp.zeros((n, h.shape[1]), x.dtype).at[d].add(msg)
    return out + b


def _batch_norm(x, g, b, eps=1e-5):
    m = x.mean(axis=0)
    v = x.var(axis=0)
    return g * (x - m) * jax.lax.rsqrt(v + eps) + b


def _layer_norm(x, g, b, eps=1e-5):
    m = x.mean(axis=-1, keepdims=True)
    v = x.var(axis=-1, keepdims=True)
    return g * (x - m) * jax.lax.rsqrt(v + eps) + b


def reference(x, edge_index, W1, b1, bn1_g, bn1_b, W2, b2, bn2_g, bn2_b, Wres, bres, ln_g, ln_b, W3, b3):
    n = x.shape[0]
    src = edge_index[0]
    dst = edge_index[1]
    x1 = _gcn_conv(x, W1, b1, src, dst, n)
    x1 = _batch_norm(x1, bn1_g, bn1_b)
    x1 = jax.nn.relu(x1)
    # dropout is identity in eval mode
    x2 = _gcn_conv(x1, W2, b2, src, dst, n)
    x2 = _batch_norm(x2, bn2_g, bn2_b)
    x2 = jax.nn.relu(x2)
    res = x1 @ Wres + bres
    x_res = res + x2
    x_res = _layer_norm(x_res, ln_g, ln_b)
    x_res = jax.nn.relu(x_res)
    out = _gcn_conv(x_res, W3, b3, src, dst, n)
    return jax.nn.log_softmax(out, axis=1)

if __name__ == "__main__":
    import jax
    _d = setup_inputs()
    print(jax.jit(kernel)(*tuple(_d.values())))

</pallas_src>

<mosaic_0001>
#map = affine_map<(d0, d1) -> (0, 0)>
#map1 = affine_map<(d0, d1) -> (0)>
module attributes {stable_mosaic.version = 14 : i64} {
  func.func @deg_kernel(%arg0: i32, %arg1: i32, %arg2: memref<2560x128xi32, #tpu.memory_space<hbm>>, %arg3: memref<20480xf32, #tpu.memory_space<hbm>>, %arg4: memref<80x128xi32, #tpu.memory_space<vmem>>, %arg5: memref<128xf32, #tpu.memory_space<vmem>>, %arg6: memref<10240xf32, #tpu.memory_space<vmem_shared>>, %arg7: memref<!tpu.dma_semaphore, #tpu.memory_space<semaphore_mem>>) attributes {dimension_semantics = [#tpu.dimension_semantics<core_parallel>, #tpu.dimension_semantics<subcore_parallel>], iteration_bounds = array<i64: 2, 16>, scalar_prefetch = 0 : i64, scratch_operands = 4 : i64, tpu.core_type = #tpu.core_type<sc_vector_subcore>, window_params = [{transform_indices = #map}, {transform_indices = #map1}]} {
    %mul3A = arith.constant 2 : i32
    %mul3A_0 = arith.muli %arg1, %mul3A : i32
    %add3A = arith.addi %mul3A_0, %arg0 : i32
    %mul3A_1 = arith.constant 80 : i32
    %mul3A_2 = arith.muli %add3A, %mul3A_1 : i32
    "tpu.region"() ({
      %run_scoped3A = tpu.sem_alloc : memref<!tpu.dma_semaphore, #tpu.memory_space<semaphore_mem>>
      %dma_start3A = arith.constant 0 : i32
      %dma_start3A_36 = tpu.memref_slice %arg2[%mul3A_2, %dma_start3A] : memref<2560x128xi32, #tpu.memory_space<hbm>> -> memref<80x128xi32, #tpu.memory_space<hbm>>
      %dma_start3A_37 = arith.constant 0 : i32
      %dma_start3A_38 = tpu.memref_slice %arg2[%mul3A_2, %dma_start3A_37] : memref<2560x128xi32, #tpu.memory_space<hbm>> -> memref<80x128xi32, #tpu.memory_space<hbm>>
      tpu.enqueue_dma source(%dma_start3A_38 : memref<80x128xi32, #tpu.memory_space<hbm>>) target(%arg4 : memref<80x128xi32, #tpu.memory_space<vmem>>) target_semaphore(%run_scoped3A : memref<!tpu.dma_semaphore, #tpu.memory_space<semaphore_mem>>)
      %dma_wait3A = arith.constant 0 : i32
      %dma_wait3A_39 = tpu.memref_slice %arg2[%mul3A_2, %dma_wait3A] : memref<2560x128xi32, #tpu.memory_space<hbm>> -> memref<80x128xi32, #tpu.memory_space<hbm>>
      %dma_wait3A_40 = arith.constant 0 : i32
      %dma_wait3A_41 = tpu.memref_slice %arg2[%mul3A_2, %dma_wait3A_40] : memref<2560x128xi32, #tpu.memory_space<hbm>> -> memref<80x128xi32, #tpu.memory_space<hbm>>
      tpu.wait_dma2 semaphore(%run_scoped3A : memref<!tpu.dma_semaphore, #tpu.memory_space<semaphore_mem>>) src(%dma_wait3A_41 : memref<80x128xi32, #tpu.memory_space<hbm>>) dst(%arg4 : memref<80x128xi32, #tpu.memory_space<vmem>>)
      tpu.yield
    }) : () -> ()
    %broadcast_in_dim3A = arith.constant 1.000000e+00 : f32
    %broadcast_in_dim3A_3 = vector.broadcast %broadcast_in_dim3A : f32 to vector<16xf32>
    %broadcast_in_dim3A_4 = arith.constant 0.000000e+00 : f32
    %broadcast_in_dim3A_5 = vector.broadcast %broadcast_in_dim3A_4 : f32 to vector<16xf32>
    %scan3A = arith.constant 0 : i32
    %scan3A_6 = arith.constant 0 : i32
    %scan3A_7 = arith.constant 8 : i32
    %scan3A_8 = arith.addi %scan3A_6, %scan3A_7 : i32
    %scan3A_9 = arith.constant 1 : i32
    scf.for %scan3A_36 = %scan3A_6 to %scan3A_8 step %scan3A_9  : i32 {
      %mul3A_37 = arith.constant 16 : i32
      %mul3A_38 = arith.muli %scan3A_36, %mul3A_37 : i32
      %swap3A = arith.index_cast %mul3A_38 : i32 to index
      %swap3A_39 = tpu.vector_load %arg5[%swap3A] {strides = array<i32>} : memref<128xf32, #tpu.memory_space<vmem>>, vector<16xf32>,
      %swap3A_40 = vector.shape_cast %swap3A_39 : vector<16xf32> to vector<16xf32>
      %swap3A_41 = vector.shape_cast %broadcast_in_dim3A_5 : vector<16xf32> to vector<16xf32>
      tpu.vector_store %arg5[%swap3A], %swap3A_41 {strides = array<i32>} : memref<128xf32, #tpu.memory_space<vmem>>, vector<16xf32>,
    }
    %scan3A_10 = arith.constant 8 : i32
    %scan3A_11 = arith.constant 0 : i32
    %scan3A_12 = arith.constant 0 : i32
    %scan3A_13 = arith.constant 5 : i32
    %scan3A_14 = arith.addi %scan3A_12, %scan3A_13 : i32
    %scan3A_15 = arith.constant 1 : i32
    scf.for %scan3A_36 = %scan3A_12 to %scan3A_14 step %scan3A_15  : i32 {
      %mul3A_37 = arith.constant 640 : i32
      %mul3A_38 = arith.muli %arg1, %mul3A_37 : i32
      %mul3A_39 = arith.constant 128 : i32
      %mul3A_40 = arith.muli %scan3A_36, %mul3A_39 : i32
      %add3A_41 = arith.addi %mul3A_38, %mul3A_40 : i32
      "tpu.region"() ({
        %run_scoped3A = tpu.sem_alloc : memref<!tpu.dma_semaphore, #tpu.memory_space<semaphore_mem>>
        %dma_start3A = tpu.memref_slice %arg6[%add3A_41] : memref<10240xf32, #tpu.memory_space<vmem_shared>> -> memref<128xf32, #tpu.memory_space<vmem_shared>>
        %dma_start3A_42 = tpu.memref_slice %arg6[%add3A_41] : memref<10240xf32, #tpu.memory_space<vmem_shared>> -> memref<128xf32, #tpu.memory_space<vmem_shared>>
        tpu.enqueue_dma source(%arg5 : memref<128xf32, #tpu.memory_space<vmem>>) target(%dma_start3A_42 : memref<128xf32, #tpu.memory_space<vmem_shared>>) target_semaphore(%run_scoped3A : memref<!tpu.dma_semaphore, #tpu.memory_space<semaphore_mem>>)
        %dma_wait3A = tpu.memref_slice %arg6[%add3A_41] : memref<10240xf32, #tpu.memory_space<vmem_shared>> -> memref<128xf32, #tpu.memory_space<vmem_shared>>
        %dma_wait3A_43 = tpu.memref_slice %arg6[%add3A_41] : memref<10240xf32, #tpu.memory_space<vmem_shared>> -> memref<128xf32, #tpu.memory_space<vmem_shared>>
        tpu.wait_dma2 semaphore(%run_scoped3A : memref<!tpu.dma_semaphore, #tpu.memory_space<semaphore_mem>>) src(%arg5 : memref<128xf32, #tpu.memory_space<vmem>>) dst(%dma_wait3A_43 : memref<128xf32, #tpu.memory_space<vmem_shared>>)
        tpu.yield
      }) : () -> ()
    }
    %scan3A_16 = arith.constant 5 : i32
    %scan3A_17 = arith.constant 0 : i32
    %scan3A_18 = arith.constant 0 : i32
    %scan3A_19 = arith.constant 8 : i32
    %scan3A_20 = arith.addi %scan3A_18, %scan3A_19 : i32
    %scan3A_21 = arith.constant 1 : i32
    scf.for %scan3A_36 = %scan3A_18 to %scan3A_20 step %scan3A_21  : i32 {
      %mul3A_37 = arith.constant 16 : i32
      %mul3A_38 = arith.muli %scan3A_36, %mul3A_37 : i32
      %swap3A = arith.index_cast %mul3A_38 : i32 to index
      %swap3A_39 = tpu.vector_load %arg5[%swap3A] {strides = array<i32>} : memref<128xf32, #tpu.memory_space<vmem>>, vector<16xf32>,
      %swap3A_40 = vector.shape_cast %swap3A_39 : vector<16xf32> to vector<16xf32>
      %swap3A_41 = vector.shape_cast %broadcast_in_dim3A_3 : vector<16xf32> to vector<16xf32>
      tpu.vector_store %arg5[%swap3A], %swap3A_41 {strides = array<i32>} : memref<128xf32, #tpu.memory_space<vmem>>, vector<16xf32>,
    }
    %scan3A_22 = arith.constant 8 : i32
    %barrier3A = arith.constant 0 : index
    tpu.barrier barrier_id(%barrier3A)
    %scan3A_23 = arith.constant 0 : i32
    %scan3A_24 = arith.constant 0 : i32
    %scan3A_25 = arith.constant 80 : i32
    %scan3A_26 = arith.addi %scan3A_24, %scan3A_25 : i32
    %scan3A_27 = arith.constant 1 : i32
    scf.for %scan3A_36 = %scan3A_24 to %scan3A_26 step %scan3A_27  : i32 {
      "tpu.region"() ({
        %run_scoped3A = tpu.sem_alloc : memref<!tpu.dma_semaphore, #tpu.memory_space<semaphore_mem>>
        %dma_start3A = arith.constant 0 : i32
        %dma_start3A_37 = tpu.memref_slice %arg4[%scan3A_36, %dma_start3A] : memref<80x128xi32, #tpu.memory_space<vmem>> -> memref<1x128xi32, #tpu.memory_space<vmem>>
        %dma_start3A_38 = tpu.memref_squeeze %dma_start3A_37 : memref<1x128xi32, #tpu.memory_space<vmem>> -> memref<128xi32, #tpu.memory_space<vmem>>
        %dma_start3A_39 = arith.constant 0 : i32
        %dma_start3A_40 = tpu.memref_slice %arg6[%dma_start3A_39] : memref<10240xf32, #tpu.memory_space<vmem_shared>> -> memref<10240xf32, #tpu.memory_space<vmem_shared>>
        tpu.enqueue_indirect_dma source(%arg5 : memref<128xf32, #tpu.memory_space<vmem>>) target(%dma_start3A_40 : memref<10240xf32, #tpu.memory_space<vmem_shared>>) offsets(%dma_start3A_38 : memref<128xi32, #tpu.memory_space<vmem>>) semaphore(%run_scoped3A : memref<!tpu.dma_semaphore, #tpu.memory_space<semaphore_mem>>) {add = true}
        %dma_wait3A = arith.constant 0 : i32
        %dma_wait3A_41 = tpu.memref_slice %arg4[%scan3A_36, %dma_wait3A] : memref<80x128xi32, #tpu.memory_space<vmem>> -> memref<1x128xi32, #tpu.memory_space<vmem>>
        %dma_wait3A_42 = tpu.memref_squeeze %dma_wait3A_41 : memref<1x128xi32, #tpu.memory_space<vmem>> -> memref<128xi32, #tpu.memory_space<vmem>>
        %dma_wait3A_43 = arith.constant 0 : i32
        %dma_wait3A_44 = tpu.memref_slice %arg6[%dma_wait3A_43] : memref<10240xf32, #tpu.memory_space<vmem_shared>> -> memref<10240xf32, #tpu.memory_space<vmem_shared>>
        tpu.wait_indirect_dma semaphore(%run_scoped3A : memref<!tpu.dma_semaphore, #tpu.memory_space<semaphore_mem>>) src(%arg5 : memref<128xf32, #tpu.memory_space<vmem>>) dst(%dma_wait3A_44 : memref<10240xf32, #tpu.memory_space<vmem_shared>>)
        tpu.yield
      }) : () -> ()
    }
    %scan3A_28 = arith.constant 80 : i32
    %barrier3A_29 = arith.constant 0 : index
    tpu.barrier barrier_id(%barrier3A_29)
    %scan3A_30 = arith.constant 0 : i32
    %scan3A_31 = arith.constant 0 : i32
    %scan3A_32 = arith.constant 5 : i32
    %scan3A_33 = arith.addi %scan3A_31, %scan3A_32 : i32
    %scan3A_34 = arith.constant 1 : i32
    scf.for %scan3A_36 = %scan3A_31 to %scan3A_33 step %scan3A_34  : i32 {
      %mul3A_37 = arith.constant 640 : i32
      %mul3A_38 = arith.muli %arg1, %mul3A_37 : i32
      %mul3A_39 = arith.constant 128 : i32
      %mul3A_40 = arith.muli %scan3A_36, %mul3A_39 : i32
      %add3A_41 = arith.addi %mul3A_38, %mul3A_40 : i32
      %mul3A_42 = arith.constant 10240 : i32
      %mul3A_43 = arith.muli %arg0, %mul3A_42 : i32
      %add3A_44 = arith.addi %mul3A_43, %add3A_41 : i32
      "tpu.region"() ({
        %run_scoped3A = tpu.sem_alloc : memref<!tpu.dma_semaphore, #tpu.memory_space<semaphore_mem>>
        %dma_start3A = tpu.memref_slice %arg3[%add3A_44] : memref<20480xf32, #tpu.memory_space<hbm>> -> memref<128xf32, #tpu.memory_space<hbm>>
        %dma_start3A_45 = tpu.memref_slice %arg6[%add3A_41] : memref<10240xf32, #tpu.memory_space<vmem_shared>> -> memref<128xf32, #tpu.memory_space<vmem_shared>>
        tpu.enqueue_dma source(%dma_start3A_45 : memref<128xf32, #tpu.memory_space<vmem_shared>>) target(%dma_start3A : memref<128xf32, #tpu.memory_space<hbm>>) target_semaphore(%run_scoped3A : memref<!tpu.dma_semaphore, #tpu.memory_space<semaphore_mem>>)
        %dma_wait3A = tpu.memref_slice %arg3[%add3A_44] : memref<20480xf32, #tpu.memory_space<hbm>> -> memref<128xf32, #tpu.memory_space<hbm>>
        %dma_wait3A_46 = tpu.memref_slice %arg6[%add3A_41] : memref<10240xf32, #tpu.memory_space<vmem_shared>> -> memref<128xf32, #tpu.memory_space<vmem_shared>>
        tpu.wait_dma2 semaphore(%run_scoped3A : memref<!tpu.dma_semaphore, #tpu.memory_space<semaphore_mem>>) src(%dma_wait3A_46 : memref<128xf32, #tpu.memory_space<vmem_shared>>) dst(%dma_wait3A : memref<128xf32, #tpu.memory_space<hbm>>)
        tpu.yield
      }) : () -> ()
    }
    %scan3A_35 = arith.constant 5 : i32
    return
  }
}

#map = affine_map<(d0, d1) -> (0, 0)>
module attributes {stable_mosaic.version = 14 : i64} {
  func.func @agg_kernel(%arg0: i32, %arg1: i32, %arg2: memref<2560x128xi32, #tpu.memory_space<hbm>>, %arg3: memref<2560x128xi32, #tpu.memory_space<hbm>>, %arg4: memref<10240x64xf32, #tpu.memory_space<hbm>>, %arg5: memref<20480x64xf32, #tpu.memory_space<hbm>>, %arg6: memref<80x128xi32, #tpu.memory_space<vmem>>, %arg7: memref<80x128xi32, #tpu.memory_space<vmem>>, %arg8: memref<128x64xf32, #tpu.memory_space<vmem>>, %arg9: memref<128x64xf32, #tpu.memory_space<vmem>>, %arg10: memref<10240x64xf32, #tpu.memory_space<vmem_shared>>, %arg11: memref<!tpu.dma_semaphore, #tpu.memory_space<semaphore_mem>>, %arg12: memref<!tpu.dma_semaphore, #tpu.memory_space<semaphore_mem>>, %arg13: memref<10240x64xf32, #tpu.memory_space<vmem_shared>>) attributes {dimension_semantics = [#tpu.dimension_semantics<core_parallel>, #tpu.dimension_semantics<subcore_parallel>], iteration_bounds = array<i64: 2, 16>, scalar_prefetch = 0 : i64, scratch_operands = 8 : i64, tpu.core_type = #tpu.core_type<sc_vector_subcore>, window_params = [{transform_indices = #map}, {transform_indices = #map}, {transform_indices = #map}, {transform_indices = #map}]} {
    %mul3A = arith.constant 2 : i32
    %mul3A_0 = arith.muli %arg1, %mul3A : i32
    %add3A = arith.addi %mul3A_0, %arg0 : i32
    %mul3A_1 = arith.constant 80 : i32
    %mul3A_2 = arith.muli %add3A, %mul3A_1 : i32
    "tpu.region"() ({
      %run_scoped3A_61 = tpu.sem_alloc : memref<!tpu.dma_semaphore, #tpu.memory_space<semaphore_mem>>
      %dma_start3A_62 = arith.constant 0 : i32
      %dma_start3A_63 = tpu.memref_slice %arg2[%mul3A_2, %dma_start3A_62] : memref<2560x128xi32, #tpu.memory_space<hbm>> -> memref<80x128xi32, #tpu.memory_space<hbm>>
      %dma_start3A_64 = arith.constant 0 : i32
      %dma_start3A_65 = tpu.memref_slice %arg2[%mul3A_2, %dma_start3A_64] : memref<2560x128xi32, #tpu.memory_space<hbm>> -> memref<80x128xi32, #tpu.memory_space<hbm>>
      tpu.enqueue_dma source(%dma_start3A_65 : memref<80x128xi32, #tpu.memory_space<hbm>>) target(%arg6 : memref<80x128xi32, #tpu.memory_space<vmem>>) target_semaphore(%run_scoped3A_61 : memref<!tpu.dma_semaphore, #tpu.memory_space<semaphore_mem>>)
      %dma_wait3A_66 = arith.constant 0 : i32
      %dma_wait3A_67 = tpu.memref_slice %arg2[%mul3A_2, %dma_wait3A_66] : memref<2560x128xi32, #tpu.memory_space<hbm>> -> memref<80x128xi32, #tpu.memory_space<hbm>>
      %dma_wait3A_68 = arith.constant 0 : i32
      %dma_wait3A_69 = tpu.memref_slice %arg2[%mul3A_2, %dma_wait3A_68] : memref<2560x128xi32, #tpu.memory_space<hbm>> -> memref<80x128xi32, #tpu.memory_space<hbm>>
      tpu.wait_dma2 semaphore(%run_scoped3A_61 : memref<!tpu.dma_semaphore, #tpu.memory_space<semaphore_mem>>) src(%dma_wait3A_69 : memref<80x128xi32, #tpu.memory_space<hbm>>) dst(%arg6 : memref<80x128xi32, #tpu.memory_space<vmem>>)
      tpu.yield
    }) : () -> ()
    %mul3A_3 = arith.constant 80 : i32
    %mul3A_4 = arith.muli %add3A, %mul3A_3 : i32
    "tpu.region"() ({
      %run_scoped3A_61 = tpu.sem_alloc : memref<!tpu.dma_semaphore, #tpu.memory_space<semaphore_mem>>
      %dma_start3A_62 = arith.constant 0 : i32
      %dma_start3A_63 = tpu.memref_slice %arg3[%mul3A_4, %dma_start3A_62] : memref<2560x128xi32, #tpu.memory_space<hbm>> -> memref<80x128xi32, #tpu.memory_space<hbm>>
      %dma_start3A_64 = arith.constant 0 : i32
      %dma_start3A_65 = tpu.memref_slice %arg3[%mul3A_4, %dma_start3A_64] : memref<2560x128xi32, #tpu.memory_space<hbm>> -> memref<80x128xi32, #tpu.memory_space<hbm>>
      tpu.enqueue_dma source(%dma_start3A_65 : memref<80x128xi32, #tpu.memory_space<hbm>>) target(%arg7 : memref<80x128xi32, #tpu.memory_space<vmem>>) target_semaphore(%run_scoped3A_61 : memref<!tpu.dma_semaphore, #tpu.memory_space<semaphore_mem>>)
      %dma_wait3A_66 = arith.constant 0 : i32
      %dma_wait3A_67 = tpu.memref_slice %arg3[%mul3A_4, %dma_wait3A_66] : memref<2560x128xi32, #tpu.memory_space<hbm>> -> memref<80x128xi32, #tpu.memory_space<hbm>>
      %dma_wait3A_68 = arith.constant 0 : i32
      %dma_wait3A_69 = tpu.memref_slice %arg3[%mul3A_4, %dma_wait3A_68] : memref<2560x128xi32, #tpu.memory_space<hbm>> -> memref<80x128xi32, #tpu.memory_space<hbm>>
      tpu.wait_dma2 semaphore(%run_scoped3A_61 : memref<!tpu.dma_semaphore, #tpu.memory_space<semaphore_mem>>) src(%dma_wait3A_69 : memref<80x128xi32, #tpu.memory_space<hbm>>) dst(%arg7 : memref<80x128xi32, #tpu.memory_space<vmem>>)
      tpu.yield
    }) : () -> ()
    %broadcast_in_dim3A = arith.constant 0.000000e+00 : f32
    %broadcast_in_dim3A_5 = vector.broadcast %broadcast_in_dim3A : f32 to vector<16xf32>
    %scan3A = arith.constant 0 : i32
    %scan3A_6 = arith.constant 0 : i32
    %scan3A_7 = arith.constant 512 : i32
    %scan3A_8 = arith.addi %scan3A_6, %scan3A_7 : i32
    %scan3A_9 = arith.constant 1 : i32
    scf.for %scan3A_61 = %scan3A_6 to %scan3A_8 step %scan3A_9  : i32 {
      %jit3A = arith.constant 4 : i32
      %div3A = arith.divsi %scan3A_61, %jit3A : i32
      %sign3A = arith.constant 0 : i32
      %sign3A_62 = arith.cmpi sgt, %scan3A_61, %sign3A : i32
      %sign3A_63 = arith.extui %sign3A_62 : i1 to i32
      %sign3A_64 = arith.constant 0 : i32
      %sign3A_65 = arith.cmpi slt, %scan3A_61, %sign3A_64 : i32
      %sign3A_66 = arith.extui %sign3A_65 : i1 to i32
      %sign3A_67 = arith.subi %sign3A_63, %sign3A_66 : i32
      %sign3A_68 = arith.constant 0 : i32
      %sign3A_69 = arith.cmpi sgt, %jit3A, %sign3A_68 : i32
      %sign3A_70 = arith.extui %sign3A_69 : i1 to i32
      %sign3A_71 = arith.constant 0 : i32
      %sign3A_72 = arith.cmpi slt, %jit3A, %sign3A_71 : i32
      %sign3A_73 = arith.extui %sign3A_72 : i1 to i32
      %sign3A_74 = arith.subi %sign3A_70, %sign3A_73 : i32
      %ne3A = arith.cmpi ne, %sign3A_67, %sign3A_74 : i32
      %rem3A = arith.remsi %scan3A_61, %jit3A : i32
      %ne3A_75 = arith.constant 0 : i32
      %ne3A_76 = arith.cmpi ne, %rem3A, %ne3A_75 : i32
      %and3A = arith.andi %ne3A, %ne3A_76 : i1
      %sub3A = arith.constant 1 : i32
      %sub3A_77 = arith.subi %div3A, %sub3A : i32
      %select_n3A = arith.select %and3A, %sub3A_77, %div3A : i32
      %jit3A_78 = arith.constant 4 : i32
      %eq3A = arith.constant 0 : i32
      %eq3A_79 = arith.cmpi eq, %jit3A_78, %eq3A : i32
      %jit3A_80 = arith.constant 1 : i32
      %select_n3A_81 = arith.select %eq3A_79, %jit3A_80, %jit3A_78 : i32
      %rem3A_82 = arith.remsi %scan3A_61, %select_n3A_81 : i32
      %ne3A_83 = arith.constant 0 : i32
      %ne3A_84 = arith.cmpi ne, %rem3A_82, %ne3A_83 : i32
      %lt3A = arith.constant 0 : i32
      %lt3A_85 = arith.cmpi slt, %rem3A_82, %lt3A : i32
      %lt3A_86 = arith.constant 0 : i32
      %lt3A_87 = arith.cmpi slt, %select_n3A_81, %lt3A_86 : i32
      %ne3A_88 = arith.xori %lt3A_85, %lt3A_87 : i1
      %and3A_89 = arith.andi %ne3A_88, %ne3A_84 : i1
      %add3A_90 = arith.addi %rem3A_82, %select_n3A_81 : i32
      %select_n3A_91 = arith.select %and3A_89, %add3A_90, %rem3A_82 : i32
      %mul3A_92 = arith.constant 16 : i32
      %mul3A_93 = arith.muli %select_n3A_91, %mul3A_92 : i32
      %swap3A = arith.index_cast %select_n3A : i32 to index
      %swap3A_94 = arith.index_cast %mul3A_93 : i32 to index
      %swap3A_95 = tpu.vector_load %arg8[%swap3A, %swap3A_94] {strides = array<i32>} : memref<128x64xf32, #tpu.memory_space<vmem>>, vector<1x16xf32>,
      %swap3A_96 = vector.shape_cast %swap3A_95 : vector<1x16xf32> to vector<16xf32>
      %swap3A_97 = vector.shape_cast %broadcast_in_dim3A_5 : vector<16xf32> to vector<1x16xf32>
      tpu.vector_store %arg8[%swap3A, %swap3A_94], %swap3A_97 {strides = array<i32>} : memref<128x64xf32, #tpu.memory_space<vmem>>, vector<1x16xf32>,
    }
    %scan3A_10 = arith.constant 512 : i32
    %scan3A_11 = arith.constant 0 : i32
    %scan3A_12 = arith.constant 0 : i32
    %scan3A_13 = arith.constant 5 : i32
    %scan3A_14 = arith.addi %scan3A_12, %scan3A_13 : i32
    %scan3A_15 = arith.constant 1 : i32
    scf.for %scan3A_61 = %scan3A_12 to %scan3A_14 step %scan3A_15  : i32 {
      %mul3A_62 = arith.constant 640 : i32
      %mul3A_63 = arith.muli %arg1, %mul3A_62 : i32
      %mul3A_64 = arith.constant 128 : i32
      %mul3A_65 = arith.muli %scan3A_61, %mul3A_64 : i32
      %add3A_66 = arith.addi %mul3A_63, %mul3A_65 : i32
      "tpu.region"() ({
        %run_scoped3A_67 = tpu.sem_alloc : memref<!tpu.dma_semaphore, #tpu.memory_space<semaphore_mem>>
        %dma_start3A_68 = arith.constant 0 : i32
        %dma_start3A_69 = tpu.memref_slice %arg10[%add3A_66, %dma_start3A_68] : memref<10240x64xf32, #tpu.memory_space<vmem_shared>> -> memref<128x64xf32, #tpu.memory_space<vmem_shared>>
        %dma_start3A_70 = arith.constant 0 : i32
        %dma_start3A_71 = tpu.memref_slice %arg10[%add3A_66, %dma_start3A_70] : memref<10240x64xf32, #tpu.memory_space<vmem_shared>> -> memref<128x64xf32, #tpu.memory_space<vmem_shared>>
        tpu.enqueue_dma source(%arg8 : memref<128x64xf32, #tpu.memory_space<vmem>>) target(%dma_start3A_71 : memref<128x64xf32, #tpu.memory_space<vmem_shared>>) target_semaphore(%run_scoped3A_67 : memref<!tpu.dma_semaphore, #tpu.memory_space<semaphore_mem>>)
        %dma_wait3A_72 = arith.constant 0 : i32
        %dma_wait3A_73 = tpu.memref_slice %arg10[%add3A_66, %dma_wait3A_72] : memref<10240x64xf32, #tpu.memory_space<vmem_shared>> -> memref<128x64xf32, #tpu.memory_space<vmem_shared>>
        %dma_wait3A_74 = arith.constant 0 : i32
        %dma_wait3A_75 = tpu.memref_slice %arg10[%add3A_66, %dma_wait3A_74] : memref<10240x64xf32, #tpu.memory_space<vmem_shared>> -> memref<128x64xf32, #tpu.memory_space<vmem_shared>>
        tpu.wait_dma2 semaphore(%run_scoped3A_67 : memref<!tpu.dma_semaphore, #tpu.memory_space<semaphore_mem>>) src(%arg8 : memref<128x64xf32, #tpu.memory_space<vmem>>) dst(%dma_wait3A_75 : memref<128x64xf32, #tpu.memory_space<vmem_shared>>)
        tpu.yield
      }) : () -> ()
    }
    %scan3A_16 = arith.constant 5 : i32
    %mul3A_17 = arith.constant 640 : i32
    %mul3A_18 = arith.muli %arg1, %mul3A_17 : i32
    %mul3A_19 = arith.constant 640 : i32
    %mul3A_20 = arith.muli %arg1, %mul3A_19 : i32
    "tpu.region"() ({
      %run_scoped3A_61 = tpu.sem_alloc : memref<!tpu.dma_semaphore, #tpu.memory_space<semaphore_mem>>
      %dma_start3A_62 = arith.constant 0 : i32
      %dma_start3A_63 = tpu.memref_slice %arg13[%mul3A_20, %dma_start3A_62] : memref<10240x64xf32, #tpu.memory_space<vmem_shared>> -> memref<640x64xf32, #tpu.memory_space<vmem_shared>>
      %dma_start3A_64 = arith.constant 0 : i32
      %dma_start3A_65 = tpu.memref_slice %arg4[%mul3A_18, %dma_start3A_64] : memref<10240x64xf32, #tpu.memory_space<hbm>> -> memref<640x64xf32, #tpu.memory_space<hbm>>
      tpu.enqueue_dma source(%dma_start3A_65 : memref<640x64xf32, #tpu.memory_space<hbm>>) target(%dma_start3A_63 : memref<640x64xf32, #tpu.memory_space<vmem_shared>>) target_semaphore(%run_scoped3A_61 : memref<!tpu.dma_semaphore, #tpu.memory_space<semaphore_mem>>)
      %dma_wait3A_66 = arith.constant 0 : i32
      %dma_wait3A_67 = tpu.memref_slice %arg13[%mul3A_20, %dma_wait3A_66] : memref<10240x64xf32, #tpu.memory_space<vmem_shared>> -> memref<640x64xf32, #tpu.memory_space<vmem_shared>>
      %dma_wait3A_68 = arith.constant 0 : i32
      %dma_wait3A_69 = tpu.memref_slice %arg4[%mul3A_18, %dma_wait3A_68] : memref<10240x64xf32, #tpu.memory_space<hbm>> -> memref<640x64xf32, #tpu.memory_space<hbm>>
      tpu.wait_dma2 semaphore(%run_scoped3A_61 : memref<!tpu.dma_semaphore, #tpu.memory_space<semaphore_mem>>) src(%dma_wait3A_69 : memref<640x64xf32, #tpu.memory_space<hbm>>) dst(%dma_wait3A_67 : memref<640x64xf32, #tpu.memory_space<vmem_shared>>)
      tpu.yield
    }) : () -> ()
    %barrier3A = arith.constant 0 : index
    tpu.barrier barrier_id(%barrier3A)
    %dma_start3A = arith.constant 0 : i32
    %dma_start3A_21 = arith.constant 0 : i32
    %dma_start3A_22 = tpu.memref_slice %arg6[%dma_start3A, %dma_start3A_21] : memref<80x128xi32, #tpu.memory_space<vmem>> -> memref<1x128xi32, #tpu.memory_space<vmem>>
    %dma_start3A_23 = tpu.memref_squeeze %dma_start3A_22 : memref<1x128xi32, #tpu.memory_space<vmem>> -> memref<128xi32, #tpu.memory_space<vmem>>
    %dma_start3A_24 = arith.constant 0 : i32
    %dma_start3A_25 = arith.constant 0 : i32
    %dma_start3A_26 = tpu.memref_slice %arg13[%dma_start3A_24, %dma_start3A_25] : memref<10240x64xf32, #tpu.memory_space<vmem_shared>> -> memref<10240x64xf32, #tpu.memory_space<vmem_shared>>
    tpu.enqueue_indirect_dma source(%dma_start3A_26 : memref<10240x64xf32, #tpu.memory_space<vmem_shared>>) target(%arg8 : memref<128x64xf32, #tpu.memory_space<vmem>>) offsets(%dma_start3A_23 : memref<128xi32, #tpu.memory_space<vmem>>) semaphore(%arg11 : memref<!tpu.dma_semaphore, #tpu.memory_space<semaphore_mem>>)
    %dma_start3A_27 = arith.constant 1 : i32
    %dma_start3A_28 = arith.constant 0 : i32
    %dma_start3A_29 = tpu.memref_slice %arg6[%dma_start3A_27, %dma_start3A_28] : memref<80x128xi32, #tpu.memory_space<vmem>> -> memref<1x128xi32, #tpu.memory_space<vmem>>
    %dma_start3A_30 = tpu.memref_squeeze %dma_start3A_29 : memref<1x128xi32, #tpu.memory_space<vmem>> -> memref<128xi32, #tpu.memory_space<vmem>>
    %dma_start3A_31 = arith.constant 0 : i32
    %dma_start3A_32 = arith.constant 0 : i32
    %dma_start3A_33 = tpu.memref_slice %arg13[%dma_start3A_31, %dma_start3A_32] : memref<10240x64xf32, #tpu.memory_space<vmem_shared>> -> memref<10240x64xf32, #tpu.memory_space<vmem_shared>>
    tpu.enqueue_indirect_dma source(%dma_start3A_33 : memref<10240x64xf32, #tpu.memory_space<vmem_shared>>) target(%arg9 : memref<128x64xf32, #tpu.memory_space<vmem>>) offsets(%dma_start3A_30 : memref<128xi32, #tpu.memory_space<vmem>>) semaphore(%arg12 : memref<!tpu.dma_semaphore, #tpu.memory_space<semaphore_mem>>)
    %scan3A_34 = arith.constant 0 : i32
    %scan3A_35 = arith.constant 0 : i32
    %scan3A_36 = arith.constant 39 : i32
    %scan3A_37 = arith.addi %scan3A_35, %scan3A_36 : i32
    %scan3A_38 = arith.constant 1 : i32
    scf.for %scan3A_61 = %scan3A_35 to %scan3A_37 step %scan3A_38  : i32 {
      %mul3A_62 = arith.constant 2 : i32
      %mul3A_63 = arith.muli %mul3A_62, %scan3A_61 : i32
      %dma_wait3A_64 = arith.constant 0 : i32
      %dma_wait3A_65 = tpu.memref_slice %arg6[%mul3A_63, %dma_wait3A_64] : memref<80x128xi32, #tpu.memory_space<vmem>> -> memref<1x128xi32, #tpu.memory_space<vmem>>
      %dma_wait3A_66 = tpu.memref_squeeze %dma_wait3A_65 : memref<1x128xi32, #tpu.memory_space<vmem>> -> memref<128xi32, #tpu.memory_space<vmem>>
      %dma_wait3A_67 = arith.constant 0 : i32
      %dma_wait3A_68 = arith.constant 0 : i32
      %dma_wait3A_69 = tpu.memref_slice %arg13[%dma_wait3A_67, %dma_wait3A_68] : memref<10240x64xf32, #tpu.memory_space<vmem_shared>> -> memref<10240x64xf32, #tpu.memory_space<vmem_shared>>
      tpu.wait_indirect_dma semaphore(%arg11 : memref<!tpu.dma_semaphore, #tpu.memory_space<semaphore_mem>>) src(%dma_wait3A_69 : memref<10240x64xf32, #tpu.memory_space<vmem_shared>>) dst(%arg8 : memref<128x64xf32, #tpu.memory_space<vmem>>)
      %mul3A_70 = arith.constant 2 : i32
      %mul3A_71 = arith.muli %mul3A_70, %scan3A_61 : i32
      "tpu.region"() ({
        %run_scoped3A_106 = tpu.sem_alloc : memref<!tpu.dma_semaphore, #tpu.memory_space<semaphore_mem>>
        %dma_start3A_107 = arith.constant 0 : i32
        %dma_start3A_108 = tpu.memref_slice %arg7[%mul3A_71, %dma_start3A_107] : memref<80x128xi32, #tpu.memory_space<vmem>> -> memref<1x128xi32, #tpu.memory_space<vmem>>
        %dma_start3A_109 = tpu.memref_squeeze %dma_start3A_108 : memref<1x128xi32, #tpu.memory_space<vmem>> -> memref<128xi32, #tpu.memory_space<vmem>>
        %dma_start3A_110 = arith.constant 0 : i32
        %dma_start3A_111 = arith.constant 0 : i32
        %dma_start3A_112 = tpu.memref_slice %arg10[%dma_start3A_110, %dma_start3A_111] : memref<10240x64xf32, #tpu.memory_space<vmem_shared>> -> memref<10240x64xf32, #tpu.memory_space<vmem_shared>>
        tpu.enqueue_indirect_dma source(%arg8 : memref<128x64xf32, #tpu.memory_space<vmem>>) target(%dma_start3A_112 : memref<10240x64xf32, #tpu.memory_space<vmem_shared>>) offsets(%dma_start3A_109 : memref<128xi32, #tpu.memory_space<vmem>>) semaphore(%run_scoped3A_106 : memref<!tpu.dma_semaphore, #tpu.memory_space<semaphore_mem>>) {add = true}
        %dma_wait3A_113 = arith.constant 0 : i32
        %dma_wait3A_114 = tpu.memref_slice %arg7[%mul3A_71, %dma_wait3A_113] : memref<80x128xi32, #tpu.memory_space<vmem>> -> memref<1x128xi32, #tpu.memory_space<vmem>>
        %dma_wait3A_115 = tpu.memref_squeeze %dma_wait3A_114 : memref<1x128xi32, #tpu.memory_space<vmem>> -> memref<128xi32, #tpu.memory_space<vmem>>
        %dma_wait3A_116 = arith.constant 0 : i32
        %dma_wait3A_117 = arith.constant 0 : i32
        %dma_wait3A_118 = tpu.memref_slice %arg10[%dma_wait3A_116, %dma_wait3A_117] : memref<10240x64xf32, #tpu.memory_space<vmem_shared>> -> memref<10240x64xf32, #tpu.memory_space<vmem_shared>>
        tpu.wait_indirect_dma semaphore(%run_scoped3A_106 : memref<!tpu.dma_semaphore, #tpu.memory_space<semaphore_mem>>) src(%arg8 : memref<128x64xf32, #tpu.memory_space<vmem>>) dst(%dma_wait3A_118 : memref<10240x64xf32, #tpu.memory_space<vmem_shared>>)
        tpu.yield
      }) : () -> ()
      %mul3A_72 = arith.constant 2 : i32
      %mul3A_73 = arith.muli %mul3A_72, %scan3A_61 : i32
      %add3A_74 = arith.constant 2 : i32
      %add3A_75 = arith.addi %mul3A_73, %add3A_74 : i32
      %dma_start3A_76 = arith.constant 0 : i32
      %dma_start3A_77 = tpu.memref_slice %arg6[%add3A_75, %dma_start3A_76] : memref<80x128xi32, #tpu.memory_space<vmem>> -> memref<1x128xi32, #tpu.memory_space<vmem>>
      %dma_start3A_78 = tpu.memref_squeeze %dma_start3A_77 : memref<1x128xi32, #tpu.memory_space<vmem>> -> memref<128xi32, #tpu.memory_space<vmem>>
      %dma_start3A_79 = arith.constant 0 : i32
      %dma_start3A_80 = arith.constant 0 : i32
      %dma_start3A_81 = tpu.memref_slice %arg13[%dma_start3A_79, %dma_start3A_80] : memref<10240x64xf32, #tpu.memory_space<vmem_shared>> -> memref<10240x64xf32, #tpu.memory_space<vmem_shared>>
      tpu.enqueue_indirect_dma source(%dma_start3A_81 : memref<10240x64xf32, #tpu.memory_space<vmem_shared>>) target(%arg8 : memref<128x64xf32, #tpu.memory_space<vmem>>) offsets(%dma_start3A_78 : memref<128xi32, #tpu.memory_space<vmem>>) semaphore(%arg11 : memref<!tpu.dma_semaphore, #tpu.memory_space<semaphore_mem>>)
      %mul3A_82 = arith.constant 2 : i32
      %mul3A_83 = arith.muli %mul3A_82, %scan3A_61 : i32
      %add3A_84 = arith.constant 1 : i32
      %add3A_85 = arith.addi %mul3A_83, %add3A_84 : i32
      %dma_wait3A_86 = arith.constant 0 : i32
      %dma_wait3A_87 = tpu.memref_slice %arg6[%add3A_85, %dma_wait3A_86] : memref<80x128xi32, #tpu.memory_space<vmem>> -> memref<1x128xi32, #tpu.memory_space<vmem>>
      %dma_wait3A_88 = tpu.memref_squeeze %dma_wait3A_87 : memref<1x128xi32, #tpu.memory_space<vmem>> -> memref<128xi32, #tpu.memory_space<vmem>>
      %dma_wait3A_89 = arith.constant 0 : i32
      %dma_wait3A_90 = arith.constant 0 : i32
      %dma_wait3A_91 = tpu.memref_slice %arg13[%dma_wait3A_89, %dma_wait3A_90] : memref<10240x64xf32, #tpu.memory_space<vmem_shared>> -> memref<10240x64xf32, #tpu.memory_space<vmem_shared>>
      tpu.wait_indirect_dma semaphore(%arg12 : memref<!tpu.dma_semaphore, #tpu.memory_space<semaphore_mem>>) src(%dma_wait3A_91 : memref<10240x64xf32, #tpu.memory_space<vmem_shared>>) dst(%arg9 : memref<128x64xf32, #tpu.memory_space<vmem>>)
      %mul3A_92 = arith.constant 2 : i32
      %mul3A_93 = arith.muli %mul3A_92, %scan3A_61 : i32
      %add3A_94 = arith.constant 1 : i32
      %add3A_95 = arith.addi %mul3A_93, %add3A_94 : i32
      "tpu.region"() ({
        %run_scoped3A_106 = tpu.sem_alloc : memref<!tpu.dma_semaphore, #tpu.memory_space<semaphore_mem>>
        %dma_start3A_107 = arith.constant 0 : i32
        %dma_start3A_108 = tpu.memref_slice %arg7[%add3A_95, %dma_start3A_107] : memref<80x128xi32, #tpu.memory_space<vmem>> -> memref<1x128xi32, #tpu.memory_space<vmem>>
        %dma_start3A_109 = tpu.memref_squeeze %dma_start3A_108 : memref<1x128xi32, #tpu.memory_space<vmem>> -> memref<128xi32, #tpu.memory_space<vmem>>
        %dma_start3A_110 = arith.constant 0 : i32
        %dma_start3A_111 = arith.constant 0 : i32
        %dma_start3A_112 = tpu.memref_slice %arg10[%dma_start3A_110, %dma_start3A_111] : memref<10240x64xf32, #tpu.memory_space<vmem_shared>> -> memref<10240x64xf32, #tpu.memory_space<vmem_shared>>
        tpu.enqueue_indirect_dma source(%arg9 : memref<128x64xf32, #tpu.memory_space<vmem>>) target(%dma_start3A_112 : memref<10240x64xf32, #tpu.memory_space<vmem_shared>>) offsets(%dma_start3A_109 : memref<128xi32, #tpu.memory_space<vmem>>) semaphore(%run_scoped3A_106 : memref<!tpu.dma_semaphore, #tpu.memory_space<semaphore_mem>>) {add = true}
        %dma_wait3A_113 = arith.constant 0 : i32
        %dma_wait3A_114 = tpu.memref_slice %arg7[%add3A_95, %dma_wait3A_113] : memref<80x128xi32, #tpu.memory_space<vmem>> -> memref<1x128xi32, #tpu.memory_space<vmem>>
        %dma_wait3A_115 = tpu.memref_squeeze %dma_wait3A_114 : memref<1x128xi32, #tpu.memory_space<vmem>> -> memref<128xi32, #tpu.memory_space<vmem>>
        %dma_wait3A_116 = arith.constant 0 : i32
        %dma_wait3A_117 = arith.constant 0 : i32
        %dma_wait3A_118 = tpu.memref_slice %arg10[%dma_wait3A_116, %dma_wait3A_117] : memref<10240x64xf32, #tpu.memory_space<vmem_shared>> -> memref<10240x64xf32, #tpu.memory_space<vmem_shared>>
        tpu.wait_indirect_dma semaphore(%run_scoped3A_106 : memref<!tpu.dma_semaphore, #tpu.memory_space<semaphore_mem>>) src(%arg9 : memref<128x64xf32, #tpu.memory_space<vmem>>) dst(%dma_wait3A_118 : memref<10240x64xf32, #tpu.memory_space<vmem_shared>>)
        tpu.yield
      }) : () -> ()
      %mul3A_96 = arith.constant 2 : i32
      %mul3A_97 = arith.muli %mul3A_96, %scan3A_61 : i32
      %add3A_98 = arith.constant 3 : i32
      %add3A_99 = arith.addi %mul3A_97, %add3A_98 : i32
      %dma_start3A_100 = arith.constant 0 : i32
      %dma_start3A_101 = tpu.memref_slice %arg6[%add3A_99, %dma_start3A_100] : memref<80x128xi32, #tpu.memory_space<vmem>> -> memref<1x128xi32, #tpu.memory_space<vmem>>
      %dma_start3A_102 = tpu.memref_squeeze %dma_start3A_101 : memref<1x128xi32, #tpu.memory_space<vmem>> -> memref<128xi32, #tpu.memory_space<vmem>>
      %dma_start3A_103 = arith.constant 0 : i32
      %dma_start3A_104 = arith.constant 0 : i32
      %dma_start3A_105 = tpu.memref_slice %arg13[%dma_start3A_103, %dma_start3A_104] : memref<10240x64xf32, #tpu.memory_space<vmem_shared>> -> memref<10240x64xf32, #tpu.memory_space<vmem_shared>>
      tpu.enqueue_indirect_dma source(%dma_start3A_105 : memref<10240x64xf32, #tpu.memory_space<vmem_shared>>) target(%arg9 : memref<128x64xf32, #tpu.memory_space<vmem>>) offsets(%dma_start3A_102 : memref<128xi32, #tpu.memory_space<vmem>>) semaphore(%arg12 : memref<!tpu.dma_semaphore, #tpu.memory_space<semaphore_mem>>)
    }
    %scan3A_39 = arith.constant 39 : i32
    %dma_wait3A = arith.constant 78 : i32
    %dma_wait3A_40 = arith.constant 0 : i32
    %dma_wait3A_41 = tpu.memref_slice %arg6[%dma_wait3A, %dma_wait3A_40] : memref<80x128xi32, #tpu.memory_space<vmem>> -> memref<1x128xi32, #tpu.memory_space<vmem>>
    %dma_wait3A_42 = tpu.memref_squeeze %dma_wait3A_41 : memref<1x128xi32, #tpu.memory_space<vmem>> -> memref<128xi32, #tpu.memory_space<vmem>>
    %dma_wait3A_43 = arith.constant 0 : i32
    %dma_wait3A_44 = arith.constant 0 : i32
    %dma_wait3A_45 = tpu.memref_slice %arg13[%dma_wait3A_43, %dma_wait3A_44] : memref<10240x64xf32, #tpu.memory_space<vmem_shared>> -> memref<10240x64xf32, #tpu.memory_space<vmem_shared>>
    tpu.wait_indirect_dma semaphore(%arg11 : memref<!tpu.dma_semaphore, #tpu.memory_space<semaphore_mem>>) src(%dma_wait3A_45 : memref<10240x64xf32, #tpu.memory_space<vmem_shared>>) dst(%arg8 : memref<128x64xf32, #tpu.memory_space<vmem>>)
    %run_scoped3A = arith.constant 78 : i32
    "tpu.region"() ({
      %run_scoped3A_61 = tpu.sem_alloc : memref<!tpu.dma_semaphore, #tpu.memory_space<semaphore_mem>>
      %dma_start3A_62 = arith.constant 0 : i32
      %dma_start3A_63 = tpu.memref_slice %arg7[%run_scoped3A, %dma_start3A_62] : memref<80x128xi32, #tpu.memory_space<vmem>> -> memref<1x128xi32, #tpu.memory_space<vmem>>
      %dma_start3A_64 = tpu.memref_squeeze %dma_start3A_63 : memref<1x128xi32, #tpu.memory_space<vmem>> -> memref<128xi32, #tpu.memory_space<vmem>>
      %dma_start3A_65 = arith.constant 0 : i32
      %dma_start3A_66 = arith.constant 0 : i32
      %dma_start3A_67 = tpu.memref_slice %arg10[%dma_start3A_65, %dma_start3A_66] : memref<10240x64xf32, #tpu.memory_space<vmem_shared>> -> memref<10240x64xf32, #tpu.memory_space<vmem_shared>>
      tpu.enqueue_indirect_dma source(%arg8 : memref<128x64xf32, #tpu.memory_space<vmem>>) target(%dma_start3A_67 : memref<10240x64xf32, #tpu.memory_space<vmem_shared>>) offsets(%dma_start3A_64 : memref<128xi32, #tpu.memory_space<vmem>>) semaphore(%run_scoped3A_61 : memref<!tpu.dma_semaphore, #tpu.memory_space<semaphore_mem>>) {add = true}
      %dma_wait3A_68 = arith.constant 0 : i32
      %dma_wait3A_69 = tpu.memref_slice %arg7[%run_scoped3A, %dma_wait3A_68] : memref<80x128xi32, #tpu.memory_space<vmem>> -> memref<1x128xi32, #tpu.memory_space<vmem>>
      %dma_wait3A_70 = tpu.memref_squeeze %dma_wait3A_69 : memref<1x128xi32, #tpu.memory_space<vmem>> -> memref<128xi32, #tpu.memory_space<vmem>>
      %dma_wait3A_71 = arith.constant 0 : i32
      %dma_wait3A_72 = arith.constant 0 : i32
      %dma_wait3A_73 = tpu.memref_slice %arg10[%dma_wait3A_71, %dma_wait3A_72] : memref<10240x64xf32, #tpu.memory_space<vmem_shared>> -> memref<10240x64xf32, #tpu.memory_space<vmem_shared>>
      tpu.wait_indirect_dma semaphore(%run_scoped3A_61 : memref<!tpu.dma_semaphore, #tpu.memory_space<semaphore_mem>>) src(%arg8 : memref<128x64xf32, #tpu.memory_space<vmem>>) dst(%dma_wait3A_73 : memref<10240x64xf32, #tpu.memory_space<vmem_shared>>)
      tpu.yield
    }) : () -> ()
    %dma_wait3A_46 = arith.constant 79 : i32
    %dma_wait3A_47 = arith.constant 0 : i32
    %dma_wait3A_48 = tpu.memref_slice %arg6[%dma_wait3A_46, %dma_wait3A_47] : memref<80x128xi32, #tpu.memory_space<vmem>> -> memref<1x128xi32, #tpu.memory_space<vmem>>
    %dma_wait3A_49 = tpu.memref_squeeze %dma_wait3A_48 : memref<1x128xi32, #tpu.memory_space<vmem>> -> memref<128xi32, #tpu.memory_space<vmem>>
    %dma_wait3A_50 = arith.constant 0 : i32
    %dma_wait3A_51 = arith.constant 0 : i32
    %dma_wait3A_52 = tpu.memref_slice %arg13[%dma_wait3A_50, %dma_wait3A_51] : memref<10240x64xf32, #tpu.memory_space<vmem_shared>> -> memref<10240x64xf32, #tpu.memory_space<vmem_shared>>
    tpu.wait_indirect_dma semaphore(%arg12 : memref<!tpu.dma_semaphore, #tpu.memory_space<semaphore_mem>>) src(%dma_wait3A_52 : memref<10240x64xf32, #tpu.memory_space<vmem_shared>>) dst(%arg9 : memref<128x64xf32, #tpu.memory_space<vmem>>)
    %run_scoped3A_53 = arith.constant 79 : i32
    "tpu.region"() ({
      %run_scoped3A_61 = tpu.sem_alloc : memref<!tpu.dma_semaphore, #tpu.memory_space<semaphore_mem>>
      %dma_start3A_62 = arith.constant 0 : i32
      %dma_start3A_63 = tpu.memref_slice %arg7[%run_scoped3A_53, %dma_start3A_62] : memref<80x128xi32, #tpu.memory_space<vmem>> -> memref<1x128xi32, #tpu.memory_space<vmem>>
      %dma_start3A_64 = tpu.memref_squeeze %dma_start3A_63 : memref<1x128xi32, #tpu.memory_space<vmem>> -> memref<128xi32, #tpu.memory_space<vmem>>
      %dma_start3A_65 = arith.constant 0 : i32
      %dma_start3A_66 = arith.constant 0 : i32
      %dma_start3A_67 = tpu.memref_slice %arg10[%dma_start3A_65, %dma_start3A_66] : memref<10240x64xf32, #tpu.memory_space<vmem_shared>> -> memref<10240x64xf32, #tpu.memory_space<vmem_shared>>
      tpu.enqueue_indirect_dma source(%arg9 : memref<128x64xf32, #tpu.memory_space<vmem>>) target(%dma_start3A_67 : memref<10240x64xf32, #tpu.memory_space<vmem_shared>>) offsets(%dma_start3A_64 : memref<128xi32, #tpu.memory_space<vmem>>) semaphore(%run_scoped3A_61 : memref<!tpu.dma_semaphore, #tpu.memory_space<semaphore_mem>>) {add = true}
      %dma_wait3A_68 = arith.constant 0 : i32
      %dma_wait3A_69 = tpu.memref_slice %arg7[%run_scoped3A_53, %dma_wait3A_68] : memref<80x128xi32, #tpu.memory_space<vmem>> -> memref<1x128xi32, #tpu.memory_space<vmem>>
      %dma_wait3A_70 = tpu.memref_squeeze %dma_wait3A_69 : memref<1x128xi32, #tpu.memory_space<vmem>> -> memref<128xi32, #tpu.memory_space<vmem>>
      %dma_wait3A_71 = arith.constant 0 : i32
      %dma_wait3A_72 = arith.constant 0 : i32
      %dma_wait3A_73 = tpu.memref_slice %arg10[%dma_wait3A_71, %dma_wait3A_72] : memref<10240x64xf32, #tpu.memory_space<vmem_shared>> -> memref<10240x64xf32, #tpu.memory_space<vmem_shared>>
      tpu.wait_indirect_dma semaphore(%run_scoped3A_61 : memref<!tpu.dma_semaphore, #tpu.memory_space<semaphore_mem>>) src(%arg9 : memref<128x64xf32, #tpu.memory_space<vmem>>) dst(%dma_wait3A_73 : memref<10240x64xf32, #tpu.memory_space<vmem_shared>>)
      tpu.yield
    }) : () -> ()
    %barrier3A_54 = arith.constant 0 : index
    tpu.barrier barrier_id(%barrier3A_54)
    %scan3A_55 = arith.constant 0 : i32
    %scan3A_56 = arith.constant 0 : i32
    %scan3A_57 = arith.constant 5 : i32
    %scan3A_58 = arith.addi %scan3A_56, %scan3A_57 : i32
    %scan3A_59 = arith.constant 1 : i32
    scf.for %scan3A_61 = %scan3A_56 to %scan3A_58 step %scan3A_59  : i32 {
      %mul3A_62 = arith.constant 640 : i32
      %mul3A_63 = arith.muli %arg1, %mul3A_62 : i32
      %mul3A_64 = arith.constant 128 : i32
      %mul3A_65 = arith.muli %scan3A_61, %mul3A_64 : i32
      %add3A_66 = arith.addi %mul3A_63, %mul3A_65 : i32
      %mul3A_67 = arith.constant 10240 : i32
      %mul3A_68 = arith.muli %arg0, %mul3A_67 : i32
      %add3A_69 = arith.addi %mul3A_68, %add3A_66 : i32
      "tpu.region"() ({
        %run_scoped3A_70 = tpu.sem_alloc : memref<!tpu.dma_semaphore, #tpu.memory_space<semaphore_mem>>
        %dma_start3A_71 = arith.constant 0 : i32
        %dma_start3A_72 = tpu.memref_slice %arg5[%add3A_69, %dma_start3A_71] : memref<20480x64xf32, #tpu.memory_space<hbm>> -> memref<128x64xf32, #tpu.memory_space<hbm>>
        %dma_start3A_73 = arith.constant 0 : i32
        %dma_start3A_74 = tpu.memref_slice %arg10[%add3A_66, %dma_start3A_73] : memref<10240x64xf32, #tpu.memory_space<vmem_shared>> -> memref<128x64xf32, #tpu.memory_space<vmem_shared>>
        tpu.enqueue_dma source(%dma_start3A_74 : memref<128x64xf32, #tpu.memory_space<vmem_shared>>) target(%dma_start3A_72 : memref<128x64xf32, #tpu.memory_space<hbm>>) target_semaphore(%run_scoped3A_70 : memref<!tpu.dma_semaphore, #tpu.memory_space<semaphore_mem>>)
        %dma_wait3A_75 = arith.constant 0 : i32
        %dma_wait3A_76 = tpu.memref_slice %arg5[%add3A_69, %dma_wait3A_75] : memref<20480x64xf32, #tpu.memory_space<hbm>> -> memref<128x64xf32, #tpu.memory_space<hbm>>
        %dma_wait3A_77 = arith.constant 0 : i32
        %dma_wait3A_78 = tpu.memref_slice %arg10[%add3A_66, %dma_wait3A_77] : memref<10240x64xf32, #tpu.memory_space<vmem_shared>> -> memref<128x64xf32, #tpu.memory_space<vmem_shared>>
        tpu.wait_dma2 semaphore(%run_scoped3A_70 : memref<!tpu.dma_semaphore, #tpu.memory_space<semaphore_mem>>) src(%dma_wait3A_78 : memref<128x64xf32, #tpu.memory_space<vmem_shared>>) dst(%dma_wait3A_76 : memref<128x64xf32, #tpu.memory_space<hbm>>)
        tpu.yield
      }) : () -> ()
    }
    %scan3A_60 = arith.constant 5 : i32
    return
  }
}

#map = affine_map<(d0, d1) -> (0, 0)>
module attributes {stable_mosaic.version = 14 : i64} {
  func.func @agg_kernel(%arg0: i32, %arg1: i32, %arg2: memref<2560x128xi32, #tpu.memory_space<hbm>>, %arg3: memref<2560x128xi32, #tpu.memory_space<hbm>>, %arg4: memref<10240x64xf32, #tpu.memory_space<hbm>>, %arg5: memref<20480x64xf32, #tpu.memory_space<hbm>>, %arg6: memref<80x128xi32, #tpu.memory_space<vmem>>, %arg7: memref<80x128xi32, #tpu.memory_space<vmem>>, %arg8: memref<128x64xf32, #tpu.memory_space<vmem>>, %arg9: memref<128x64xf32, #tpu.memory_space<vmem>>, %arg10: memref<10240x64xf32, #tpu.memory_space<vmem_shared>>, %arg11: memref<!tpu.dma_semaphore, #tpu.memory_space<semaphore_mem>>, %arg12: memref<!tpu.dma_semaphore, #tpu.memory_space<semaphore_mem>>, %arg13: memref<10240x64xf32, #tpu.memory_space<vmem_shared>>) attributes {dimension_semantics = [#tpu.dimension_semantics<core_parallel>, #tpu.dimension_semantics<subcore_parallel>], iteration_bounds = array<i64: 2, 16>, scalar_prefetch = 0 : i64, scratch_operands = 8 : i64, tpu.core_type = #tpu.core_type<sc_vector_subcore>, window_params = [{transform_indices = #map}, {transform_indices = #map}, {transform_indices = #map}, {transform_indices = #map}]} {
    %mul3A = arith.constant 2 : i32
    %mul3A_0 = arith.muli %arg1, %mul3A : i32
    %add3A = arith.addi %mul3A_0, %arg0 : i32
    %mul3A_1 = arith.constant 80 : i32
    %mul3A_2 = arith.muli %add3A, %mul3A_1 : i32
    "tpu.region"() ({
      %run_scoped3A_61 = tpu.sem_alloc : memref<!tpu.dma_semaphore, #tpu.memory_space<semaphore_mem>>
      %dma_start3A_62 = arith.constant 0 : i32
      %dma_start3A_63 = tpu.memref_slice %arg2[%mul3A_2, %dma_start3A_62] : memref<2560x128xi32, #tpu.memory_space<hbm>> -> memref<80x128xi32, #tpu.memory_space<hbm>>
      %dma_start3A_64 = arith.constant 0 : i32
      %dma_start3A_65 = tpu.memref_slice %arg2[%mul3A_2, %dma_start3A_64] : memref<2560x128xi32, #tpu.memory_space<hbm>> -> memref<80x128xi32, #tpu.memory_space<hbm>>
      tpu.enqueue_dma source(%dma_start3A_65 : memref<80x128xi32, #tpu.memory_space<hbm>>) target(%arg6 : memref<80x128xi32, #tpu.memory_space<vmem>>) target_semaphore(%run_scoped3A_61 : memref<!tpu.dma_semaphore, #tpu.memory_space<semaphore_mem>>)
      %dma_wait3A_66 = arith.constant 0 : i32
      %dma_wait3A_67 = tpu.memref_slice %arg2[%mul3A_2, %dma_wait3A_66] : memref<2560x128xi32, #tpu.memory_space<hbm>> -> memref<80x128xi32, #tpu.memory_space<hbm>>
      %dma_wait3A_68 = arith.constant 0 : i32
      %dma_wait3A_69 = tpu.memref_slice %arg2[%mul3A_2, %dma_wait3A_68] : memref<2560x128xi32, #tpu.memory_space<hbm>> -> memref<80x128xi32, #tpu.memory_space<hbm>>
      tpu.wait_dma2 semaphore(%run_scoped3A_61 : memref<!tpu.dma_semaphore, #tpu.memory_space<semaphore_mem>>) src(%dma_wait3A_69 : memref<80x128xi32, #tpu.memory_space<hbm>>) dst(%arg6 : memref<80x128xi32, #tpu.memory_space<vmem>>)
      tpu.yield
    }) : () -> ()
    %mul3A_3 = arith.constant 80 : i32
    %mul3A_4 = arith.muli %add3A, %mul3A_3 : i32
    "tpu.region"() ({
      %run_scoped3A_61 = tpu.sem_alloc : memref<!tpu.dma_semaphore, #tpu.memory_space<semaphore_mem>>
      %dma_start3A_62 = arith.constant 0 : i32
      %dma_start3A_63 = tpu.memref_slice %arg3[%mul3A_4, %dma_start3A_62] : memref<2560x128xi32, #tpu.memory_space<hbm>> -> memref<80x128xi32, #tpu.memory_space<hbm>>
      %dma_start3A_64 = arith.constant 0 : i32
      %dma_start3A_65 = tpu.memref_slice %arg3[%mul3A_4, %dma_start3A_64] : memref<2560x128xi32, #tpu.memory_space<hbm>> -> memref<80x128xi32, #tpu.memory_space<hbm>>
      tpu.enqueue_dma source(%dma_start3A_65 : memref<80x128xi32, #tpu.memory_space<hbm>>) target(%arg7 : memref<80x128xi32, #tpu.memory_space<vmem>>) target_semaphore(%run_scoped3A_61 : memref<!tpu.dma_semaphore, #tpu.memory_space<semaphore_mem>>)
      %dma_wait3A_66 = arith.constant 0 : i32
      %dma_wait3A_67 = tpu.memref_slice %arg3[%mul3A_4, %dma_wait3A_66] : memref<2560x128xi32, #tpu.memory_space<hbm>> -> memref<80x128xi32, #tpu.memory_space<hbm>>
      %dma_wait3A_68 = arith.constant 0 : i32
      %dma_wait3A_69 = tpu.memref_slice %arg3[%mul3A_4, %dma_wait3A_68] : memref<2560x128xi32, #tpu.memory_space<hbm>> -> memref<80x128xi32, #tpu.memory_space<hbm>>
      tpu.wait_dma2 semaphore(%run_scoped3A_61 : memref<!tpu.dma_semaphore, #tpu.memory_space<semaphore_mem>>) src(%dma_wait3A_69 : memref<80x128xi32, #tpu.memory_space<hbm>>) dst(%arg7 : memref<80x128xi32, #tpu.memory_space<vmem>>)
      tpu.yield
    }) : () -> ()
    %broadcast_in_dim3A = arith.constant 0.000000e+00 : f32
    %broadcast_in_dim3A_5 = vector.broadcast %broadcast_in_dim3A : f32 to vector<16xf32>
    %scan3A = arith.constant 0 : i32
    %scan3A_6 = arith.constant 0 : i32
    %scan3A_7 = arith.constant 512 : i32
    %scan3A_8 = arith.addi %scan3A_6, %scan3A_7 : i32
    %scan3A_9 = arith.constant 1 : i32
    scf.for %scan3A_61 = %scan3A_6 to %scan3A_8 step %scan3A_9  : i32 {
      %jit3A = arith.constant 4 : i32
      %div3A = arith.divsi %scan3A_61, %jit3A : i32
      %sign3A = arith.constant 0 : i32
      %sign3A_62 = arith.cmpi sgt, %scan3A_61, %sign3A : i32
      %sign3A_63 = arith.extui %sign3A_62 : i1 to i32
      %sign3A_64 = arith.constant 0 : i32
      %sign3A_65 = arith.cmpi slt, %scan3A_61, %sign3A_64 : i32
      %sign3A_66 = arith.extui %sign3A_65 : i1 to i32
      %sign3A_67 = arith.subi %sign3A_63, %sign3A_66 : i32
      %sign3A_68 = arith.constant 0 : i32
      %sign3A_69 = arith.cmpi sgt, %jit3A, %sign3A_68 : i32
      %sign3A_70 = arith.extui %sign3A_69 : i1 to i32
      %sign3A_71 = arith.constant 0 : i32
      %sign3A_72 = arith.cmpi slt, %jit3A, %sign3A_71 : i32
      %sign3A_73 = arith.extui %sign3A_72 : i1 to i32
      %sign3A_74 = arith.subi %sign3A_70, %sign3A_73 : i32
      %ne3A = arith.cmpi ne, %sign3A_67, %sign3A_74 : i32
      %rem3A = arith.remsi %scan3A_61, %jit3A : i32
      %ne3A_75 = arith.constant 0 : i32
      %ne3A_76 = arith.cmpi ne, %rem3A, %ne3A_75 : i32
      %and3A = arith.andi %ne3A, %ne3A_76 : i1
      %sub3A = arith.constant 1 : i32
      %sub3A_77 = arith.subi %div3A, %sub3A : i32
      %select_n3A = arith.select %and3A, %sub3A_77, %div3A : i32
      %jit3A_78 = arith.constant 4 : i32
      %eq3A = arith.constant 0 : i32
      %eq3A_79 = arith.cmpi eq, %jit3A_78, %eq3A : i32
      %jit3A_80 = arith.constant 1 : i32
      %select_n3A_81 = arith.select %eq3A_79, %jit3A_80, %jit3A_78 : i32
      %rem3A_82 = arith.remsi %scan3A_61, %select_n3A_81 : i32
      %ne3A_83 = arith.constant 0 : i32
      %ne3A_84 = arith.cmpi ne, %rem3A_82, %ne3A_83 : i32
      %lt3A = arith.constant 0 : i32
      %lt3A_85 = arith.cmpi slt, %rem3A_82, %lt3A : i32
      %lt3A_86 = arith.constant 0 : i32
      %lt3A_87 = arith.cmpi slt, %select_n3A_81, %lt3A_86 : i32
      %ne3A_88 = arith.xori %lt3A_85, %lt3A_87 : i1
      %and3A_89 = arith.andi %ne3A_88, %ne3A_84 : i1
      %add3A_90 = arith.addi %rem3A_82, %select_n3A_81 : i32
      %select_n3A_91 = arith.select %and3A_89, %add3A_90, %rem3A_82 : i32
      %mul3A_92 = arith.constant 16 : i32
      %mul3A_93 = arith.muli %select_n3A_91, %mul3A_92 : i32
      %swap3A = arith.index_cast %select_n3A : i32 to index
      %swap3A_94 = arith.index_cast %mul3A_93 : i32 to index
      %swap3A_95 = tpu.vector_load %arg8[%swap3A, %swap3A_94] {strides = array<i32>} : memref<128x64xf32, #tpu.memory_space<vmem>>, vector<1x16xf32>,
      %swap3A_96 = vector.shape_cast %swap3A_95 : vector<1x16xf32> to vector<16xf32>
      %swap3A_97 = vector.shape_cast %broadcast_in_dim3A_5 : vector<16xf32> to vector<1x16xf32>
      tpu.vector_store %arg8[%swap3A, %swap3A_94], %swap3A_97 {strides = array<i32>} : memref<128x64xf32, #tpu.memory_space<vmem>>, vector<1x16xf32>,
    }
    %scan3A_10 = arith.constant 512 : i32
    %scan3A_11 = arith.constant 0 : i32
    %scan3A_12 = arith.constant 0 : i32
    %scan3A_13 = arith.constant 5 : i32
    %scan3A_14 = arith.addi %scan3A_12, %scan3A_13 : i32
    %scan3A_15 = arith.constant 1 : i32
    scf.for %scan3A_61 = %scan3A_12 to %scan3A_14 step %scan3A_15  : i32 {
      %mul3A_62 = arith.constant 640 : i32
      %mul3A_63 = arith.muli %arg1, %mul3A_62 : i32
      %mul3A_64 = arith.constant 128 : i32
      %mul3A_65 = arith.muli %scan3A_61, %mul3A_64 : i32
      %add3A_66 = arith.addi %mul3A_63, %mul3A_65 : i32
      "tpu.region"() ({
        %run_scoped3A_67 = tpu.sem_alloc : memref<!tpu.dma_semaphore, #tpu.memory_space<semaphore_mem>>
        %dma_start3A_68 = arith.constant 0 : i32
        %dma_start3A_69 = tpu.memref_slice %arg10[%add3A_66, %dma_start3A_68] : memref<10240x64xf32, #tpu.memory_space<vmem_shared>> -> memref<128x64xf32, #tpu.memory_space<vmem_shared>>
        %dma_start3A_70 = arith.constant 0 : i32
        %dma_start3A_71 = tpu.memref_slice %arg10[%add3A_66, %dma_start3A_70] : memref<10240x64xf32, #tpu.memory_space<vmem_shared>> -> memref<128x64xf32, #tpu.memory_space<vmem_shared>>
        tpu.enqueue_dma source(%arg8 : memref<128x64xf32, #tpu.memory_space<vmem>>) target(%dma_start3A_71 : memref<128x64xf32, #tpu.memory_space<vmem_shared>>) target_semaphore(%run_scoped3A_67 : memref<!tpu.dma_semaphore, #tpu.memory_space<semaphore_mem>>)
        %dma_wait3A_72 = arith.constant 0 : i32
        %dma_wait3A_73 = tpu.memref_slice %arg10[%add3A_66, %dma_wait3A_72] : memref<10240x64xf32, #tpu.memory_space<vmem_shared>> -> memref<128x64xf32, #tpu.memory_space<vmem_shared>>
        %dma_wait3A_74 = arith.constant 0 : i32
        %dma_wait3A_75 = tpu.memref_slice %arg10[%add3A_66, %dma_wait3A_74] : memref<10240x64xf32, #tpu.memory_space<vmem_shared>> -> memref<128x64xf32, #tpu.memory_space<vmem_shared>>
        tpu.wait_dma2 semaphore(%run_scoped3A_67 : memref<!tpu.dma_semaphore, #tpu.memory_space<semaphore_mem>>) src(%arg8 : memref<128x64xf32, #tpu.memory_space<vmem>>) dst(%dma_wait3A_75 : memref<128x64xf32, #tpu.memory_space<vmem_shared>>)
        tpu.yield
      }) : () -> ()
    }
    %scan3A_16 = arith.constant 5 : i32
    %mul3A_17 = arith.constant 640 : i32
    %mul3A_18 = arith.muli %arg1, %mul3A_17 : i32
    %mul3A_19 = arith.constant 640 : i32
    %mul3A_20 = arith.muli %arg1, %mul3A_19 : i32
    "tpu.region"() ({
      %run_scoped3A_61 = tpu.sem_alloc : memref<!tpu.dma_semaphore, #tpu.memory_space<semaphore_mem>>
      %dma_start3A_62 = arith.constant 0 : i32
      %dma_start3A_63 = tpu.memref_slice %arg13[%mul3A_20, %dma_start3A_62] : memref<10240x64xf32, #tpu.memory_space<vmem_shared>> -> memref<640x64xf32, #tpu.memory_space<vmem_shared>>
      %dma_start3A_64 = arith.constant 0 : i32
      %dma_start3A_65 = tpu.memref_slice %arg4[%mul3A_18, %dma_start3A_64] : memref<10240x64xf32, #tpu.memory_space<hbm>> -> memref<640x64xf32, #tpu.memory_space<hbm>>
      tpu.enqueue_dma source(%dma_start3A_65 : memref<640x64xf32, #tpu.memory_space<hbm>>) target(%dma_start3A_63 : memref<640x64xf32, #tpu.memory_space<vmem_shared>>) target_semaphore(%run_scoped3A_61 : memref<!tpu.dma_semaphore, #tpu.memory_space<semaphore_mem>>)
      %dma_wait3A_66 = arith.constant 0 : i32
      %dma_wait3A_67 = tpu.memref_slice %arg13[%mul3A_20, %dma_wait3A_66] : memref<10240x64xf32, #tpu.memory_space<vmem_shared>> -> memref<640x64xf32, #tpu.memory_space<vmem_shared>>
      %dma_wait3A_68 = arith.constant 0 : i32
      %dma_wait3A_69 = tpu.memref_slice %arg4[%mul3A_18, %dma_wait3A_68] : memref<10240x64xf32, #tpu.memory_space<hbm>> -> memref<640x64xf32, #tpu.memory_space<hbm>>
      tpu.wait_dma2 semaphore(%run_scoped3A_61 : memref<!tpu.dma_semaphore, #tpu.memory_space<semaphore_mem>>) src(%dma_wait3A_69 : memref<640x64xf32, #tpu.memory_space<hbm>>) dst(%dma_wait3A_67 : memref<640x64xf32, #tpu.memory_space<vmem_shared>>)
      tpu.yield
    }) : () -> ()
    %barrier3A = arith.constant 0 : index
    tpu.barrier barrier_id(%barrier3A)
    %dma_start3A = arith.constant 0 : i32
    %dma_start3A_21 = arith.constant 0 : i32
    %dma_start3A_22 = tpu.memref_slice %arg6[%dma_start3A, %dma_start3A_21] : memref<80x128xi32, #tpu.memory_space<vmem>> -> memref<1x128xi32, #tpu.memory_space<vmem>>
    %dma_start3A_23 = tpu.memref_squeeze %dma_start3A_22 : memref<1x128xi32, #tpu.memory_space<vmem>> -> memref<128xi32, #tpu.memory_space<vmem>>
    %dma_start3A_24 = arith.constant 0 : i32
    %dma_start3A_25 = arith.constant 0 : i32
    %dma_start3A_26 = tpu.memref_slice %arg13[%dma_start3A_24, %dma_start3A_25] : memref<10240x64xf32, #tpu.memory_space<vmem_shared>> -> memref<10240x64xf32, #tpu.memory_space<vmem_shared>>
    tpu.enqueue_indirect_dma source(%dma_start3A_26 : memref<10240x64xf32, #tpu.memory_space<vmem_shared>>) target(%arg8 : memref<128x64xf32, #tpu.memory_space<vmem>>) offsets(%dma_start3A_23 : memref<128xi32, #tpu.memory_space<vmem>>) semaphore(%arg11 : memref<!tpu.dma_semaphore, #tpu.memory_space<semaphore_mem>>)
    %dma_start3A_27 = arith.constant 1 : i32
    %dma_start3A_28 = arith.constant 0 : i32
    %dma_start3A_29 = tpu.memref_slice %arg6[%dma_start3A_27, %dma_start3A_28] : memref<80x128xi32, #tpu.memory_space<vmem>> -> memref<1x128xi32, #tpu.memory_space<vmem>>
    %dma_start3A_30 = tpu.memref_squeeze %dma_start3A_29 : memref<1x128xi32, #tpu.memory_space<vmem>> -> memref<128xi32, #tpu.memory_space<vmem>>
    %dma_start3A_31 = arith.constant 0 : i32
    %dma_start3A_32 = arith.constant 0 : i32
    %dma_start3A_33 = tpu.memref_slice %arg13[%dma_start3A_31, %dma_start3A_32] : memref<10240x64xf32, #tpu.memory_space<vmem_shared>> -> memref<10240x64xf32, #tpu.memory_space<vmem_shared>>
    tpu.enqueue_indirect_dma source(%dma_start3A_33 : memref<10240x64xf32, #tpu.memory_space<vmem_shared>>) target(%arg9 : memref<128x64xf32, #tpu.memory_space<vmem>>) offsets(%dma_start3A_30 : memref<128xi32, #tpu.memory_space<vmem>>) semaphore(%arg12 : memref<!tpu.dma_semaphore, #tpu.memory_space<semaphore_mem>>)
    %scan3A_34 = arith.constant 0 : i32
    %scan3A_35 = arith.constant 0 : i32
    %scan3A_36 = arith.constant 39 : i32
    %scan3A_37 = arith.addi %scan3A_35, %scan3A_36 : i32
    %scan3A_38 = arith.constant 1 : i32
    scf.for %scan3A_61 = %scan3A_35 to %scan3A_37 step %scan3A_38  : i32 {
      %mul3A_62 = arith.constant 2 : i32
      %mul3A_63 = arith.muli %mul3A_62, %scan3A_61 : i32
      %dma_wait3A_64 = arith.constant 0 : i32
      %dma_wait3A_65 = tpu.memref_slice %arg6[%mul3A_63, %dma_wait3A_64] : memref<80x128xi32, #tpu.memory_space<vmem>> -> memref<1x128xi32, #tpu.memory_space<vmem>>
      %dma_wait3A_66 = tpu.memref_squeeze %dma_wait3A_65 : memref<1x128xi32, #tpu.memory_space<vmem>> -> memref<128xi32, #tpu.memory_space<vmem>>
      %dma_wait3A_67 = arith.constant 0 : i32
      %dma_wait3A_68 = arith.constant 0 : i32
      %dma_wait3A_69 = tpu.memref_slice %arg13[%dma_wait3A_67, %dma_wait3A_68] : memref<10240x64xf32, #tpu.memory_space<vmem_shared>> -> memref<10240x64xf32, #tpu.memory_space<vmem_shared>>
      tpu.wait_indirect_dma semaphore(%arg11 : memref<!tpu.dma_semaphore, #tpu.memory_space<semaphore_mem>>) src(%dma_wait3A_69 : memref<10240x64xf32, #tpu.memory_space<vmem_shared>>) dst(%arg8 : memref<128x64xf32, #tpu.memory_space<vmem>>)
      %mul3A_70 = arith.constant 2 : i32
      %mul3A_71 = arith.muli %mul3A_70, %scan3A_61 : i32
      "tpu.region"() ({
        %run_scoped3A_106 = tpu.sem_alloc : memref<!tpu.dma_semaphore, #tpu.memory_space<semaphore_mem>>
        %dma_start3A_107 = arith.constant 0 : i32
        %dma_start3A_108 = tpu.memref_slice %arg7[%mul3A_71, %dma_start3A_107] : memref<80x128xi32, #tpu.memory_space<vmem>> -> memref<1x128xi32, #tpu.memory_space<vmem>>
        %dma_start3A_109 = tpu.memref_squeeze %dma_start3A_108 : memref<1x128xi32, #tpu.memory_space<vmem>> -> memref<128xi32, #tpu.memory_space<vmem>>
        %dma_start3A_110 = arith.constant 0 : i32
        %dma_start3A_111 = arith.constant 0 : i32
        %dma_start3A_112 = tpu.memref_slice %arg10[%dma_start3A_110, %dma_start3A_111] : memref<10240x64xf32, #tpu.memory_space<vmem_shared>> -> memref<10240x64xf32, #tpu.memory_space<vmem_shared>>
        tpu.enqueue_indirect_dma source(%arg8 : memref<128x64xf32, #tpu.memory_space<vmem>>) target(%dma_start3A_112 : memref<10240x64xf32, #tpu.memory_space<vmem_shared>>) offsets(%dma_start3A_109 : memref<128xi32, #tpu.memory_space<vmem>>) semaphore(%run_scoped3A_106 : memref<!tpu.dma_semaphore, #tpu.memory_space<semaphore_mem>>) {add = true}
        %dma_wait3A_113 = arith.constant 0 : i32
        %dma_wait3A_114 = tpu.memref_slice %arg7[%mul3A_71, %dma_wait3A_113] : memref<80x128xi32, #tpu.memory_space<vmem>> -> memref<1x128xi32, #tpu.memory_space<vmem>>
        %dma_wait3A_115 = tpu.memref_squeeze %dma_wait3A_114 : memref<1x128xi32, #tpu.memory_space<vmem>> -> memref<128xi32, #tpu.memory_space<vmem>>
        %dma_wait3A_116 = arith.constant 0 : i32
        %dma_wait3A_117 = arith.constant 0 : i32
        %dma_wait3A_118 = tpu.memref_slice %arg10[%dma_wait3A_116, %dma_wait3A_117] : memref<10240x64xf32, #tpu.memory_space<vmem_shared>> -> memref<10240x64xf32, #tpu.memory_space<vmem_shared>>
        tpu.wait_indirect_dma semaphore(%run_scoped3A_106 : memref<!tpu.dma_semaphore, #tpu.memory_space<semaphore_mem>>) src(%arg8 : memref<128x64xf32, #tpu.memory_space<vmem>>) dst(%dma_wait3A_118 : memref<10240x64xf32, #tpu.memory_space<vmem_shared>>)
        tpu.yield
      }) : () -> ()
      %mul3A_72 = arith.constant 2 : i32
      %mul3A_73 = arith.muli %mul3A_72, %scan3A_61 : i32
      %add3A_74 = arith.constant 2 : i32
      %add3A_75 = arith.addi %mul3A_73, %add3A_74 : i32
      %dma_start3A_76 = arith.constant 0 : i32
      %dma_start3A_77 = tpu.memref_slice %arg6[%add3A_75, %dma_start3A_76] : memref<80x128xi32, #tpu.memory_space<vmem>> -> memref<1x128xi32, #tpu.memory_space<vmem>>
      %dma_start3A_78 = tpu.memref_squeeze %dma_start3A_77 : memref<1x128xi32, #tpu.memory_space<vmem>> -> memref<128xi32, #tpu.memory_space<vmem>>
      %dma_start3A_79 = arith.constant 0 : i32
      %dma_start3A_80 = arith.constant 0 : i32
      %dma_start3A_81 = tpu.memref_slice %arg13[%dma_start3A_79, %dma_start3A_80] : memref<10240x64xf32, #tpu.memory_space<vmem_shared>> -> memref<10240x64xf32, #tpu.memory_space<vmem_shared>>
      tpu.enqueue_indirect_dma source(%dma_start3A_81 : memref<10240x64xf32, #tpu.memory_space<vmem_shared>>) target(%arg8 : memref<128x64xf32, #tpu.memory_space<vmem>>) offsets(%dma_start3A_78 : memref<128xi32, #tpu.memory_space<vmem>>) semaphore(%arg11 : memref<!tpu.dma_semaphore, #tpu.memory_space<semaphore_mem>>)
      %mul3A_82 = arith.constant 2 : i32
      %mul3A_83 = arith.muli %mul3A_82, %scan3A_61 : i32
      %add3A_84 = arith.constant 1 : i32
      %add3A_85 = arith.addi %mul3A_83, %add3A_84 : i32
      %dma_wait3A_86 = arith.constant 0 : i32
      %dma_wait3A_87 = tpu.memref_slice %arg6[%add3A_85, %dma_wait3A_86] : memref<80x128xi32, #tpu.memory_space<vmem>> -> memref<1x128xi32, #tpu.memory_space<vmem>>
      %dma_wait3A_88 = tpu.memref_squeeze %dma_wait3A_87 : memref<1x128xi32, #tpu.memory_space<vmem>> -> memref<128xi32, #tpu.memory_space<vmem>>
      %dma_wait3A_89 = arith.constant 0 : i32
      %dma_wait3A_90 = arith.constant 0 : i32
      %dma_wait3A_91 = tpu.memref_slice %arg13[%dma_wait3A_89, %dma_wait3A_90] : memref<10240x64xf32, #tpu.memory_space<vmem_shared>> -> memref<10240x64xf32, #tpu.memory_space<vmem_shared>>
      tpu.wait_indirect_dma semaphore(%arg12 : memref<!tpu.dma_semaphore, #tpu.memory_space<semaphore_mem>>) src(%dma_wait3A_91 : memref<10240x64xf32, #tpu.memory_space<vmem_shared>>) dst(%arg9 : memref<128x64xf32, #tpu.memory_space<vmem>>)
      %mul3A_92 = arith.constant 2 : i32
      %mul3A_93 = arith.muli %mul3A_92, %scan3A_61 : i32
      %add3A_94 = arith.constant 1 : i32
      %add3A_95 = arith.addi %mul3A_93, %add3A_94 : i32
      "tpu.region"() ({
        %run_scoped3A_106 = tpu.sem_alloc : memref<!tpu.dma_semaphore, #tpu.memory_space<semaphore_mem>>
        %dma_start3A_107 = arith.constant 0 : i32
        %dma_start3A_108 = tpu.memref_slice %arg7[%add3A_95, %dma_start3A_107] : memref<80x128xi32, #tpu.memory_space<vmem>> -> memref<1x128xi32, #tpu.memory_space<vmem>>
        %dma_start3A_109 = tpu.memref_squeeze %dma_start3A_108 : memref<1x128xi32, #tpu.memory_space<vmem>> -> memref<128xi32, #tpu.memory_space<vmem>>
        %dma_start3A_110 = arith.constant 0 : i32
        %dma_start3A_111 = arith.constant 0 : i32
        %dma_start3A_112 = tpu.memref_slice %arg10[%dma_start3A_110, %dma_start3A_111] : memref<10240x64xf32, #tpu.memory_space<vmem_shared>> -> memref<10240x64xf32, #tpu.memory_space<vmem_shared>>
        tpu.enqueue_indirect_dma source(%arg9 : memref<128x64xf32, #tpu.memory_space<vmem>>) target(%dma_start3A_112 : memref<10240x64xf32, #tpu.memory_space<vmem_shared>>) offsets(%dma_start3A_109 : memref<128xi32, #tpu.memory_space<vmem>>) semaphore(%run_scoped3A_106 : memref<!tpu.dma_semaphore, #tpu.memory_space<semaphore_mem>>) {add = true}
        %dma_wait3A_113 = arith.constant 0 : i32
        %dma_wait3A_114 = tpu.memref_slice %arg7[%add3A_95, %dma_wait3A_113] : memref<80x128xi32, #tpu.memory_space<vmem>> -> memref<1x128xi32, #tpu.memory_space<vmem>>
        %dma_wait3A_115 = tpu.memref_squeeze %dma_wait3A_114 : memref<1x128xi32, #tpu.memory_space<vmem>> -> memref<128xi32, #tpu.memory_space<vmem>>
        %dma_wait3A_116 = arith.constant 0 : i32
        %dma_wait3A_117 = arith.constant 0 : i32
        %dma_wait3A_118 = tpu.memref_slice %arg10[%dma_wait3A_116, %dma_wait3A_117] : memref<10240x64xf32, #tpu.memory_space<vmem_shared>> -> memref<10240x64xf32, #tpu.memory_space<vmem_shared>>
        tpu.wait_indirect_dma semaphore(%run_scoped3A_106 : memref<!tpu.dma_semaphore, #tpu.memory_space<semaphore_mem>>) src(%arg9 : memref<128x64xf32, #tpu.memory_space<vmem>>) dst(%dma_wait3A_118 : memref<10240x64xf32, #tpu.memory_space<vmem_shared>>)
        tpu.yield
      }) : () -> ()
      %mul3A_96 = arith.constant 2 : i32
      %mul3A_97 = arith.muli %mul3A_96, %scan3A_61 : i32
      %add3A_98 = arith.constant 3 : i32
      %add3A_99 = arith.addi %mul3A_97, %add3A_98 : i32
      %dma_start3A_100 = arith.constant 0 : i32
      %dma_start3A_101 = tpu.memref_slice %arg6[%add3A_99, %dma_start3A_100] : memref<80x128xi32, #tpu.memory_space<vmem>> -> memref<1x128xi32, #tpu.memory_space<vmem>>
      %dma_start3A_102 = tpu.memref_squeeze %dma_start3A_101 : memref<1x128xi32, #tpu.memory_space<vmem>> -> memref<128xi32, #tpu.memory_space<vmem>>
      %dma_start3A_103 = arith.constant 0 : i32
      %dma_start3A_104 = arith.constant 0 : i32
      %dma_start3A_105 = tpu.memref_slice %arg13[%dma_start3A_103, %dma_start3A_104] : memref<10240x64xf32, #tpu.memory_space<vmem_shared>> -> memref<10240x64xf32, #tpu.memory_space<vmem_shared>>
      tpu.enqueue_indirect_dma source(%dma_start3A_105 : memref<10240x64xf32, #tpu.memory_space<vmem_shared>>) target(%arg9 : memref<128x64xf32, #tpu.memory_space<vmem>>) offsets(%dma_start3A_102 : memref<128xi32, #tpu.memory_space<vmem>>) semaphore(%arg12 : memref<!tpu.dma_semaphore, #tpu.memory_space<semaphore_mem>>)
    }
    %scan3A_39 = arith.constant 39 : i32
    %dma_wait3A = arith.constant 78 : i32
    %dma_wait3A_40 = arith.constant 0 : i32
    %dma_wait3A_41 = tpu.memref_slice %arg6[%dma_wait3A, %dma_wait3A_40] : memref<80x128xi32, #tpu.memory_space<vmem>> -> memref<1x128xi32, #tpu.memory_space<vmem>>
    %dma_wait3A_42 = tpu.memref_squeeze %dma_wait3A_41 : memref<1x128xi32, #tpu.memory_space<vmem>> -> memref<128xi32, #tpu.memory_space<vmem>>
    %dma_wait3A_43 = arith.constant 0 : i32
    %dma_wait3A_44 = arith.constant 0 : i32
    %dma_wait3A_45 = tpu.memref_slice %arg13[%dma_wait3A_43, %dma_wait3A_44] : memref<10240x64xf32, #tpu.memory_space<vmem_shared>> -> memref<10240x64xf32, #tpu.memory_space<vmem_shared>>
    tpu.wait_indirect_dma semaphore(%arg11 : memref<!tpu.dma_semaphore, #tpu.memory_space<semaphore_mem>>) src(%dma_wait3A_45 : memref<10240x64xf32, #tpu.memory_space<vmem_shared>>) dst(%arg8 : memref<128x64xf32, #tpu.memory_space<vmem>>)
    %run_scoped3A = arith.constant 78 : i32
    "tpu.region"() ({
      %run_scoped3A_61 = tpu.sem_alloc : memref<!tpu.dma_semaphore, #tpu.memory_space<semaphore_mem>>
      %dma_start3A_62 = arith.constant 0 : i32
      %dma_start3A_63 = tpu.memref_slice %arg7[%run_scoped3A, %dma_start3A_62] : memref<80x128xi32, #tpu.memory_space<vmem>> -> memref<1x128xi32, #tpu.memory_space<vmem>>
      %dma_start3A_64 = tpu.memref_squeeze %dma_start3A_63 : memref<1x128xi32, #tpu.memory_space<vmem>> -> memref<128xi32, #tpu.memory_space<vmem>>
      %dma_start3A_65 = arith.constant 0 : i32
      %dma_start3A_66 = arith.constant 0 : i32
      %dma_start3A_67 = tpu.memref_slice %arg10[%dma_start3A_65, %dma_start3A_66] : memref<10240x64xf32, #tpu.memory_space<vmem_shared>> -> memref<10240x64xf32, #tpu.memory_space<vmem_shared>>
      tpu.enqueue_indirect_dma source(%arg8 : memref<128x64xf32, #tpu.memory_space<vmem>>) target(%dma_start3A_67 : memref<10240x64xf32, #tpu.memory_space<vmem_shared>>) offsets(%dma_start3A_64 : memref<128xi32, #tpu.memory_space<vmem>>) semaphore(%run_scoped3A_61 : memref<!tpu.dma_semaphore, #tpu.memory_space<semaphore_mem>>) {add = true}
      %dma_wait3A_68 = arith.constant 0 : i32
      %dma_wait3A_69 = tpu.memref_slice %arg7[%run_scoped3A, %dma_wait3A_68] : memref<80x128xi32, #tpu.memory_space<vmem>> -> memref<1x128xi32, #tpu.memory_space<vmem>>
      %dma_wait3A_70 = tpu.memref_squeeze %dma_wait3A_69 : memref<1x128xi32, #tpu.memory_space<vmem>> -> memref<128xi32, #tpu.memory_space<vmem>>
      %dma_wait3A_71 = arith.constant 0 : i32
      %dma_wait3A_72 = arith.constant 0 : i32
      %dma_wait3A_73 = tpu.memref_slice %arg10[%dma_wait3A_71, %dma_wait3A_72] : memref<10240x64xf32, #tpu.memory_space<vmem_shared>> -> memref<10240x64xf32, #tpu.memory_space<vmem_shared>>
      tpu.wait_indirect_dma semaphore(%run_scoped3A_61 : memref<!tpu.dma_semaphore, #tpu.memory_space<semaphore_mem>>) src(%arg8 : memref<128x64xf32, #tpu.memory_space<vmem>>) dst(%dma_wait3A_73 : memref<10240x64xf32, #tpu.memory_space<vmem_shared>>)
      tpu.yield
    }) : () -> ()
    %dma_wait3A_46 = arith.constant 79 : i32
    %dma_wait3A_47 = arith.constant 0 : i32
    %dma_wait3A_48 = tpu.memref_slice %arg6[%dma_wait3A_46, %dma_wait3A_47] : memref<80x128xi32, #tpu.memory_space<vmem>> -> memref<1x128xi32, #tpu.memory_space<vmem>>
    %dma_wait3A_49 = tpu.memref_squeeze %dma_wait3A_48 : memref<1x128xi32, #tpu.memory_space<vmem>> -> memref<128xi32, #tpu.memory_space<vmem>>
    %dma_wait3A_50 = arith.constant 0 : i32
    %dma_wait3A_51 = arith.constant 0 : i32
    %dma_wait3A_52 = tpu.memref_slice %arg13[%dma_wait3A_50, %dma_wait3A_51] : memref<10240x64xf32, #tpu.memory_space<vmem_shared>> -> memref<10240x64xf32, #tpu.memory_space<vmem_shared>>
    tpu.wait_indirect_dma semaphore(%arg12 : memref<!tpu.dma_semaphore, #tpu.memory_space<semaphore_mem>>) src(%dma_wait3A_52 : memref<10240x64xf32, #tpu.memory_space<vmem_shared>>) dst(%arg9 : memref<128x64xf32, #tpu.memory_space<vmem>>)
    %run_scoped3A_53 = arith.constant 79 : i32
    "tpu.region"() ({
      %run_scoped3A_61 = tpu.sem_alloc : memref<!tpu.dma_semaphore, #tpu.memory_space<semaphore_mem>>
      %dma_start3A_62 = arith.constant 0 : i32
      %dma_start3A_63 = tpu.memref_slice %arg7[%run_scoped3A_53, %dma_start3A_62] : memref<80x128xi32, #tpu.memory_space<vmem>> -> memref<1x128xi32, #tpu.memory_space<vmem>>
      %dma_start3A_64 = tpu.memref_squeeze %dma_start3A_63 : memref<1x128xi32, #tpu.memory_space<vmem>> -> memref<128xi32, #tpu.memory_space<vmem>>
      %dma_start3A_65 = arith.constant 0 : i32
      %dma_start3A_66 = arith.constant 0 : i32
      %dma_start3A_67 = tpu.memref_slice %arg10[%dma_start3A_65, %dma_start3A_66] : memref<10240x64xf32, #tpu.memory_space<vmem_shared>> -> memref<10240x64xf32, #tpu.memory_space<vmem_shared>>
      tpu.enqueue_indirect_dma source(%arg9 : memref<128x64xf32, #tpu.memory_space<vmem>>) target(%dma_start3A_67 : memref<10240x64xf32, #tpu.memory_space<vmem_shared>>) offsets(%dma_start3A_64 : memref<128xi32, #tpu.memory_space<vmem>>) semaphore(%run_scoped3A_61 : memref<!tpu.dma_semaphore, #tpu.memory_space<semaphore_mem>>) {add = true}
      %dma_wait3A_68 = arith.constant 0 : i32
      %dma_wait3A_69 = tpu.memref_slice %arg7[%run_scoped3A_53, %dma_wait3A_68] : memref<80x128xi32, #tpu.memory_space<vmem>> -> memref<1x128xi32, #tpu.memory_space<vmem>>
      %dma_wait3A_70 = tpu.memref_squeeze %dma_wait3A_69 : memref<1x128xi32, #tpu.memory_space<vmem>> -> memref<128xi32, #tpu.memory_space<vmem>>
      %dma_wait3A_71 = arith.constant 0 : i32
      %dma_wait3A_72 = arith.constant 0 : i32
      %dma_wait3A_73 = tpu.memref_slice %arg10[%dma_wait3A_71, %dma_wait3A_72] : memref<10240x64xf32, #tpu.memory_space<vmem_shared>> -> memref<10240x64xf32, #tpu.memory_space<vmem_shared>>
      tpu.wait_indirect_dma semaphore(%run_scoped3A_61 : memref<!tpu.dma_semaphore, #tpu.memory_space<semaphore_mem>>) src(%arg9 : memref<128x64xf32, #tpu.memory_space<vmem>>) dst(%dma_wait3A_73 : memref<10240x64xf32, #tpu.memory_space<vmem_shared>>)
      tpu.yield
    }) : () -> ()
    %barrier3A_54 = arith.constant 0 : index
    tpu.barrier barrier_id(%barrier3A_54)
    %scan3A_55 = arith.constant 0 : i32
    %scan3A_56 = arith.constant 0 : i32
    %scan3A_57 = arith.constant 5 : i32
    %scan3A_58 = arith.addi %scan3A_56, %scan3A_57 : i32
    %scan3A_59 = arith.constant 1 : i32
    scf.for %scan3A_61 = %scan3A_56 to %scan3A_58 step %scan3A_59  : i32 {
      %mul3A_62 = arith.constant 640 : i32
      %mul3A_63 = arith.muli %arg1, %mul3A_62 : i32
      %mul3A_64 = arith.constant 128 : i32
      %mul3A_65 = arith.muli %scan3A_61, %mul3A_64 : i32
      %add3A_66 = arith.addi %mul3A_63, %mul3A_65 : i32
      %mul3A_67 = arith.constant 10240 : i32
      %mul3A_68 = arith.muli %arg0, %mul3A_67 : i32
      %add3A_69 = arith.addi %mul3A_68, %add3A_66 : i32
      "tpu.region"() ({
        %run_scoped3A_70 = tpu.sem_alloc : memref<!tpu.dma_semaphore, #tpu.memory_space<semaphore_mem>>
        %dma_start3A_71 = arith.constant 0 : i32
        %dma_start3A_72 = tpu.memref_slice %arg5[%add3A_69, %dma_start3A_71] : memref<20480x64xf32, #tpu.memory_space<hbm>> -> memref<128x64xf32, #tpu.memory_space<hbm>>
        %dma_start3A_73 = arith.constant 0 : i32
        %dma_start3A_74 = tpu.memref_slice %arg10[%add3A_66, %dma_start3A_73] : memref<10240x64xf32, #tpu.memory_space<vmem_shared>> -> memref<128x64xf32, #tpu.memory_space<vmem_shared>>
        tpu.enqueue_dma source(%dma_start3A_74 : memref<128x64xf32, #tpu.memory_space<vmem_shared>>) target(%dma_start3A_72 : memref<128x64xf32, #tpu.memory_space<hbm>>) target_semaphore(%run_scoped3A_70 : memref<!tpu.dma_semaphore, #tpu.memory_space<semaphore_mem>>)
        %dma_wait3A_75 = arith.constant 0 : i32
        %dma_wait3A_76 = tpu.memref_slice %arg5[%add3A_69, %dma_wait3A_75] : memref<20480x64xf32, #tpu.memory_space<hbm>> -> memref<128x64xf32, #tpu.memory_space<hbm>>
        %dma_wait3A_77 = arith.constant 0 : i32
        %dma_wait3A_78 = tpu.memref_slice %arg10[%add3A_66, %dma_wait3A_77] : memref<10240x64xf32, #tpu.memory_space<vmem_shared>> -> memref<128x64xf32, #tpu.memory_space<vmem_shared>>
        tpu.wait_dma2 semaphore(%run_scoped3A_70 : memref<!tpu.dma_semaphore, #tpu.memory_space<semaphore_mem>>) src(%dma_wait3A_78 : memref<128x64xf32, #tpu.memory_space<vmem_shared>>) dst(%dma_wait3A_76 : memref<128x64xf32, #tpu.memory_space<hbm>>)
        tpu.yield
      }) : () -> ()
    }
    %scan3A_60 = arith.constant 5 : i32
    return
  }
}

#map = affine_map<(d0, d1) -> (0, 0)>
module attributes {stable_mosaic.version = 14 : i64} {
  func.func @agg_kernel(%arg0: i32, %arg1: i32, %arg2: memref<2560x128xi32, #tpu.memory_space<hbm>>, %arg3: memref<2560x128xi32, #tpu.memory_space<hbm>>, %arg4: memref<10240x64xf32, #tpu.memory_space<hbm>>, %arg5: memref<20480x64xf32, #tpu.memory_space<hbm>>, %arg6: memref<80x128xi32, #tpu.memory_space<vmem>>, %arg7: memref<80x128xi32, #tpu.memory_space<vmem>>, %arg8: memref<128x64xf32, #tpu.memory_space<vmem>>, %arg9: memref<128x64xf32, #tpu.memory_space<vmem>>, %arg10: memref<10240x64xf32, #tpu.memory_space<vmem_shared>>, %arg11: memref<!tpu.dma_semaphore, #tpu.memory_space<semaphore_mem>>, %arg12: memref<!tpu.dma_semaphore, #tpu.memory_space<semaphore_mem>>, %arg13: memref<10240x64xf32, #tpu.memory_space<vmem_shared>>) attributes {dimension_semantics = [#tpu.dimension_semantics<core_parallel>, #tpu.dimension_semantics<subcore_parallel>], iteration_bounds = array<i64: 2, 16>, scalar_prefetch = 0 : i64, scratch_operands = 8 : i64, tpu.core_type = #tpu.core_type<sc_vector_subcore>, window_params = [{transform_indices = #map}, {transform_indices = #map}, {transform_indices = #map}, {transform_indices = #map}]} {
    %mul3A = arith.constant 2 : i32
    %mul3A_0 = arith.muli %arg1, %mul3A : i32
    %add3A = arith.addi %mul3A_0, %arg0 : i32
    %mul3A_1 = arith.constant 80 : i32
    %mul3A_2 = arith.muli %add3A, %mul3A_1 : i32
    "tpu.region"() ({
      %run_scoped3A_61 = tpu.sem_alloc : memref<!tpu.dma_semaphore, #tpu.memory_space<semaphore_mem>>
      %dma_start3A_62 = arith.constant 0 : i32
      %dma_start3A_63 = tpu.memref_slice %arg2[%mul3A_2, %dma_start3A_62] : memref<2560x128xi32, #tpu.memory_space<hbm>> -> memref<80x128xi32, #tpu.memory_space<hbm>>
      %dma_start3A_64 = arith.constant 0 : i32
      %dma_start3A_65 = tpu.memref_slice %arg2[%mul3A_2, %dma_start3A_64] : memref<2560x128xi32, #tpu.memory_space<hbm>> -> memref<80x128xi32, #tpu.memory_space<hbm>>
      tpu.enqueue_dma source(%dma_start3A_65 : memref<80x128xi32, #tpu.memory_space<hbm>>) target(%arg6 : memref<80x128xi32, #tpu.memory_space<vmem>>) target_semaphore(%run_scoped3A_61 : memref<!tpu.dma_semaphore, #tpu.memory_space<semaphore_mem>>)
      %dma_wait3A_66 = arith.constant 0 : i32
      %dma_wait3A_67 = tpu.memref_slice %arg2[%mul3A_2, %dma_wait3A_66] : memref<2560x128xi32, #tpu.memory_space<hbm>> -> memref<80x128xi32, #tpu.memory_space<hbm>>
      %dma_wait3A_68 = arith.constant 0 : i32
      %dma_wait3A_69 = tpu.memref_slice %arg2[%mul3A_2, %dma_wait3A_68] : memref<2560x128xi32, #tpu.memory_space<hbm>> -> memref<80x128xi32, #tpu.memory_space<hbm>>
      tpu.wait_dma2 semaphore(%run_scoped3A_61 : memref<!tpu.dma_semaphore, #tpu.memory_space<semaphore_mem>>) src(%dma_wait3A_69 : memref<80x128xi32, #tpu.memory_space<hbm>>) dst(%arg6 : memref<80x128xi32, #tpu.memory_space<vmem>>)
      tpu.yield
    }) : () -> ()
    %mul3A_3 = arith.constant 80 : i32
    %mul3A_4 = arith.muli %add3A, %mul3A_3 : i32
    "tpu.region"() ({
      %run_scoped3A_61 = tpu.sem_alloc : memref<!tpu.dma_semaphore, #tpu.memory_space<semaphore_mem>>
      %dma_start3A_62 = arith.constant 0 : i32
      %dma_start3A_63 = tpu.memref_slice %arg3[%mul3A_4, %dma_start3A_62] : memref<2560x128xi32, #tpu.memory_space<hbm>> -> memref<80x128xi32, #tpu.memory_space<hbm>>
      %dma_start3A_64 = arith.constant 0 : i32
      %dma_start3A_65 = tpu.memref_slice %arg3[%mul3A_4, %dma_start3A_64] : memref<2560x128xi32, #tpu.memory_space<hbm>> -> memref<80x128xi32, #tpu.memory_space<hbm>>
      tpu.enqueue_dma source(%dma_start3A_65 : memref<80x128xi32, #tpu.memory_space<hbm>>) target(%arg7 : memref<80x128xi32, #tpu.memory_space<vmem>>) target_semaphore(%run_scoped3A_61 : memref<!tpu.dma_semaphore, #tpu.memory_space<semaphore_mem>>)
      %dma_wait3A_66 = arith.constant 0 : i32
      %dma_wait3A_67 = tpu.memref_slice %arg3[%mul3A_4, %dma_wait3A_66] : memref<2560x128xi32, #tpu.memory_space<hbm>> -> memref<80x128xi32, #tpu.memory_space<hbm>>
      %dma_wait3A_68 = arith.constant 0 : i32
      %dma_wait3A_69 = tpu.memref_slice %arg3[%mul3A_4, %dma_wait3A_68] : memref<2560x128xi32, #tpu.memory_space<hbm>> -> memref<80x128xi32, #tpu.memory_space<hbm>>
      tpu.wait_dma2 semaphore(%run_scoped3A_61 : memref<!tpu.dma_semaphore, #tpu.memory_space<semaphore_mem>>) src(%dma_wait3A_69 : memref<80x128xi32, #tpu.memory_space<hbm>>) dst(%arg7 : memref<80x128xi32, #tpu.memory_space<vmem>>)
      tpu.yield
    }) : () -> ()
    %broadcast_in_dim3A = arith.constant 0.000000e+00 : f32
    %broadcast_in_dim3A_5 = vector.broadcast %broadcast_in_dim3A : f32 to vector<16xf32>
    %scan3A = arith.constant 0 : i32
    %scan3A_6 = arith.constant 0 : i32
    %scan3A_7 = arith.constant 512 : i32
    %scan3A_8 = arith.addi %scan3A_6, %scan3A_7 : i32
    %scan3A_9 = arith.constant 1 : i32
    scf.for %scan3A_61 = %scan3A_6 to %scan3A_8 step %scan3A_9  : i32 {
      %jit3A = arith.constant 4 : i32
      %div3A = arith.divsi %scan3A_61, %jit3A : i32
      %sign3A = arith.constant 0 : i32
      %sign3A_62 = arith.cmpi sgt, %scan3A_61, %sign3A : i32
      %sign3A_63 = arith.extui %sign3A_62 : i1 to i32
      %sign3A_64 = arith.constant 0 : i32
      %sign3A_65 = arith.cmpi slt, %scan3A_61, %sign3A_64 : i32
      %sign3A_66 = arith.extui %sign3A_65 : i1 to i32
      %sign3A_67 = arith.subi %sign3A_63, %sign3A_66 : i32
      %sign3A_68 = arith.constant 0 : i32
      %sign3A_69 = arith.cmpi sgt, %jit3A, %sign3A_68 : i32
      %sign3A_70 = arith.extui %sign3A_69 : i1 to i32
      %sign3A_71 = arith.constant 0 : i32
      %sign3A_72 = arith.cmpi slt, %jit3A, %sign3A_71 : i32
      %sign3A_73 = arith.extui %sign3A_72 : i1 to i32
      %sign3A_74 = arith.subi %sign3A_70, %sign3A_73 : i32
      %ne3A = arith.cmpi ne, %sign3A_67, %sign3A_74 : i32
      %rem3A = arith.remsi %scan3A_61, %jit3A : i32
      %ne3A_75 = arith.constant 0 : i32
      %ne3A_76 = arith.cmpi ne, %rem3A, %ne3A_75 : i32
      %and3A = arith.andi %ne3A, %ne3A_76 : i1
      %sub3A = arith.constant 1 : i32
      %sub3A_77 = arith.subi %div3A, %sub3A : i32
      %select_n3A = arith.select %and3A, %sub3A_77, %div3A : i32
      %jit3A_78 = arith.constant 4 : i32
      %eq3A = arith.constant 0 : i32
      %eq3A_79 = arith.cmpi eq, %jit3A_78, %eq3A : i32
      %jit3A_80 = arith.constant 1 : i32
      %select_n3A_81 = arith.select %eq3A_79, %jit3A_80, %jit3A_78 : i32
      %rem3A_82 = arith.remsi %scan3A_61, %select_n3A_81 : i32
      %ne3A_83 = arith.constant 0 : i32
      %ne3A_84 = arith.cmpi ne, %rem3A_82, %ne3A_83 : i32
      %lt3A = arith.constant 0 : i32
      %lt3A_85 = arith.cmpi slt, %rem3A_82, %lt3A : i32
      %lt3A_86 = arith.constant 0 : i32
      %lt3A_87 = arith.cmpi slt, %select_n3A_81, %lt3A_86 : i32
      %ne3A_88 = arith.xori %lt3A_85, %lt3A_87 : i1
      %and3A_89 = arith.andi %ne3A_88, %ne3A_84 : i1
      %add3A_90 = arith.addi %rem3A_82, %select_n3A_81 : i32
      %select_n3A_91 = arith.select %and3A_89, %add3A_90, %rem3A_82 : i32
      %mul3A_92 = arith.constant 16 : i32
      %mul3A_93 = arith.muli %select_n3A_91, %mul3A_92 : i32
      %swap3A = arith.index_cast %select_n3A : i32 to index
      %swap3A_94 = arith.index_cast %mul3A_93 : i32 to index
      %swap3A_95 = tpu.vector_load %arg8[%swap3A, %swap3A_94] {strides = array<i32>} : memref<128x64xf32, #tpu.memory_space<vmem>>, vector<1x16xf32>,
      %swap3A_96 = vector.shape_cast %swap3A_95 : vector<1x16xf32> to vector<16xf32>
      %swap3A_97 = vector.shape_cast %broadcast_in_dim3A_5 : vector<16xf32> to vector<1x16xf32>
      tpu.vector_store %arg8[%swap3A, %swap3A_94], %swap3A_97 {strides = array<i32>} : memref<128x64xf32, #tpu.memory_space<vmem>>, vector<1x16xf32>,
    }
    %scan3A_10 = arith.constant 512 : i32
    %scan3A_11 = arith.constant 0 : i32
    %scan3A_12 = arith.constant 0 : i32
    %scan3A_13 = arith.constant 5 : i32
    %scan3A_14 = arith.addi %scan3A_12, %scan3A_13 : i32
    %scan3A_15 = arith.constant 1 : i32
    scf.for %scan3A_61 = %scan3A_12 to %scan3A_14 step %scan3A_15  : i32 {
      %mul3A_62 = arith.constant 640 : i32
      %mul3A_63 = arith.muli %arg1, %mul3A_62 : i32
      %mul3A_64 = arith.constant 128 : i32
      %mul3A_65 = arith.muli %scan3A_61, %mul3A_64 : i32
      %add3A_66 = arith.addi %mul3A_63, %mul3A_65 : i32
      "tpu.region"() ({
        %run_scoped3A_67 = tpu.sem_alloc : memref<!tpu.dma_semaphore, #tpu.memory_space<semaphore_mem>>
        %dma_start3A_68 = arith.constant 0 : i32
        %dma_start3A_69 = tpu.memref_slice %arg10[%add3A_66, %dma_start3A_68] : memref<10240x64xf32, #tpu.memory_space<vmem_shared>> -> memref<128x64xf32, #tpu.memory_space<vmem_shared>>
        %dma_start3A_70 = arith.constant 0 : i32
        %dma_start3A_71 = tpu.memref_slice %arg10[%add3A_66, %dma_start3A_70] : memref<10240x64xf32, #tpu.memory_space<vmem_shared>> -> memref<128x64xf32, #tpu.memory_space<vmem_shared>>
        tpu.enqueue_dma source(%arg8 : memref<128x64xf32, #tpu.memory_space<vmem>>) target(%dma_start3A_71 : memref<128x64xf32, #tpu.memory_space<vmem_shared>>) target_semaphore(%run_scoped3A_67 : memref<!tpu.dma_semaphore, #tpu.memory_space<semaphore_mem>>)
        %dma_wait3A_72 = arith.constant 0 : i32
        %dma_wait3A_73 = tpu.memref_slice %arg10[%add3A_66, %dma_wait3A_72] : memref<10240x64xf32, #tpu.memory_space<vmem_shared>> -> memref<128x64xf32, #tpu.memory_space<vmem_shared>>
        %dma_wait3A_74 = arith.constant 0 : i32
        %dma_wait3A_75 = tpu.memref_slice %arg10[%add3A_66, %dma_wait3A_74] : memref<10240x64xf32, #tpu.memory_space<vmem_shared>> -> memref<128x64xf32, #tpu.memory_space<vmem_shared>>
        tpu.wait_dma2 semaphore(%run_scoped3A_67 : memref<!tpu.dma_semaphore, #tpu.memory_space<semaphore_mem>>) src(%arg8 : memref<128x64xf32, #tpu.memory_space<vmem>>) dst(%dma_wait3A_75 : memref<128x64xf32, #tpu.memory_space<vmem_shared>>)
        tpu.yield
      }) : () -> ()
    }
    %scan3A_16 = arith.constant 5 : i32
    %mul3A_17 = arith.constant 640 : i32
    %mul3A_18 = arith.muli %arg1, %mul3A_17 : i32
    %mul3A_19 = arith.constant 640 : i32
    %mul3A_20 = arith.muli %arg1, %mul3A_19 : i32
    "tpu.region"() ({
      %run_scoped3A_61 = tpu.sem_alloc : memref<!tpu.dma_semaphore, #tpu.memory_space<semaphore_mem>>
      %dma_start3A_62 = arith.constant 0 : i32
      %dma_start3A_63 = tpu.memref_slice %arg13[%mul3A_20, %dma_start3A_62] : memref<10240x64xf32, #tpu.memory_space<vmem_shared>> -> memref<640x64xf32, #tpu.memory_space<vmem_shared>>
      %dma_start3A_64 = arith.constant 0 : i32
      %dma_start3A_65 = tpu.memref_slice %arg4[%mul3A_18, %dma_start3A_64] : memref<10240x64xf32, #tpu.memory_space<hbm>> -> memref<640x64xf32, #tpu.memory_space<hbm>>
      tpu.enqueue_dma source(%dma_start3A_65 : memref<640x64xf32, #tpu.memory_space<hbm>>) target(%dma_start3A_63 : memref<640x64xf32, #tpu.memory_space<vmem_shared>>) target_semaphore(%run_scoped3A_61 : memref<!tpu.dma_semaphore, #tpu.memory_space<semaphore_mem>>)
      %dma_wait3A_66 = arith.constant 0 : i32
      %dma_wait3A_67 = tpu.memref_slice %arg13[%mul3A_20, %dma_wait3A_66] : memref<10240x64xf32, #tpu.memory_space<vmem_shared>> -> memref<640x64xf32, #tpu.memory_space<vmem_shared>>
      %dma_wait3A_68 = arith.constant 0 : i32
      %dma_wait3A_69 = tpu.memref_slice %arg4[%mul3A_18, %dma_wait3A_68] : memref<10240x64xf32, #tpu.memory_space<hbm>> -> memref<640x64xf32, #tpu.memory_space<hbm>>
      tpu.wait_dma2 semaphore(%run_scoped3A_61 : memref<!tpu.dma_semaphore, #tpu.memory_space<semaphore_mem>>) src(%dma_wait3A_69 : memref<640x64xf32, #tpu.memory_space<hbm>>) dst(%dma_wait3A_67 : memref<640x64xf32, #tpu.memory_space<vmem_shared>>)
      tpu.yield
    }) : () -> ()
    %barrier3A = arith.constant 0 : index
    tpu.barrier barrier_id(%barrier3A)
    %dma_start3A = arith.constant 0 : i32
    %dma_start3A_21 = arith.constant 0 : i32
    %dma_start3A_22 = tpu.memref_slice %arg6[%dma_start3A, %dma_start3A_21] : memref<80x128xi32, #tpu.memory_space<vmem>> -> memref<1x128xi32, #tpu.memory_space<vmem>>
    %dma_start3A_23 = tpu.memref_squeeze %dma_start3A_22 : memref<1x128xi32, #tpu.memory_space<vmem>> -> memref<128xi32, #tpu.memory_space<vmem>>
    %dma_start3A_24 = arith.constant 0 : i32
    %dma_start3A_25 = arith.constant 0 : i32
    %dma_start3A_26 = tpu.memref_slice %arg13[%dma_start3A_24, %dma_start3A_25] : memref<10240x64xf32, #tpu.memory_space<vmem_shared>> -> memref<10240x64xf32, #tpu.memory_space<vmem_shared>>
    tpu.enqueue_indirect_dma source(%dma_start3A_26 : memref<10240x64xf32, #tpu.memory_space<vmem_shared>>) target(%arg8 : memref<128x64xf32, #tpu.memory_space<vmem>>) offsets(%dma_start3A_23 : memref<128xi32, #tpu.memory_space<vmem>>) semaphore(%arg11 : memref<!tpu.dma_semaphore, #tpu.memory_space<semaphore_mem>>)
    %dma_start3A_27 = arith.constant 1 : i32
    %dma_start3A_28 = arith.constant 0 : i32
    %dma_start3A_29 = tpu.memref_slice %arg6[%dma_start3A_27, %dma_start3A_28] : memref<80x128xi32, #tpu.memory_space<vmem>> -> memref<1x128xi32, #tpu.memory_space<vmem>>
    %dma_start3A_30 = tpu.memref_squeeze %dma_start3A_29 : memref<1x128xi32, #tpu.memory_space<vmem>> -> memref<128xi32, #tpu.memory_space<vmem>>
    %dma_start3A_31 = arith.constant 0 : i32
    %dma_start3A_32 = arith.constant 0 : i32
    %dma_start3A_33 = tpu.memref_slice %arg13[%dma_start3A_31, %dma_start3A_32] : memref<10240x64xf32, #tpu.memory_space<vmem_shared>> -> memref<10240x64xf32, #tpu.memory_space<vmem_shared>>
    tpu.enqueue_indirect_dma source(%dma_start3A_33 : memref<10240x64xf32, #tpu.memory_space<vmem_shared>>) target(%arg9 : memref<128x64xf32, #tpu.memory_space<vmem>>) offsets(%dma_start3A_30 : memref<128xi32, #tpu.memory_space<vmem>>) semaphore(%arg12 : memref<!tpu.dma_semaphore, #tpu.memory_space<semaphore_mem>>)
    %scan3A_34 = arith.constant 0 : i32
    %scan3A_35 = arith.constant 0 : i32
    %scan3A_36 = arith.constant 39 : i32
    %scan3A_37 = arith.addi %scan3A_35, %scan3A_36 : i32
    %scan3A_38 = arith.constant 1 : i32
    scf.for %scan3A_61 = %scan3A_35 to %scan3A_37 step %scan3A_38  : i32 {
      %mul3A_62 = arith.constant 2 : i32
      %mul3A_63 = arith.muli %mul3A_62, %scan3A_61 : i32
      %dma_wait3A_64 = arith.constant 0 : i32
      %dma_wait3A_65 = tpu.memref_slice %arg6[%mul3A_63, %dma_wait3A_64] : memref<80x128xi32, #tpu.memory_space<vmem>> -> memref<1x128xi32, #tpu.memory_space<vmem>>
      %dma_wait3A_66 = tpu.memref_squeeze %dma_wait3A_65 : memref<1x128xi32, #tpu.memory_space<vmem>> -> memref<128xi32, #tpu.memory_space<vmem>>
      %dma_wait3A_67 = arith.constant 0 : i32
      %dma_wait3A_68 = arith.constant 0 : i32
      %dma_wait3A_69 = tpu.memref_slice %arg13[%dma_wait3A_67, %dma_wait3A_68] : memref<10240x64xf32, #tpu.memory_space<vmem_shared>> -> memref<10240x64xf32, #tpu.memory_space<vmem_shared>>
      tpu.wait_indirect_dma semaphore(%arg11 : memref<!tpu.dma_semaphore, #tpu.memory_space<semaphore_mem>>) src(%dma_wait3A_69 : memref<10240x64xf32, #tpu.memory_space<vmem_shared>>) dst(%arg8 : memref<128x64xf32, #tpu.memory_space<vmem>>)
      %mul3A_70 = arith.constant 2 : i32
      %mul3A_71 = arith.muli %mul3A_70, %scan3A_61 : i32
      "tpu.region"() ({
        %run_scoped3A_106 = tpu.sem_alloc : memref<!tpu.dma_semaphore, #tpu.memory_space<semaphore_mem>>
        %dma_start3A_107 = arith.constant 0 : i32
        %dma_start3A_108 = tpu.memref_slice %arg7[%mul3A_71, %dma_start3A_107] : memref<80x128xi32, #tpu.memory_space<vmem>> -> memref<1x128xi32, #tpu.memory_space<vmem>>
        %dma_start3A_109 = tpu.memref_squeeze %dma_start3A_108 : memref<1x128xi32, #tpu.memory_space<vmem>> -> memref<128xi32, #tpu.memory_space<vmem>>
        %dma_start3A_110 = arith.constant 0 : i32
        %dma_start3A_111 = arith.constant 0 : i32
        %dma_start3A_112 = tpu.memref_slice %arg10[%dma_start3A_110, %dma_start3A_111] : memref<10240x64xf32, #tpu.memory_space<vmem_shared>> -> memref<10240x64xf32, #tpu.memory_space<vmem_shared>>
        tpu.enqueue_indirect_dma source(%arg8 : memref<128x64xf32, #tpu.memory_space<vmem>>) target(%dma_start3A_112 : memref<10240x64xf32, #tpu.memory_space<vmem_shared>>) offsets(%dma_start3A_109 : memref<128xi32, #tpu.memory_space<vmem>>) semaphore(%run_scoped3A_106 : memref<!tpu.dma_semaphore, #tpu.memory_space<semaphore_mem>>) {add = true}
        %dma_wait3A_113 = arith.constant 0 : i32
        %dma_wait3A_114 = tpu.memref_slice %arg7[%mul3A_71, %dma_wait3A_113] : memref<80x128xi32, #tpu.memory_space<vmem>> -> memref<1x128xi32, #tpu.memory_space<vmem>>
        %dma_wait3A_115 = tpu.memref_squeeze %dma_wait3A_114 : memref<1x128xi32, #tpu.memory_space<vmem>> -> memref<128xi32, #tpu.memory_space<vmem>>
        %dma_wait3A_116 = arith.constant 0 : i32
        %dma_wait3A_117 = arith.constant 0 : i32
        %dma_wait3A_118 = tpu.memref_slice %arg10[%dma_wait3A_116, %dma_wait3A_117] : memref<10240x64xf32, #tpu.memory_space<vmem_shared>> -> memref<10240x64xf32, #tpu.memory_space<vmem_shared>>
        tpu.wait_indirect_dma semaphore(%run_scoped3A_106 : memref<!tpu.dma_semaphore, #tpu.memory_space<semaphore_mem>>) src(%arg8 : memref<128x64xf32, #tpu.memory_space<vmem>>) dst(%dma_wait3A_118 : memref<10240x64xf32, #tpu.memory_space<vmem_shared>>)
        tpu.yield
      }) : () -> ()
      %mul3A_72 = arith.constant 2 : i32
      %mul3A_73 = arith.muli %mul3A_72, %scan3A_61 : i32
      %add3A_74 = arith.constant 2 : i32
      %add3A_75 = arith.addi %mul3A_73, %add3A_74 : i32
      %dma_start3A_76 = arith.constant 0 : i32
      %dma_start3A_77 = tpu.memref_slice %arg6[%add3A_75, %dma_start3A_76] : memref<80x128xi32, #tpu.memory_space<vmem>> -> memref<1x128xi32, #tpu.memory_space<vmem>>
      %dma_start3A_78 = tpu.memref_squeeze %dma_start3A_77 : memref<1x128xi32, #tpu.memory_space<vmem>> -> memref<128xi32, #tpu.memory_space<vmem>>
      %dma_start3A_79 = arith.constant 0 : i32
      %dma_start3A_80 = arith.constant 0 : i32
      %dma_start3A_81 = tpu.memref_slice %arg13[%dma_start3A_79, %dma_start3A_80] : memref<10240x64xf32, #tpu.memory_space<vmem_shared>> -> memref<10240x64xf32, #tpu.memory_space<vmem_shared>>
      tpu.enqueue_indirect_dma source(%dma_start3A_81 : memref<10240x64xf32, #tpu.memory_space<vmem_shared>>) target(%arg8 : memref<128x64xf32, #tpu.memory_space<vmem>>) offsets(%dma_start3A_78 : memref<128xi32, #tpu.memory_space<vmem>>) semaphore(%arg11 : memref<!tpu.dma_semaphore, #tpu.memory_space<semaphore_mem>>)
      %mul3A_82 = arith.constant 2 : i32
      %mul3A_83 = arith.muli %mul3A_82, %scan3A_61 : i32
      %add3A_84 = arith.constant 1 : i32
      %add3A_85 = arith.addi %mul3A_83, %add3A_84 : i32
      %dma_wait3A_86 = arith.constant 0 : i32
      %dma_wait3A_87 = tpu.memref_slice %arg6[%add3A_85, %dma_wait3A_86] : memref<80x128xi32, #tpu.memory_space<vmem>> -> memref<1x128xi32, #tpu.memory_space<vmem>>
      %dma_wait3A_88 = tpu.memref_squeeze %dma_wait3A_87 : memref<1x128xi32, #tpu.memory_space<vmem>> -> memref<128xi32, #tpu.memory_space<vmem>>
      %dma_wait3A_89 = arith.constant 0 : i32
      %dma_wait3A_90 = arith.constant 0 : i32
      %dma_wait3A_91 = tpu.memref_slice %arg13[%dma_wait3A_89, %dma_wait3A_90] : memref<10240x64xf32, #tpu.memory_space<vmem_shared>> -> memref<10240x64xf32, #tpu.memory_space<vmem_shared>>
      tpu.wait_indirect_dma semaphore(%arg12 : memref<!tpu.dma_semaphore, #tpu.memory_space<semaphore_mem>>) src(%dma_wait3A_91 : memref<10240x64xf32, #tpu.memory_space<vmem_shared>>) dst(%arg9 : memref<128x64xf32, #tpu.memory_space<vmem>>)
      %mul3A_92 = arith.constant 2 : i32
      %mul3A_93 = arith.muli %mul3A_92, %scan3A_61 : i32
      %add3A_94 = arith.constant 1 : i32
      %add3A_95 = arith.addi %mul3A_93, %add3A_94 : i32
      "tpu.region"() ({
        %run_scoped3A_106 = tpu.sem_alloc : memref<!tpu.dma_semaphore, #tpu.memory_space<semaphore_mem>>
        %dma_start3A_107 = arith.constant 0 : i32
        %dma_start3A_108 = tpu.memref_slice %arg7[%add3A_95, %dma_start3A_107] : memref<80x128xi32, #tpu.memory_space<vmem>> -> memref<1x128xi32, #tpu.memory_space<vmem>>
        %dma_start3A_109 = tpu.memref_squeeze %dma_start3A_108 : memref<1x128xi32, #tpu.memory_space<vmem>> -> memref<128xi32, #tpu.memory_space<vmem>>
        %dma_start3A_110 = arith.constant 0 : i32
        %dma_start3A_111 = arith.constant 0 : i32
        %dma_start3A_112 = tpu.memref_slice %arg10[%dma_start3A_110, %dma_start3A_111] : memref<10240x64xf32, #tpu.memory_space<vmem_shared>> -> memref<10240x64xf32, #tpu.memory_space<vmem_shared>>
        tpu.enqueue_indirect_dma source(%arg9 : memref<128x64xf32, #tpu.memory_space<vmem>>) target(%dma_start3A_112 : memref<10240x64xf32, #tpu.memory_space<vmem_shared>>) offsets(%dma_start3A_109 : memref<128xi32, #tpu.memory_space<vmem>>) semaphore(%run_scoped3A_106 : memref<!tpu.dma_semaphore, #tpu.memory_space<semaphore_mem>>) {add = true}
        %dma_wait3A_113 = arith.constant 0 : i32
        %dma_wait3A_114 = tpu.memref_slice %arg7[%add3A_95, %dma_wait3A_113] : memref<80x128xi32, #tpu.memory_space<vmem>> -> memref<1x128xi32, #tpu.memory_space<vmem>>
        %dma_wait3A_115 = tpu.memref_squeeze %dma_wait3A_114 : memref<1x128xi32, #tpu.memory_space<vmem>> -> memref<128xi32, #tpu.memory_space<vmem>>
        %dma_wait3A_116 = arith.constant 0 : i32
        %dma_wait3A_117 = arith.constant 0 : i32
        %dma_wait3A_118 = tpu.memref_slice %arg10[%dma_wait3A_116, %dma_wait3A_117] : memref<10240x64xf32, #tpu.memory_space<vmem_shared>> -> memref<10240x64xf32, #tpu.memory_space<vmem_shared>>
        tpu.wait_indirect_dma semaphore(%run_scoped3A_106 : memref<!tpu.dma_semaphore, #tpu.memory_space<semaphore_mem>>) src(%arg9 : memref<128x64xf32, #tpu.memory_space<vmem>>) dst(%dma_wait3A_118 : memref<10240x64xf32, #tpu.memory_space<vmem_shared>>)
        tpu.yield
      }) : () -> ()
      %mul3A_96 = arith.constant 2 : i32
      %mul3A_97 = arith.muli %mul3A_96, %scan3A_61 : i32
      %add3A_98 = arith.constant 3 : i32
      %add3A_99 = arith.addi %mul3A_97, %add3A_98 : i32
      %dma_start3A_100 = arith.constant 0 : i32
      %dma_start3A_101 = tpu.memref_slice %arg6[%add3A_99, %dma_start3A_100] : memref<80x128xi32, #tpu.memory_space<vmem>> -> memref<1x128xi32, #tpu.memory_space<vmem>>
      %dma_start3A_102 = tpu.memref_squeeze %dma_start3A_101 : memref<1x128xi32, #tpu.memory_space<vmem>> -> memref<128xi32, #tpu.memory_space<vmem>>
      %dma_start3A_103 = arith.constant 0 : i32
      %dma_start3A_104 = arith.constant 0 : i32
      %dma_start3A_105 = tpu.memref_slice %arg13[%dma_start3A_103, %dma_start3A_104] : memref<10240x64xf32, #tpu.memory_space<vmem_shared>> -> memref<10240x64xf32, #tpu.memory_space<vmem_shared>>
      tpu.enqueue_indirect_dma source(%dma_start3A_105 : memref<10240x64xf32, #tpu.memory_space<vmem_shared>>) target(%arg9 : memref<128x64xf32, #tpu.memory_space<vmem>>) offsets(%dma_start3A_102 : memref<128xi32, #tpu.memory_space<vmem>>) semaphore(%arg12 : memref<!tpu.dma_semaphore, #tpu.memory_space<semaphore_mem>>)
    }
    %scan3A_39 = arith.constant 39 : i32
    %dma_wait3A = arith.constant 78 : i32
    %dma_wait3A_40 = arith.constant 0 : i32
    %dma_wait3A_41 = tpu.memref_slice %arg6[%dma_wait3A, %dma_wait3A_40] : memref<80x128xi32, #tpu.memory_space<vmem>> -> memref<1x128xi32, #tpu.memory_space<vmem>>
    %dma_wait3A_42 = tpu.memref_squeeze %dma_wait3A_41 : memref<1x128xi32, #tpu.memory_space<vmem>> -> memref<128xi32, #tpu.memory_space<vmem>>
    %dma_wait3A_43 = arith.constant 0 : i32
    %dma_wait3A_44 = arith.constant 0 : i32
    %dma_wait3A_45 = tpu.memref_slice %arg13[%dma_wait3A_43, %dma_wait3A_44] : memref<10240x64xf32, #tpu.memory_space<vmem_shared>> -> memref<10240x64xf32, #tpu.memory_space<vmem_shared>>
    tpu.wait_indirect_dma semaphore(%arg11 : memref<!tpu.dma_semaphore, #tpu.memory_space<semaphore_mem>>) src(%dma_wait3A_45 : memref<10240x64xf32, #tpu.memory_space<vmem_shared>>) dst(%arg8 : memref<128x64xf32, #tpu.memory_space<vmem>>)
    %run_scoped3A = arith.constant 78 : i32
    "tpu.region"() ({
      %run_scoped3A_61 = tpu.sem_alloc : memref<!tpu.dma_semaphore, #tpu.memory_space<semaphore_mem>>
      %dma_start3A_62 = arith.constant 0 : i32
      %dma_start3A_63 = tpu.memref_slice %arg7[%run_scoped3A, %dma_start3A_62] : memref<80x128xi32, #tpu.memory_space<vmem>> -> memref<1x128xi32, #tpu.memory_space<vmem>>
      %dma_start3A_64 = tpu.memref_squeeze %dma_start3A_63 : memref<1x128xi32, #tpu.memory_space<vmem>> -> memref<128xi32, #tpu.memory_space<vmem>>
      %dma_start3A_65 = arith.constant 0 : i32
      %dma_start3A_66 = arith.constant 0 : i32
      %dma_start3A_67 = tpu.memref_slice %arg10[%dma_start3A_65, %dma_start3A_66] : memref<10240x64xf32, #tpu.memory_space<vmem_shared>> -> memref<10240x64xf32, #tpu.memory_space<vmem_shared>>
      tpu.enqueue_indirect_dma source(%arg8 : memref<128x64xf32, #tpu.memory_space<vmem>>) target(%dma_start3A_67 : memref<10240x64xf32, #tpu.memory_space<vmem_shared>>) offsets(%dma_start3A_64 : memref<128xi32, #tpu.memory_space<vmem>>) semaphore(%run_scoped3A_61 : memref<!tpu.dma_semaphore, #tpu.memory_space<semaphore_mem>>) {add = true}
      %dma_wait3A_68 = arith.constant 0 : i32
      %dma_wait3A_69 = tpu.memref_slice %arg7[%run_scoped3A, %dma_wait3A_68] : memref<80x128xi32, #tpu.memory_space<vmem>> -> memref<1x128xi32, #tpu.memory_space<vmem>>
      %dma_wait3A_70 = tpu.memref_squeeze %dma_wait3A_69 : memref<1x128xi32, #tpu.memory_space<vmem>> -> memref<128xi32, #tpu.memory_space<vmem>>
      %dma_wait3A_71 = arith.constant 0 : i32
      %dma_wait3A_72 = arith.constant 0 : i32
      %dma_wait3A_73 = tpu.memref_slice %arg10[%dma_wait3A_71, %dma_wait3A_72] : memref<10240x64xf32, #tpu.memory_space<vmem_shared>> -> memref<10240x64xf32, #tpu.memory_space<vmem_shared>>
      tpu.wait_indirect_dma semaphore(%run_scoped3A_61 : memref<!tpu.dma_semaphore, #tpu.memory_space<semaphore_mem>>) src(%arg8 : memref<128x64xf32, #tpu.memory_space<vmem>>) dst(%dma_wait3A_73 : memref<10240x64xf32, #tpu.memory_space<vmem_shared>>)
      tpu.yield
    }) : () -> ()
    %dma_wait3A_46 = arith.constant 79 : i32
    %dma_wait3A_47 = arith.constant 0 : i32
    %dma_wait3A_48 = tpu.memref_slice %arg6[%dma_wait3A_46, %dma_wait3A_47] : memref<80x128xi32, #tpu.memory_space<vmem>> -> memref<1x128xi32, #tpu.memory_space<vmem>>
    %dma_wait3A_49 = tpu.memref_squeeze %dma_wait3A_48 : memref<1x128xi32, #tpu.memory_space<vmem>> -> memref<128xi32, #tpu.memory_space<vmem>>
    %dma_wait3A_50 = arith.constant 0 : i32
    %dma_wait3A_51 = arith.constant 0 : i32
    %dma_wait3A_52 = tpu.memref_slice %arg13[%dma_wait3A_50, %dma_wait3A_51] : memref<10240x64xf32, #tpu.memory_space<vmem_shared>> -> memref<10240x64xf32, #tpu.memory_space<vmem_shared>>
    tpu.wait_indirect_dma semaphore(%arg12 : memref<!tpu.dma_semaphore, #tpu.memory_space<semaphore_mem>>) src(%dma_wait3A_52 : memref<10240x64xf32, #tpu.memory_space<vmem_shared>>) dst(%arg9 : memref<128x64xf32, #tpu.memory_space<vmem>>)
    %run_scoped3A_53 = arith.constant 79 : i32
    "tpu.region"() ({
      %run_scoped3A_61 = tpu.sem_alloc : memref<!tpu.dma_semaphore, #tpu.memory_space<semaphore_mem>>
      %dma_start3A_62 = arith.constant 0 : i32
      %dma_start3A_63 = tpu.memref_slice %arg7[%run_scoped3A_53, %dma_start3A_62] : memref<80x128xi32, #tpu.memory_space<vmem>> -> memref<1x128xi32, #tpu.memory_space<vmem>>
      %dma_start3A_64 = tpu.memref_squeeze %dma_start3A_63 : memref<1x128xi32, #tpu.memory_space<vmem>> -> memref<128xi32, #tpu.memory_space<vmem>>
      %dma_start3A_65 = arith.constant 0 : i32
      %dma_start3A_66 = arith.constant 0 : i32
      %dma_start3A_67 = tpu.memref_slice %arg10[%dma_start3A_65, %dma_start3A_66] : memref<10240x64xf32, #tpu.memory_space<vmem_shared>> -> memref<10240x64xf32, #tpu.memory_space<vmem_shared>>
      tpu.enqueue_indirect_dma source(%arg9 : memref<128x64xf32, #tpu.memory_space<vmem>>) target(%dma_start3A_67 : memref<10240x64xf32, #tpu.memory_space<vmem_shared>>) offsets(%dma_start3A_64 : memref<128xi32, #tpu.memory_space<vmem>>) semaphore(%run_scoped3A_61 : memref<!tpu.dma_semaphore, #tpu.memory_space<semaphore_mem>>) {add = true}
      %dma_wait3A_68 = arith.constant 0 : i32
      %dma_wait3A_69 = tpu.memref_slice %arg7[%run_scoped3A_53, %dma_wait3A_68] : memref<80x128xi32, #tpu.memory_space<vmem>> -> memref<1x128xi32, #tpu.memory_space<vmem>>
      %dma_wait3A_70 = tpu.memref_squeeze %dma_wait3A_69 : memref<1x128xi32, #tpu.memory_space<vmem>> -> memref<128xi32, #tpu.memory_space<vmem>>
      %dma_wait3A_71 = arith.constant 0 : i32
      %dma_wait3A_72 = arith.constant 0 : i32
      %dma_wait3A_73 = tpu.memref_slice %arg10[%dma_wait3A_71, %dma_wait3A_72] : memref<10240x64xf32, #tpu.memory_space<vmem_shared>> -> memref<10240x64xf32, #tpu.memory_space<vmem_shared>>
      tpu.wait_indirect_dma semaphore(%run_scoped3A_61 : memref<!tpu.dma_semaphore, #tpu.memory_space<semaphore_mem>>) src(%arg9 : memref<128x64xf32, #tpu.memory_space<vmem>>) dst(%dma_wait3A_73 : memref<10240x64xf32, #tpu.memory_space<vmem_shared>>)
      tpu.yield
    }) : () -> ()
    %barrier3A_54 = arith.constant 0 : index
    tpu.barrier barrier_id(%barrier3A_54)
    %scan3A_55 = arith.constant 0 : i32
    %scan3A_56 = arith.constant 0 : i32
    %scan3A_57 = arith.constant 5 : i32
    %scan3A_58 = arith.addi %scan3A_56, %scan3A_57 : i32
    %scan3A_59 = arith.constant 1 : i32
    scf.for %scan3A_61 = %scan3A_56 to %scan3A_58 step %scan3A_59  : i32 {
      %mul3A_62 = arith.constant 640 : i32
      %mul3A_63 = arith.muli %arg1, %mul3A_62 : i32
      %mul3A_64 = arith.constant 128 : i32
      %mul3A_65 = arith.muli %scan3A_61, %mul3A_64 : i32
      %add3A_66 = arith.addi %mul3A_63, %mul3A_65 : i32
      %mul3A_67 = arith.constant 10240 : i32
      %mul3A_68 = arith.muli %arg0, %mul3A_67 : i32
      %add3A_69 = arith.addi %mul3A_68, %add3A_66 : i32
      "tpu.region"() ({
        %run_scoped3A_70 = tpu.sem_alloc : memref<!tpu.dma_semaphore, #tpu.memory_space<semaphore_mem>>
        %dma_start3A_71 = arith.constant 0 : i32
        %dma_start3A_72 = tpu.memref_slice %arg5[%add3A_69, %dma_start3A_71] : memref<20480x64xf32, #tpu.memory_space<hbm>> -> memref<128x64xf32, #tpu.memory_space<hbm>>
        %dma_start3A_73 = arith.constant 0 : i32
        %dma_start3A_74 = tpu.memref_slice %arg10[%add3A_66, %dma_start3A_73] : memref<10240x64xf32, #tpu.memory_space<vmem_shared>> -> memref<128x64xf32, #tpu.memory_space<vmem_shared>>
        tpu.enqueue_dma source(%dma_start3A_74 : memref<128x64xf32, #tpu.memory_space<vmem_shared>>) target(%dma_start3A_72 : memref<128x64xf32, #tpu.memory_space<hbm>>) target_semaphore(%run_scoped3A_70 : memref<!tpu.dma_semaphore, #tpu.memory_space<semaphore_mem>>)
        %dma_wait3A_75 = arith.constant 0 : i32
        %dma_wait3A_76 = tpu.memref_slice %arg5[%add3A_69, %dma_wait3A_75] : memref<20480x64xf32, #tpu.memory_space<hbm>> -> memref<128x64xf32, #tpu.memory_space<hbm>>
        %dma_wait3A_77 = arith.constant 0 : i32
        %dma_wait3A_78 = tpu.memref_slice %arg10[%add3A_66, %dma_wait3A_77] : memref<10240x64xf32, #tpu.memory_space<vmem_shared>> -> memref<128x64xf32, #tpu.memory_space<vmem_shared>>
        tpu.wait_dma2 semaphore(%run_scoped3A_70 : memref<!tpu.dma_semaphore, #tpu.memory_space<semaphore_mem>>) src(%dma_wait3A_78 : memref<128x64xf32, #tpu.memory_space<vmem_shared>>) dst(%dma_wait3A_76 : memref<128x64xf32, #tpu.memory_space<hbm>>)
        tpu.yield
      }) : () -> ()
    }
    %scan3A_60 = arith.constant 5 : i32
    return
  }
}

#map = affine_map<(d0, d1) -> (0, 0)>
module attributes {stable_mosaic.version = 14 : i64} {
  func.func @agg_kernel(%arg0: i32, %arg1: i32, %arg2: memref<2560x128xi32, #tpu.memory_space<hbm>>, %arg3: memref<2560x128xi32, #tpu.memory_space<hbm>>, %arg4: memref<10240x16xf32, #tpu.memory_space<hbm>>, %arg5: memref<20480x16xf32, #tpu.memory_space<hbm>>, %arg6: memref<80x128xi32, #tpu.memory_space<vmem>>, %arg7: memref<80x128xi32, #tpu.memory_space<vmem>>, %arg8: memref<128x16xf32, #tpu.memory_space<vmem>>, %arg9: memref<128x16xf32, #tpu.memory_space<vmem>>, %arg10: memref<10240x16xf32, #tpu.memory_space<vmem_shared>>, %arg11: memref<!tpu.dma_semaphore, #tpu.memory_space<semaphore_mem>>, %arg12: memref<!tpu.dma_semaphore, #tpu.memory_space<semaphore_mem>>, %arg13: memref<10240x16xf32, #tpu.memory_space<vmem_shared>>) attributes {dimension_semantics = [#tpu.dimension_semantics<core_parallel>, #tpu.dimension_semantics<subcore_parallel>], iteration_bounds = array<i64: 2, 16>, scalar_prefetch = 0 : i64, scratch_operands = 8 : i64, tpu.core_type = #tpu.core_type<sc_vector_subcore>, window_params = [{transform_indices = #map}, {transform_indices = #map}, {transform_indices = #map}, {transform_indices = #map}]} {
    %mul3A = arith.constant 2 : i32
    %mul3A_0 = arith.muli %arg1, %mul3A : i32
    %add3A = arith.addi %mul3A_0, %arg0 : i32
    %mul3A_1 = arith.constant 80 : i32
    %mul3A_2 = arith.muli %add3A, %mul3A_1 : i32
    "tpu.region"() ({
      %run_scoped3A_61 = tpu.sem_alloc : memref<!tpu.dma_semaphore, #tpu.memory_space<semaphore_mem>>
      %dma_start3A_62 = arith.constant 0 : i32
      %dma_start3A_63 = tpu.memref_slice %arg2[%mul3A_2, %dma_start3A_62] : memref<2560x128xi32, #tpu.memory_space<hbm>> -> memref<80x128xi32, #tpu.memory_space<hbm>>
      %dma_start3A_64 = arith.constant 0 : i32
      %dma_start3A_65 = tpu.memref_slice %arg2[%mul3A_2, %dma_start3A_64] : memref<2560x128xi32, #tpu.memory_space<hbm>> -> memref<80x128xi32, #tpu.memory_space<hbm>>
      tpu.enqueue_dma source(%dma_start3A_65 : memref<80x128xi32, #tpu.memory_space<hbm>>) target(%arg6 : memref<80x128xi32, #tpu.memory_space<vmem>>) target_semaphore(%run_scoped3A_61 : memref<!tpu.dma_semaphore, #tpu.memory_space<semaphore_mem>>)
      %dma_wait3A_66 = arith.constant 0 : i32
      %dma_wait3A_67 = tpu.memref_slice %arg2[%mul3A_2, %dma_wait3A_66] : memref<2560x128xi32, #tpu.memory_space<hbm>> -> memref<80x128xi32, #tpu.memory_space<hbm>>
      %dma_wait3A_68 = arith.constant 0 : i32
      %dma_wait3A_69 = tpu.memref_slice %arg2[%mul3A_2, %dma_wait3A_68] : memref<2560x128xi32, #tpu.memory_space<hbm>> -> memref<80x128xi32, #tpu.memory_space<hbm>>
      tpu.wait_dma2 semaphore(%run_scoped3A_61 : memref<!tpu.dma_semaphore, #tpu.memory_space<semaphore_mem>>) src(%dma_wait3A_69 : memref<80x128xi32, #tpu.memory_space<hbm>>) dst(%arg6 : memref<80x128xi32, #tpu.memory_space<vmem>>)
      tpu.yield
    }) : () -> ()
    %mul3A_3 = arith.constant 80 : i32
    %mul3A_4 = arith.muli %add3A, %mul3A_3 : i32
    "tpu.region"() ({
      %run_scoped3A_61 = tpu.sem_alloc : memref<!tpu.dma_semaphore, #tpu.memory_space<semaphore_mem>>
      %dma_start3A_62 = arith.constant 0 : i32
      %dma_start3A_63 = tpu.memref_slice %arg3[%mul3A_4, %dma_start3A_62] : memref<2560x128xi32, #tpu.memory_space<hbm>> -> memref<80x128xi32, #tpu.memory_space<hbm>>
      %dma_start3A_64 = arith.constant 0 : i32
      %dma_start3A_65 = tpu.memref_slice %arg3[%mul3A_4, %dma_start3A_64] : memref<2560x128xi32, #tpu.memory_space<hbm>> -> memref<80x128xi32, #tpu.memory_space<hbm>>
      tpu.enqueue_dma source(%dma_start3A_65 : memref<80x128xi32, #tpu.memory_space<hbm>>) target(%arg7 : memref<80x128xi32, #tpu.memory_space<vmem>>) target_semaphore(%run_scoped3A_61 : memref<!tpu.dma_semaphore, #tpu.memory_space<semaphore_mem>>)
      %dma_wait3A_66 = arith.constant 0 : i32
      %dma_wait3A_67 = tpu.memref_slice %arg3[%mul3A_4, %dma_wait3A_66] : memref<2560x128xi32, #tpu.memory_space<hbm>> -> memref<80x128xi32, #tpu.memory_space<hbm>>
      %dma_wait3A_68 = arith.constant 0 : i32
      %dma_wait3A_69 = tpu.memref_slice %arg3[%mul3A_4, %dma_wait3A_68] : memref<2560x128xi32, #tpu.memory_space<hbm>> -> memref<80x128xi32, #tpu.memory_space<hbm>>
      tpu.wait_dma2 semaphore(%run_scoped3A_61 : memref<!tpu.dma_semaphore, #tpu.memory_space<semaphore_mem>>) src(%dma_wait3A_69 : memref<80x128xi32, #tpu.memory_space<hbm>>) dst(%arg7 : memref<80x128xi32, #tpu.memory_space<vmem>>)
      tpu.yield
    }) : () -> ()
    %broadcast_in_dim3A = arith.constant 0.000000e+00 : f32
    %broadcast_in_dim3A_5 = vector.broadcast %broadcast_in_dim3A : f32 to vector<16xf32>
    %scan3A = arith.constant 0 : i32
    %scan3A_6 = arith.constant 0 : i32
    %scan3A_7 = arith.constant 128 : i32
    %scan3A_8 = arith.addi %scan3A_6, %scan3A_7 : i32
    %scan3A_9 = arith.constant 1 : i32
    scf.for %scan3A_61 = %scan3A_6 to %scan3A_8 step %scan3A_9  : i32 {
      %jit3A = arith.constant 1 : i32
      %div3A = arith.divsi %scan3A_61, %jit3A : i32
      %sign3A = arith.constant 0 : i32
      %sign3A_62 = arith.cmpi sgt, %scan3A_61, %sign3A : i32
      %sign3A_63 = arith.extui %sign3A_62 : i1 to i32
      %sign3A_64 = arith.constant 0 : i32
      %sign3A_65 = arith.cmpi slt, %scan3A_61, %sign3A_64 : i32
      %sign3A_66 = arith.extui %sign3A_65 : i1 to i32
      %sign3A_67 = arith.subi %sign3A_63, %sign3A_66 : i32
      %sign3A_68 = arith.constant 0 : i32
      %sign3A_69 = arith.cmpi sgt, %jit3A, %sign3A_68 : i32
      %sign3A_70 = arith.extui %sign3A_69 : i1 to i32
      %sign3A_71 = arith.constant 0 : i32
      %sign3A_72 = arith.cmpi slt, %jit3A, %sign3A_71 : i32
      %sign3A_73 = arith.extui %sign3A_72 : i1 to i32
      %sign3A_74 = arith.subi %sign3A_70, %sign3A_73 : i32
      %ne3A = arith.cmpi ne, %sign3A_67, %sign3A_74 : i32
      %rem3A = arith.remsi %scan3A_61, %jit3A : i32
      %ne3A_75 = arith.constant 0 : i32
      %ne3A_76 = arith.cmpi ne, %rem3A, %ne3A_75 : i32
      %and3A = arith.andi %ne3A, %ne3A_76 : i1
      %sub3A = arith.constant 1 : i32
      %sub3A_77 = arith.subi %div3A, %sub3A : i32
      %select_n3A = arith.select %and3A, %sub3A_77, %div3A : i32
      %jit3A_78 = arith.constant 1 : i32
      %eq3A = arith.constant 0 : i32
      %eq3A_79 = arith.cmpi eq, %jit3A_78, %eq3A : i32
      %jit3A_80 = arith.constant 1 : i32
      %select_n3A_81 = arith.select %eq3A_79, %jit3A_80, %jit3A_78 : i32
      %rem3A_82 = arith.remsi %scan3A_61, %select_n3A_81 : i32
      %ne3A_83 = arith.constant 0 : i32
      %ne3A_84 = arith.cmpi ne, %rem3A_82, %ne3A_83 : i32
      %lt3A = arith.constant 0 : i32
      %lt3A_85 = arith.cmpi slt, %rem3A_82, %lt3A : i32
      %lt3A_86 = arith.constant 0 : i32
      %lt3A_87 = arith.cmpi slt, %select_n3A_81, %lt3A_86 : i32
      %ne3A_88 = arith.xori %lt3A_85, %lt3A_87 : i1
      %and3A_89 = arith.andi %ne3A_88, %ne3A_84 : i1
      %add3A_90 = arith.addi %rem3A_82, %select_n3A_81 : i32
      %select_n3A_91 = arith.select %and3A_89, %add3A_90, %rem3A_82 : i32
      %mul3A_92 = arith.constant 16 : i32
      %mul3A_93 = arith.muli %select_n3A_91, %mul3A_92 : i32
      %swap3A = arith.index_cast %select_n3A : i32 to index
      %swap3A_94 = arith.index_cast %mul3A_93 : i32 to index
      %swap3A_95 = tpu.vector_load %arg8[%swap3A, %swap3A_94] {strides = array<i32>} : memref<128x16xf32, #tpu.memory_space<vmem>>, vector<1x16xf32>,
      %swap3A_96 = vector.shape_cast %swap3A_95 : vector<1x16xf32> to vector<16xf32>
      %swap3A_97 = vector.shape_cast %broadcast_in_dim3A_5 : vector<16xf32> to vector<1x16xf32>
      tpu.vector_store %arg8[%swap3A, %swap3A_94], %swap3A_97 {strides = array<i32>} : memref<128x16xf32, #tpu.memory_space<vmem>>, vector<1x16xf32>,
    }
    %scan3A_10 = arith.constant 128 : i32
    %scan3A_11 = arith.constant 0 : i32
    %scan3A_12 = arith.constant 0 : i32
    %scan3A_13 = arith.constant 5 : i32
    %scan3A_14 = arith.addi %scan3A_12, %scan3A_13 : i32
    %scan3A_15 = arith.constant 1 : i32
    scf.for %scan3A_61 = %scan3A_12 to %scan3A_14 step %scan3A_15  : i32 {
      %mul3A_62 = arith.constant 640 : i32
      %mul3A_63 = arith.muli %arg1, %mul3A_62 : i32
      %mul3A_64 = arith.constant 128 : i32
      %mul3A_65 = arith.muli %scan3A_61, %mul3A_64 : i32
      %add3A_66 = arith.addi %mul3A_63, %mul3A_65 : i32
      "tpu.region"() ({
        %run_scoped3A_67 = tpu.sem_alloc : memref<!tpu.dma_semaphore, #tpu.memory_space<semaphore_mem>>
        %dma_start3A_68 = arith.constant 0 : i32
        %dma_start3A_69 = tpu.memref_slice %arg10[%add3A_66, %dma_start3A_68] : memref<10240x16xf32, #tpu.memory_space<vmem_shared>> -> memref<128x16xf32, #tpu.memory_space<vmem_shared>>
        %dma_start3A_70 = arith.constant 0 : i32
        %dma_start3A_71 = tpu.memref_slice %arg10[%add3A_66, %dma_start3A_70] : memref<10240x16xf32, #tpu.memory_space<vmem_shared>> -> memref<128x16xf32, #tpu.memory_space<vmem_shared>>
        tpu.enqueue_dma source(%arg8 : memref<128x16xf32, #tpu.memory_space<vmem>>) target(%dma_start3A_71 : memref<128x16xf32, #tpu.memory_space<vmem_shared>>) target_semaphore(%run_scoped3A_67 : memref<!tpu.dma_semaphore, #tpu.memory_space<semaphore_mem>>)
        %dma_wait3A_72 = arith.constant 0 : i32
        %dma_wait3A_73 = tpu.memref_slice %arg10[%add3A_66, %dma_wait3A_72] : memref<10240x16xf32, #tpu.memory_space<vmem_shared>> -> memref<128x16xf32, #tpu.memory_space<vmem_shared>>
        %dma_wait3A_74 = arith.constant 0 : i32
        %dma_wait3A_75 = tpu.memref_slice %arg10[%add3A_66, %dma_wait3A_74] : memref<10240x16xf32, #tpu.memory_space<vmem_shared>> -> memref<128x16xf32, #tpu.memory_space<vmem_shared>>
        tpu.wait_dma2 semaphore(%run_scoped3A_67 : memref<!tpu.dma_semaphore, #tpu.memory_space<semaphore_mem>>) src(%arg8 : memref<128x16xf32, #tpu.memory_space<vmem>>) dst(%dma_wait3A_75 : memref<128x16xf32, #tpu.memory_space<vmem_shared>>)
        tpu.yield
      }) : () -> ()
    }
    %scan3A_16 = arith.constant 5 : i32
    %mul3A_17 = arith.constant 640 : i32
    %mul3A_18 = arith.muli %arg1, %mul3A_17 : i32
    %mul3A_19 = arith.constant 640 : i32
    %mul3A_20 = arith.muli %arg1, %mul3A_19 : i32
    "tpu.region"() ({
      %run_scoped3A_61 = tpu.sem_alloc : memref<!tpu.dma_semaphore, #tpu.memory_space<semaphore_mem>>
      %dma_start3A_62 = arith.constant 0 : i32
      %dma_start3A_63 = tpu.memref_slice %arg13[%mul3A_20, %dma_start3A_62] : memref<10240x16xf32, #tpu.memory_space<vmem_shared>> -> memref<640x16xf32, #tpu.memory_space<vmem_shared>>
      %dma_start3A_64 = arith.constant 0 : i32
      %dma_start3A_65 = tpu.memref_slice %arg4[%mul3A_18, %dma_start3A_64] : memref<10240x16xf32, #tpu.memory_space<hbm>> -> memref<640x16xf32, #tpu.memory_space<hbm>>
      tpu.enqueue_dma source(%dma_start3A_65 : memref<640x16xf32, #tpu.memory_space<hbm>>) target(%dma_start3A_63 : memref<640x16xf32, #tpu.memory_space<vmem_shared>>) target_semaphore(%run_scoped3A_61 : memref<!tpu.dma_semaphore, #tpu.memory_space<semaphore_mem>>)
      %dma_wait3A_66 = arith.constant 0 : i32
      %dma_wait3A_67 = tpu.memref_slice %arg13[%mul3A_20, %dma_wait3A_66] : memref<10240x16xf32, #tpu.memory_space<vmem_shared>> -> memref<640x16xf32, #tpu.memory_space<vmem_shared>>
      %dma_wait3A_68 = arith.constant 0 : i32
      %dma_wait3A_69 = tpu.memref_slice %arg4[%mul3A_18, %dma_wait3A_68] : memref<10240x16xf32, #tpu.memory_space<hbm>> -> memref<640x16xf32, #tpu.memory_space<hbm>>
      tpu.wait_dma2 semaphore(%run_scoped3A_61 : memref<!tpu.dma_semaphore, #tpu.memory_space<semaphore_mem>>) src(%dma_wait3A_69 : memref<640x16xf32, #tpu.memory_space<hbm>>) dst(%dma_wait3A_67 : memref<640x16xf32, #tpu.memory_space<vmem_shared>>)
      tpu.yield
    }) : () -> ()
    %barrier3A = arith.constant 0 : index
    tpu.barrier barrier_id(%barrier3A)
    %dma_start3A = arith.constant 0 : i32
    %dma_start3A_21 = arith.constant 0 : i32
    %dma_start3A_22 = tpu.memref_slice %arg6[%dma_start3A, %dma_start3A_21] : memref<80x128xi32, #tpu.memory_space<vmem>> -> memref<1x128xi32, #tpu.memory_space<vmem>>
    %dma_start3A_23 = tpu.memref_squeeze %dma_start3A_22 : memref<1x128xi32, #tpu.memory_space<vmem>> -> memref<128xi32, #tpu.memory_space<vmem>>
    %dma_start3A_24 = arith.constant 0 : i32
    %dma_start3A_25 = arith.constant 0 : i32
    %dma_start3A_26 = tpu.memref_slice %arg13[%dma_start3A_24, %dma_start3A_25] : memref<10240x16xf32, #tpu.memory_space<vmem_shared>> -> memref<10240x16xf32, #tpu.memory_space<vmem_shared>>
    tpu.enqueue_indirect_dma source(%dma_start3A_26 : memref<10240x16xf32, #tpu.memory_space<vmem_shared>>) target(%arg8 : memref<128x16xf32, #tpu.memory_space<vmem>>) offsets(%dma_start3A_23 : memref<128xi32, #tpu.memory_space<vmem>>) semaphore(%arg11 : memref<!tpu.dma_semaphore, #tpu.memory_space<semaphore_mem>>)
    %dma_start3A_27 = arith.constant 1 : i32
    %dma_start3A_28 = arith.constant 0 : i32
    %dma_start3A_29 = tpu.memref_slice %arg6[%dma_start3A_27, %dma_start3A_28] : memref<80x128xi32, #tpu.memory_space<vmem>> -> memref<1x128xi32, #tpu.memory_space<vmem>>
    %dma_start3A_30 = tpu.memref_squeeze %dma_start3A_29 : memref<1x128xi32, #tpu.memory_space<vmem>> -> memref<128xi32, #tpu.memory_space<vmem>>
    %dma_start3A_31 = arith.constant 0 : i32
    %dma_start3A_32 = arith.constant 0 : i32
    %dma_start3A_33 = tpu.memref_slice %arg13[%dma_start3A_31, %dma_start3A_32] : memref<10240x16xf32, #tpu.memory_space<vmem_shared>> -> memref<10240x16xf32, #tpu.memory_space<vmem_shared>>
    tpu.enqueue_indirect_dma source(%dma_start3A_33 : memref<10240x16xf32, #tpu.memory_space<vmem_shared>>) target(%arg9 : memref<128x16xf32, #tpu.memory_space<vmem>>) offsets(%dma_start3A_30 : memref<128xi32, #tpu.memory_space<vmem>>) semaphore(%arg12 : memref<!tpu.dma_semaphore, #tpu.memory_space<semaphore_mem>>)
    %scan3A_34 = arith.constant 0 : i32
    %scan3A_35 = arith.constant 0 : i32
    %scan3A_36 = arith.constant 39 : i32
    %scan3A_37 = arith.addi %scan3A_35, %scan3A_36 : i32
    %scan3A_38 = arith.constant 1 : i32
    scf.for %scan3A_61 = %scan3A_35 to %scan3A_37 step %scan3A_38  : i32 {
      %mul3A_62 = arith.constant 2 : i32
      %mul3A_63 = arith.muli %mul3A_62, %scan3A_61 : i32
      %dma_wait3A_64 = arith.constant 0 : i32
      %dma_wait3A_65 = tpu.memref_slice %arg6[%mul3A_63, %dma_wait3A_64] : memref<80x128xi32, #tpu.memory_space<vmem>> -> memref<1x128xi32, #tpu.memory_space<vmem>>
      %dma_wait3A_66 = tpu.memref_squeeze %dma_wait3A_65 : memref<1x128xi32, #tpu.memory_space<vmem>> -> memref<128xi32, #tpu.memory_space<vmem>>
      %dma_wait3A_67 = arith.constant 0 : i32
      %dma_wait3A_68 = arith.constant 0 : i32
      %dma_wait3A_69 = tpu.memref_slice %arg13[%dma_wait3A_67, %dma_wait3A_68] : memref<10240x16xf32, #tpu.memory_space<vmem_shared>> -> memref<10240x16xf32, #tpu.memory_space<vmem_shared>>
      tpu.wait_indirect_dma semaphore(%arg11 : memref<!tpu.dma_semaphore, #tpu.memory_space<semaphore_mem>>) src(%dma_wait3A_69 : memref<10240x16xf32, #tpu.memory_space<vmem_shared>>) dst(%arg8 : memref<128x16xf32, #tpu.memory_space<vmem>>)
      %mul3A_70 = arith.constant 2 : i32
      %mul3A_71 = arith.muli %mul3A_70, %scan3A_61 : i32
      "tpu.region"() ({
        %run_scoped3A_106 = tpu.sem_alloc : memref<!tpu.dma_semaphore, #tpu.memory_space<semaphore_mem>>
        %dma_start3A_107 = arith.constant 0 : i32
        %dma_start3A_108 = tpu.memref_slice %arg7[%mul3A_71, %dma_start3A_107] : memref<80x128xi32, #tpu.memory_space<vmem>> -> memref<1x128xi32, #tpu.memory_space<vmem>>
        %dma_start3A_109 = tpu.memref_squeeze %dma_start3A_108 : memref<1x128xi32, #tpu.memory_space<vmem>> -> memref<128xi32, #tpu.memory_space<vmem>>
        %dma_start3A_110 = arith.constant 0 : i32
        %dma_start3A_111 = arith.constant 0 : i32
        %dma_start3A_112 = tpu.memref_slice %arg10[%dma_start3A_110, %dma_start3A_111] : memref<10240x16xf32, #tpu.memory_space<vmem_shared>> -> memref<10240x16xf32, #tpu.memory_space<vmem_shared>>
        tpu.enqueue_indirect_dma source(%arg8 : memref<128x16xf32, #tpu.memory_space<vmem>>) target(%dma_start3A_112 : memref<10240x16xf32, #tpu.memory_space<vmem_shared>>) offsets(%dma_start3A_109 : memref<128xi32, #tpu.memory_space<vmem>>) semaphore(%run_scoped3A_106 : memref<!tpu.dma_semaphore, #tpu.memory_space<semaphore_mem>>) {add = true}
        %dma_wait3A_113 = arith.constant 0 : i32
        %dma_wait3A_114 = tpu.memref_slice %arg7[%mul3A_71, %dma_wait3A_113] : memref<80x128xi32, #tpu.memory_space<vmem>> -> memref<1x128xi32, #tpu.memory_space<vmem>>
        %dma_wait3A_115 = tpu.memref_squeeze %dma_wait3A_114 : memref<1x128xi32, #tpu.memory_space<vmem>> -> memref<128xi32, #tpu.memory_space<vmem>>
        %dma_wait3A_116 = arith.constant 0 : i32
        %dma_wait3A_117 = arith.constant 0 : i32
        %dma_wait3A_118 = tpu.memref_slice %arg10[%dma_wait3A_116, %dma_wait3A_117] : memref<10240x16xf32, #tpu.memory_space<vmem_shared>> -> memref<10240x16xf32, #tpu.memory_space<vmem_shared>>
        tpu.wait_indirect_dma semaphore(%run_scoped3A_106 : memref<!tpu.dma_semaphore, #tpu.memory_space<semaphore_mem>>) src(%arg8 : memref<128x16xf32, #tpu.memory_space<vmem>>) dst(%dma_wait3A_118 : memref<10240x16xf32, #tpu.memory_space<vmem_shared>>)
        tpu.yield
      }) : () -> ()
      %mul3A_72 = arith.constant 2 : i32
      %mul3A_73 = arith.muli %mul3A_72, %scan3A_61 : i32
      %add3A_74 = arith.constant 2 : i32
      %add3A_75 = arith.addi %mul3A_73, %add3A_74 : i32
      %dma_start3A_76 = arith.constant 0 : i32
      %dma_start3A_77 = tpu.memref_slice %arg6[%add3A_75, %dma_start3A_76] : memref<80x128xi32, #tpu.memory_space<vmem>> -> memref<1x128xi32, #tpu.memory_space<vmem>>
      %dma_start3A_78 = tpu.memref_squeeze %dma_start3A_77 : memref<1x128xi32, #tpu.memory_space<vmem>> -> memref<128xi32, #tpu.memory_space<vmem>>
      %dma_start3A_79 = arith.constant 0 : i32
      %dma_start3A_80 = arith.constant 0 : i32
      %dma_start3A_81 = tpu.memref_slice %arg13[%dma_start3A_79, %dma_start3A_80] : memref<10240x16xf32, #tpu.memory_space<vmem_shared>> -> memref<10240x16xf32, #tpu.memory_space<vmem_shared>>
      tpu.enqueue_indirect_dma source(%dma_start3A_81 : memref<10240x16xf32, #tpu.memory_space<vmem_shared>>) target(%arg8 : memref<128x16xf32, #tpu.memory_space<vmem>>) offsets(%dma_start3A_78 : memref<128xi32, #tpu.memory_space<vmem>>) semaphore(%arg11 : memref<!tpu.dma_semaphore, #tpu.memory_space<semaphore_mem>>)
      %mul3A_82 = arith.constant 2 : i32
      %mul3A_83 = arith.muli %mul3A_82, %scan3A_61 : i32
      %add3A_84 = arith.constant 1 : i32
      %add3A_85 = arith.addi %mul3A_83, %add3A_84 : i32
      %dma_wait3A_86 = arith.constant 0 : i32
      %dma_wait3A_87 = tpu.memref_slice %arg6[%add3A_85, %dma_wait3A_86] : memref<80x128xi32, #tpu.memory_space<vmem>> -> memref<1x128xi32, #tpu.memory_space<vmem>>
      %dma_wait3A_88 = tpu.memref_squeeze %dma_wait3A_87 : memref<1x128xi32, #tpu.memory_space<vmem>> -> memref<128xi32, #tpu.memory_space<vmem>>
      %dma_wait3A_89 = arith.constant 0 : i32
      %dma_wait3A_90 = arith.constant 0 : i32
      %dma_wait3A_91 = tpu.memref_slice %arg13[%dma_wait3A_89, %dma_wait3A_90] : memref<10240x16xf32, #tpu.memory_space<vmem_shared>> -> memref<10240x16xf32, #tpu.memory_space<vmem_shared>>
      tpu.wait_indirect_dma semaphore(%arg12 : memref<!tpu.dma_semaphore, #tpu.memory_space<semaphore_mem>>) src(%dma_wait3A_91 : memref<10240x16xf32, #tpu.memory_space<vmem_shared>>) dst(%arg9 : memref<128x16xf32, #tpu.memory_space<vmem>>)
      %mul3A_92 = arith.constant 2 : i32
      %mul3A_93 = arith.muli %mul3A_92, %scan3A_61 : i32
      %add3A_94 = arith.constant 1 : i32
      %add3A_95 = arith.addi %mul3A_93, %add3A_94 : i32
      "tpu.region"() ({
        %run_scoped3A_106 = tpu.sem_alloc : memref<!tpu.dma_semaphore, #tpu.memory_space<semaphore_mem>>
        %dma_start3A_107 = arith.constant 0 : i32
        %dma_start3A_108 = tpu.memref_slice %arg7[%add3A_95, %dma_start3A_107] : memref<80x128xi32, #tpu.memory_space<vmem>> -> memref<1x128xi32, #tpu.memory_space<vmem>>
        %dma_start3A_109 = tpu.memref_squeeze %dma_start3A_108 : memref<1x128xi32, #tpu.memory_space<vmem>> -> memref<128xi32, #tpu.memory_space<vmem>>
        %dma_start3A_110 = arith.constant 0 : i32
        %dma_start3A_111 = arith.constant 0 : i32
        %dma_start3A_112 = tpu.memref_slice %arg10[%dma_start3A_110, %dma_start3A_111] : memref<10240x16xf32, #tpu.memory_space<vmem_shared>> -> memref<10240x16xf32, #tpu.memory_space<vmem_shared>>
        tpu.enqueue_indirect_dma source(%arg9 : memref<128x16xf32, #tpu.memory_space<vmem>>) target(%dma_start3A_112 : memref<10240x16xf32, #tpu.memory_space<vmem_shared>>) offsets(%dma_start3A_109 : memref<128xi32, #tpu.memory_space<vmem>>) semaphore(%run_scoped3A_106 : memref<!tpu.dma_semaphore, #tpu.memory_space<semaphore_mem>>) {add = true}
        %dma_wait3A_113 = arith.constant 0 : i32
        %dma_wait3A_114 = tpu.memref_slice %arg7[%add3A_95, %dma_wait3A_113] : memref<80x128xi32, #tpu.memory_space<vmem>> -> memref<1x128xi32, #tpu.memory_space<vmem>>
        %dma_wait3A_115 = tpu.memref_squeeze %dma_wait3A_114 : memref<1x128xi32, #tpu.memory_space<vmem>> -> memref<128xi32, #tpu.memory_space<vmem>>
        %dma_wait3A_116 = arith.constant 0 : i32
        %dma_wait3A_117 = arith.constant 0 : i32
        %dma_wait3A_118 = tpu.memref_slice %arg10[%dma_wait3A_116, %dma_wait3A_117] : memref<10240x16xf32, #tpu.memory_space<vmem_shared>> -> memref<10240x16xf32, #tpu.memory_space<vmem_shared>>
        tpu.wait_indirect_dma semaphore(%run_scoped3A_106 : memref<!tpu.dma_semaphore, #tpu.memory_space<semaphore_mem>>) src(%arg9 : memref<128x16xf32, #tpu.memory_space<vmem>>) dst(%dma_wait3A_118 : memref<10240x16xf32, #tpu.memory_space<vmem_shared>>)
        tpu.yield
      }) : () -> ()
      %mul3A_96 = arith.constant 2 : i32
      %mul3A_97 = arith.muli %mul3A_96, %scan3A_61 : i32
      %add3A_98 = arith.constant 3 : i32
      %add3A_99 = arith.addi %mul3A_97, %add3A_98 : i32
      %dma_start3A_100 = arith.constant 0 : i32
      %dma_start3A_101 = tpu.memref_slice %arg6[%add3A_99, %dma_start3A_100] : memref<80x128xi32, #tpu.memory_space<vmem>> -> memref<1x128xi32, #tpu.memory_space<vmem>>
      %dma_start3A_102 = tpu.memref_squeeze %dma_start3A_101 : memref<1x128xi32, #tpu.memory_space<vmem>> -> memref<128xi32, #tpu.memory_space<vmem>>
      %dma_start3A_103 = arith.constant 0 : i32
      %dma_start3A_104 = arith.constant 0 : i32
      %dma_start3A_105 = tpu.memref_slice %arg13[%dma_start3A_103, %dma_start3A_104] : memref<10240x16xf32, #tpu.memory_space<vmem_shared>> -> memref<10240x16xf32, #tpu.memory_space<vmem_shared>>
      tpu.enqueue_indirect_dma source(%dma_start3A_105 : memref<10240x16xf32, #tpu.memory_space<vmem_shared>>) target(%arg9 : memref<128x16xf32, #tpu.memory_space<vmem>>) offsets(%dma_start3A_102 : memref<128xi32, #tpu.memory_space<vmem>>) semaphore(%arg12 : memref<!tpu.dma_semaphore, #tpu.memory_space<semaphore_mem>>)
    }
    %scan3A_39 = arith.constant 39 : i32
    %dma_wait3A = arith.constant 78 : i32
    %dma_wait3A_40 = arith.constant 0 : i32
    %dma_wait3A_41 = tpu.memref_slice %arg6[%dma_wait3A, %dma_wait3A_40] : memref<80x128xi32, #tpu.memory_space<vmem>> -> memref<1x128xi32, #tpu.memory_space<vmem>>
    %dma_wait3A_42 = tpu.memref_squeeze %dma_wait3A_41 : memref<1x128xi32, #tpu.memory_space<vmem>> -> memref<128xi32, #tpu.memory_space<vmem>>
    %dma_wait3A_43 = arith.constant 0 : i32
    %dma_wait3A_44 = arith.constant 0 : i32
    %dma_wait3A_45 = tpu.memref_slice %arg13[%dma_wait3A_43, %dma_wait3A_44] : memref<10240x16xf32, #tpu.memory_space<vmem_shared>> -> memref<10240x16xf32, #tpu.memory_space<vmem_shared>>
    tpu.wait_indirect_dma semaphore(%arg11 : memref<!tpu.dma_semaphore, #tpu.memory_space<semaphore_mem>>) src(%dma_wait3A_45 : memref<10240x16xf32, #tpu.memory_space<vmem_shared>>) dst(%arg8 : memref<128x16xf32, #tpu.memory_space<vmem>>)
    %run_scoped3A = arith.constant 78 : i32
    "tpu.region"() ({
      %run_scoped3A_61 = tpu.sem_alloc : memref<!tpu.dma_semaphore, #tpu.memory_space<semaphore_mem>>
      %dma_start3A_62 = arith.constant 0 : i32
      %dma_start3A_63 = tpu.memref_slice %arg7[%run_scoped3A, %dma_start3A_62] : memref<80x128xi32, #tpu.memory_space<vmem>> -> memref<1x128xi32, #tpu.memory_space<vmem>>
      %dma_start3A_64 = tpu.memref_squeeze %dma_start3A_63 : memref<1x128xi32, #tpu.memory_space<vmem>> -> memref<128xi32, #tpu.memory_space<vmem>>
      %dma_start3A_65 = arith.constant 0 : i32
      %dma_start3A_66 = arith.constant 0 : i32
      %dma_start3A_67 = tpu.memref_slice %arg10[%dma_start3A_65, %dma_start3A_66] : memref<10240x16xf32, #tpu.memory_space<vmem_shared>> -> memref<10240x16xf32, #tpu.memory_space<vmem_shared>>
      tpu.enqueue_indirect_dma source(%arg8 : memref<128x16xf32, #tpu.memory_space<vmem>>) target(%dma_start3A_67 : memref<10240x16xf32, #tpu.memory_space<vmem_shared>>) offsets(%dma_start3A_64 : memref<128xi32, #tpu.memory_space<vmem>>) semaphore(%run_scoped3A_61 : memref<!tpu.dma_semaphore, #tpu.memory_space<semaphore_mem>>) {add = true}
      %dma_wait3A_68 = arith.constant 0 : i32
      %dma_wait3A_69 = tpu.memref_slice %arg7[%run_scoped3A, %dma_wait3A_68] : memref<80x128xi32, #tpu.memory_space<vmem>> -> memref<1x128xi32, #tpu.memory_space<vmem>>
      %dma_wait3A_70 = tpu.memref_squeeze %dma_wait3A_69 : memref<1x128xi32, #tpu.memory_space<vmem>> -> memref<128xi32, #tpu.memory_space<vmem>>
      %dma_wait3A_71 = arith.constant 0 : i32
      %dma_wait3A_72 = arith.constant 0 : i32
      %dma_wait3A_73 = tpu.memref_slice %arg10[%dma_wait3A_71, %dma_wait3A_72] : memref<10240x16xf32, #tpu.memory_space<vmem_shared>> -> memref<10240x16xf32, #tpu.memory_space<vmem_shared>>
      tpu.wait_indirect_dma semaphore(%run_scoped3A_61 : memref<!tpu.dma_semaphore, #tpu.memory_space<semaphore_mem>>) src(%arg8 : memref<128x16xf32, #tpu.memory_space<vmem>>) dst(%dma_wait3A_73 : memref<10240x16xf32, #tpu.memory_space<vmem_shared>>)
      tpu.yield
    }) : () -> ()
    %dma_wait3A_46 = arith.constant 79 : i32
    %dma_wait3A_47 = arith.constant 0 : i32
    %dma_wait3A_48 = tpu.memref_slice %arg6[%dma_wait3A_46, %dma_wait3A_47] : memref<80x128xi32, #tpu.memory_space<vmem>> -> memref<1x128xi32, #tpu.memory_space<vmem>>
    %dma_wait3A_49 = tpu.memref_squeeze %dma_wait3A_48 : memref<1x128xi32, #tpu.memory_space<vmem>> -> memref<128xi32, #tpu.memory_space<vmem>>
    %dma_wait3A_50 = arith.constant 0 : i32
    %dma_wait3A_51 = arith.constant 0 : i32
    %dma_wait3A_52 = tpu.memref_slice %arg13[%dma_wait3A_50, %dma_wait3A_51] : memref<10240x16xf32, #tpu.memory_space<vmem_shared>> -> memref<10240x16xf32, #tpu.memory_space<vmem_shared>>
    tpu.wait_indirect_dma semaphore(%arg12 : memref<!tpu.dma_semaphore, #tpu.memory_space<semaphore_mem>>) src(%dma_wait3A_52 : memref<10240x16xf32, #tpu.memory_space<vmem_shared>>) dst(%arg9 : memref<128x16xf32, #tpu.memory_space<vmem>>)
    %run_scoped3A_53 = arith.constant 79 : i32
    "tpu.region"() ({
      %run_scoped3A_61 = tpu.sem_alloc : memref<!tpu.dma_semaphore, #tpu.memory_space<semaphore_mem>>
      %dma_start3A_62 = arith.constant 0 : i32
      %dma_start3A_63 = tpu.memref_slice %arg7[%run_scoped3A_53, %dma_start3A_62] : memref<80x128xi32, #tpu.memory_space<vmem>> -> memref<1x128xi32, #tpu.memory_space<vmem>>
      %dma_start3A_64 = tpu.memref_squeeze %dma_start3A_63 : memref<1x128xi32, #tpu.memory_space<vmem>> -> memref<128xi32, #tpu.memory_space<vmem>>
      %dma_start3A_65 = arith.constant 0 : i32
      %dma_start3A_66 = arith.constant 0 : i32
      %dma_start3A_67 = tpu.memref_slice %arg10[%dma_start3A_65, %dma_start3A_66] : memref<10240x16xf32, #tpu.memory_space<vmem_shared>> -> memref<10240x16xf32, #tpu.memory_space<vmem_shared>>
      tpu.enqueue_indirect_dma source(%arg9 : memref<128x16xf32, #tpu.memory_space<vmem>>) target(%dma_start3A_67 : memref<10240x16xf32, #tpu.memory_space<vmem_shared>>) offsets(%dma_start3A_64 : memref<128xi32, #tpu.memory_space<vmem>>) semaphore(%run_scoped3A_61 : memref<!tpu.dma_semaphore, #tpu.memory_space<semaphore_mem>>) {add = true}
      %dma_wait3A_68 = arith.constant 0 : i32
      %dma_wait3A_69 = tpu.memref_slice %arg7[%run_scoped3A_53, %dma_wait3A_68] : memref<80x128xi32, #tpu.memory_space<vmem>> -> memref<1x128xi32, #tpu.memory_space<vmem>>
      %dma_wait3A_70 = tpu.memref_squeeze %dma_wait3A_69 : memref<1x128xi32, #tpu.memory_space<vmem>> -> memref<128xi32, #tpu.memory_space<vmem>>
      %dma_wait3A_71 = arith.constant 0 : i32
      %dma_wait3A_72 = arith.constant 0 : i32
      %dma_wait3A_73 = tpu.memref_slice %arg10[%dma_wait3A_71, %dma_wait3A_72] : memref<10240x16xf32, #tpu.memory_space<vmem_shared>> -> memref<10240x16xf32, #tpu.memory_space<vmem_shared>>
      tpu.wait_indirect_dma semaphore(%run_scoped3A_61 : memref<!tpu.dma_semaphore, #tpu.memory_space<semaphore_mem>>) src(%arg9 : memref<128x16xf32, #tpu.memory_space<vmem>>) dst(%dma_wait3A_73 : memref<10240x16xf32, #tpu.memory_space<vmem_shared>>)
      tpu.yield
    }) : () -> ()
    %barrier3A_54 = arith.constant 0 : index
    tpu.barrier barrier_id(%barrier3A_54)
    %scan3A_55 = arith.constant 0 : i32
    %scan3A_56 = arith.constant 0 : i32
    %scan3A_57 = arith.constant 5 : i32
    %scan3A_58 = arith.addi %scan3A_56, %scan3A_57 : i32
    %scan3A_59 = arith.constant 1 : i32
    scf.for %scan3A_61 = %scan3A_56 to %scan3A_58 step %scan3A_59  : i32 {
      %mul3A_62 = arith.constant 640 : i32
      %mul3A_63 = arith.muli %arg1, %mul3A_62 : i32
      %mul3A_64 = arith.constant 128 : i32
      %mul3A_65 = arith.muli %scan3A_61, %mul3A_64 : i32
      %add3A_66 = arith.addi %mul3A_63, %mul3A_65 : i32
      %mul3A_67 = arith.constant 10240 : i32
      %mul3A_68 = arith.muli %arg0, %mul3A_67 : i32
      %add3A_69 = arith.addi %mul3A_68, %add3A_66 : i32
      "tpu.region"() ({
        %run_scoped3A_70 = tpu.sem_alloc : memref<!tpu.dma_semaphore, #tpu.memory_space<semaphore_mem>>
        %dma_start3A_71 = arith.constant 0 : i32
        %dma_start3A_72 = tpu.memref_slice %arg5[%add3A_69, %dma_start3A_71] : memref<20480x16xf32, #tpu.memory_space<hbm>> -> memref<128x16xf32, #tpu.memory_space<hbm>>
        %dma_start3A_73 = arith.constant 0 : i32
        %dma_start3A_74 = tpu.memref_slice %arg10[%add3A_66, %dma_start3A_73] : memref<10240x16xf32, #tpu.memory_space<vmem_shared>> -> memref<128x16xf32, #tpu.memory_space<vmem_shared>>
        tpu.enqueue_dma source(%dma_start3A_74 : memref<128x16xf32, #tpu.memory_space<vmem_shared>>) target(%dma_start3A_72 : memref<128x16xf32, #tpu.memory_space<hbm>>) target_semaphore(%run_scoped3A_70 : memref<!tpu.dma_semaphore, #tpu.memory_space<semaphore_mem>>)
        %dma_wait3A_75 = arith.constant 0 : i32
        %dma_wait3A_76 = tpu.memref_slice %arg5[%add3A_69, %dma_wait3A_75] : memref<20480x16xf32, #tpu.memory_space<hbm>> -> memref<128x16xf32, #tpu.memory_space<hbm>>
        %dma_wait3A_77 = arith.constant 0 : i32
        %dma_wait3A_78 = tpu.memref_slice %arg10[%add3A_66, %dma_wait3A_77] : memref<10240x16xf32, #tpu.memory_space<vmem_shared>> -> memref<128x16xf32, #tpu.memory_space<vmem_shared>>
        tpu.wait_dma2 semaphore(%run_scoped3A_70 : memref<!tpu.dma_semaphore, #tpu.memory_space<semaphore_mem>>) src(%dma_wait3A_78 : memref<128x16xf32, #tpu.memory_space<vmem_shared>>) dst(%dma_wait3A_76 : memref<128x16xf32, #tpu.memory_space<hbm>>)
        tpu.yield
      }) : () -> ()
    }
    %scan3A_60 = arith.constant 5 : i32
    return
  }
}

module attributes {stable_mosaic.version = 14 : i64} {
  func.func @_tc1_body(%arg0: memref<2x10240x1xf32, #tpu.memory_space<vmem>>, %arg1: memref<10240x128xf32, #tpu.memory_space<vmem>>, %arg2: memref<128x128xf32, #tpu.memory_space<vmem>>, %arg3: memref<10240x1xf32, #tpu.memory_space<vmem>>, %arg4: memref<10240x128xf32, #tpu.memory_space<vmem>>) attributes {dimension_semantics = [], scalar_prefetch = 0 : i64, scratch_operands = 0 : i64, tpu.core_type = #tpu.core_type<tc>} {
    %get3A = arith.constant 0 : index
    %get3A_0 = arith.constant 0 : index
    %get3A_1 = arith.constant 0 : index
    %get3A_2 = vector.load %arg0[%get3A, %get3A_0, %get3A_1] : memref<2x10240x1xf32, #tpu.memory_space<vmem>>, vector<1x10240x1xf32>
    %get3A_3 = vector.shape_cast %get3A_2 : vector<1x10240x1xf32> to vector<10240x1xf32>
    %get3A_4 = arith.constant 1 : index
    %get3A_5 = arith.constant 0 : index
    %get3A_6 = arith.constant 0 : index
    %get3A_7 = vector.load %arg0[%get3A_4, %get3A_5, %get3A_6] : memref<2x10240x1xf32, #tpu.memory_space<vmem>>, vector<1x10240x1xf32>
    %get3A_8 = vector.shape_cast %get3A_7 : vector<1x10240x1xf32> to vector<10240x1xf32>
    %add3A = arith.addf %get3A_3, %get3A_8 : vector<10240x1xf32>
    %add3A_9 = arith.constant 1.000000e+00 : f32
    %add3A_10 = vector.broadcast %add3A_9 : f32 to vector<10240x1xf32>
    %add3A_11 = arith.addf %add3A, %add3A_10 : vector<10240x1xf32>
    %rsqrt3A = math.rsqrt %add3A_11 : vector<10240x1xf32>
    %swap3A = arith.constant 0 : index
    %swap3A_12 = arith.constant 0 : index
    %swap3A_13 = vector.load %arg3[%swap3A, %swap3A_12] : memref<10240x1xf32, #tpu.memory_space<vmem>>, vector<10240x1xf32>
    tpu.vector_store %arg3[%swap3A, %swap3A_12], %rsqrt3A {strides = array<i32>} : memref<10240x1xf32, #tpu.memory_space<vmem>>, vector<10240x1xf32>,
    %get3A_14 = arith.constant 0 : index
    %get3A_15 = arith.constant 0 : index
    %get3A_16 = vector.load %arg1[%get3A_14, %get3A_15] : memref<10240x128xf32, #tpu.memory_space<vmem>>, vector<10240x128xf32>
    %get3A_17 = arith.constant 0 : index
    %get3A_18 = arith.constant 0 : index
    %get3A_19 = vector.load %arg2[%get3A_17, %get3A_18] : memref<128x128xf32, #tpu.memory_space<vmem>>, vector<128x128xf32>
    %dot_general3A = arith.constant dense<0.000000e+00> : vector<10240x128xf32>
    %dot_general3A_20 = tpu.matmul %get3A_16, %get3A_19, %dot_general3A {dimension_numbers = #tpu.dot_dimension_numbers<[1], [0], [0], [1], [0, 0, 1, 1], [], []>, transpose_lhs_hint = false} : vector<10240x128xf32>, vector<128x128xf32>, vector<10240x128xf32> -> vector<10240x128xf32>
    %mul3A = vector.broadcast %rsqrt3A : vector<10240x1xf32> to vector<10240x128xf32>
    %mul3A_21 = arith.mulf %dot_general3A_20, %mul3A : vector<10240x128xf32>
    %swap3A_22 = arith.constant 0 : index
    %swap3A_23 = arith.constant 0 : index
    %swap3A_24 = vector.load %arg4[%swap3A_22, %swap3A_23] : memref<10240x128xf32, #tpu.memory_space<vmem>>, vector<10240x128xf32>
    tpu.vector_store %arg4[%swap3A_22, %swap3A_23], %mul3A_21 {strides = array<i32>} : memref<10240x128xf32, #tpu.memory_space<vmem>>, vector<10240x128xf32>,
    return
  }
}

module attributes {stable_mosaic.version = 14 : i64} {
  func.func @_tc2_body(%arg0: memref<2x10240x128xf32, #tpu.memory_space<vmem>>, %arg1: memref<10240x128xf32, #tpu.memory_space<vmem>>, %arg2: memref<10240x1xf32, #tpu.memory_space<vmem>>, %arg3: memref<128xf32, #tpu.memory_space<vmem>>, %arg4: memref<128xf32, #tpu.memory_space<vmem>>, %arg5: memref<128xf32, #tpu.memory_space<vmem>>, %arg6: memref<128x64xf32, #tpu.memory_space<vmem>>, %arg7: memref<128x64xf32, #tpu.memory_space<vmem>>, %arg8: memref<64xf32, #tpu.memory_space<vmem>>, %arg9: memref<10240x64xf32, #tpu.memory_space<vmem>>, %arg10: memref<10240x64xf32, #tpu.memory_space<vmem>>) attributes {dimension_semantics = [], scalar_prefetch = 0 : i64, scratch_operands = 0 : i64, tpu.core_type = #tpu.core_type<tc>} {
    %get3A = arith.constant 0 : index
    %get3A_0 = arith.constant 0 : index
    %get3A_1 = vector.load %arg2[%get3A, %get3A_0] : memref<10240x1xf32, #tpu.memory_space<vmem>>, vector<10240x1xf32>
    %get3A_2 = arith.constant 0 : index
    %get3A_3 = arith.constant 0 : index
    %get3A_4 = arith.constant 0 : index
    %get3A_5 = vector.load %arg0[%get3A_2, %get3A_3, %get3A_4] : memref<2x10240x128xf32, #tpu.memory_space<vmem>>, vector<1x10240x128xf32>
    %get3A_6 = vector.shape_cast %get3A_5 : vector<1x10240x128xf32> to vector<10240x128xf32>
    %get3A_7 = arith.constant 1 : index
    %get3A_8 = arith.constant 0 : index
    %get3A_9 = arith.constant 0 : index
    %get3A_10 = vector.load %arg0[%get3A_7, %get3A_8, %get3A_9] : memref<2x10240x128xf32, #tpu.memory_space<vmem>>, vector<1x10240x128xf32>
    %get3A_11 = vector.shape_cast %get3A_10 : vector<1x10240x128xf32> to vector<10240x128xf32>
    %add3A = arith.addf %get3A_6, %get3A_11 : vector<10240x128xf32>
    %get3A_12 = arith.constant 0 : index
    %get3A_13 = arith.constant 0 : index
    %get3A_14 = vector.load %arg1[%get3A_12, %get3A_13] : memref<10240x128xf32, #tpu.memory_space<vmem>>, vector<10240x128xf32>
    %add3A_15 = arith.addf %add3A, %get3A_14 : vector<10240x128xf32>
    %mul3A = vector.broadcast %get3A_1 : vector<10240x1xf32> to vector<10240x128xf32>
    %mul3A_16 = arith.mulf %mul3A, %add3A_15 : vector<10240x128xf32>
    %get3A_17 = arith.constant 0 : index
    %get3A_18 = vector.load %arg3[%get3A_17] : memref<128xf32, #tpu.memory_space<vmem>>, vector<128xf32>
    %broadcast_in_dim3A = vector.shape_cast %get3A_18 : vector<128xf32> to vector<1x128xf32>
    %add3A_19 = vector.broadcast %broadcast_in_dim3A : vector<1x128xf32> to vector<10240x128xf32>
    %add3A_20 = arith.addf %mul3A_16, %add3A_19 : vector<10240x128xf32>
    %iota3A = tpu.iota {dimensions = array<i32: 0>} : vector<10240x1xi32>
    %lt3A = arith.constant 10000 : i32
    %lt3A_21 = vector.broadcast %lt3A : i32 to vector<10240x1xi32>
    %lt3A_22 = arith.cmpi slt, %iota3A, %lt3A_21 : vector<10240x1xi32>
    %jit3A = arith.constant 0.000000e+00 : f32
    %broadcast_in_dim3A_23 = vector.shape_cast %lt3A_22 : vector<10240x1xi1> to vector<10240x1xi1>
    %broadcast_in_dim3A_24 = vector.broadcast %broadcast_in_dim3A_23 : vector<10240x1xi1> to vector<10240x128xi1>
    %broadcast_in_dim3A_25 = vector.broadcast %jit3A : f32 to vector<10240x128xf32>
    %select_n3A = arith.select %broadcast_in_dim3A_24, %add3A_20, %broadcast_in_dim3A_25 : vector<10240x128xi1>, vector<10240x128xf32>
    %reduce_sum3A = arith.constant dense<0.000000e+00> : vector<128xf32>
    %reduce_sum3A_26 = vector.multi_reduction <add>, %select_n3A, %reduce_sum3A [0] : vector<10240x128xf32> to vector<128xf32>
    %broadcast_in_dim3A_27 = vector.shape_cast %reduce_sum3A_26 : vector<128xf32> to vector<1x128xf32>
    %div3A = arith.constant 1.000000e+04 : f32
    %div3A_28 = vector.broadcast %div3A : f32 to vector<1x128xf32>
    %div3A_29 = arith.divf %broadcast_in_dim3A_27, %div3A_28 : vector<1x128xf32>
    %sub3A = vector.broadcast %div3A_29 : vector<1x128xf32> to vector<10240x128xf32>
    %sub3A_30 = arith.subf %add3A_20, %sub3A : vector<10240x128xf32>
    %jit3A_31 = arith.constant 0.000000e+00 : f32
    %broadcast_in_dim3A_32 = vector.shape_cast %lt3A_22 : vector<10240x1xi1> to vector<10240x1xi1>
    %broadcast_in_dim3A_33 = vector.broadcast %broadcast_in_dim3A_32 : vector<10240x1xi1> to vector<10240x128xi1>
    %broadcast_in_dim3A_34 = vector.broadcast %jit3A_31 : f32 to vector<10240x128xf32>
    %select_n3A_35 = arith.select %broadcast_in_dim3A_33, %sub3A_30, %broadcast_in_dim3A_34 : vector<10240x128xi1>, vector<10240x128xf32>
    %mul3A_36 = arith.mulf %select_n3A_35, %select_n3A_35 : vector<10240x128xf32>
    %reduce_sum3A_37 = arith.constant dense<0.000000e+00> : vector<128xf32>
    %reduce_sum3A_38 = vector.multi_reduction <add>, %mul3A_36, %reduce_sum3A_37 [0] : vector<10240x128xf32> to vector<128xf32>
    %broadcast_in_dim3A_39 = vector.shape_cast %reduce_sum3A_38 : vector<128xf32> to vector<1x128xf32>
    %div3A_40 = arith.constant 1.000000e+04 : f32
    %div3A_41 = vector.broadcast %div3A_40 : f32 to vector<1x128xf32>
    %div3A_42 = arith.divf %broadcast_in_dim3A_39, %div3A_41 : vector<1x128xf32>
    %get3A_43 = arith.constant 0 : index
    %get3A_44 = vector.load %arg4[%get3A_43] : memref<128xf32, #tpu.memory_space<vmem>>, vector<128xf32>
    %sub3A_45 = vector.broadcast %div3A_29 : vector<1x128xf32> to vector<10240x128xf32>
    %sub3A_46 = arith.subf %add3A_20, %sub3A_45 : vector<10240x128xf32>
    %broadcast_in_dim3A_47 = vector.shape_cast %get3A_44 : vector<128xf32> to vector<1x128xf32>
    %mul3A_48 = vector.broadcast %broadcast_in_dim3A_47 : vector<1x128xf32> to vector<10240x128xf32>
    %mul3A_49 = arith.mulf %mul3A_48, %sub3A_46 : vector<10240x128xf32>
    %add3A_50 = arith.constant 9.99999974E-6 : f32
    %add3A_51 = vector.broadcast %add3A_50 : f32 to vector<1x128xf32>
    %add3A_52 = arith.addf %div3A_42, %add3A_51 : vector<1x128xf32>
    %rsqrt3A = math.rsqrt %add3A_52 : vector<1x128xf32>
    %mul3A_53 = vector.broadcast %rsqrt3A : vector<1x128xf32> to vector<10240x128xf32>
    %mul3A_54 = arith.mulf %mul3A_49, %mul3A_53 : vector<10240x128xf32>
    %get3A_55 = arith.constant 0 : index
    %get3A_56 = vector.load %arg5[%get3A_55] : memref<128xf32, #tpu.memory_space<vmem>>, vector<128xf32>
    %broadcast_in_dim3A_57 = vector.shape_cast %get3A_56 : vector<128xf32> to vector<1x128xf32>
    %add3A_58 = vector.broadcast %broadcast_in_dim3A_57 : vector<1x128xf32> to vector<10240x128xf32>
    %add3A_59 = arith.addf %mul3A_54, %add3A_58 : vector<10240x128xf32>
    %max3A = arith.constant 0.000000e+00 : f32
    %max3A_60 = vector.broadcast %max3A : f32 to vector<10240x128xf32>
    %max3A_61 = arith.maximumf %add3A_59, %max3A_60 : vector<10240x128xf32>
    %jit3A_62 = arith.constant 0.000000e+00 : f32
    %broadcast_in_dim3A_63 = vector.shape_cast %lt3A_22 : vector<10240x1xi1> to vector<10240x1xi1>
    %broadcast_in_dim3A_64 = vector.broadcast %broadcast_in_dim3A_63 : vector<10240x1xi1> to vector<10240x128xi1>
    %broadcast_in_dim3A_65 = vector.broadcast %jit3A_62 : f32 to vector<10240x128xf32>
    %select_n3A_66 = arith.select %broadcast_in_dim3A_64, %max3A_61, %broadcast_in_dim3A_65 : vector<10240x128xi1>, vector<10240x128xf32>
    %get3A_67 = arith.constant 0 : index
    %get3A_68 = arith.constant 0 : index
    %get3A_69 = vector.load %arg6[%get3A_67, %get3A_68] : memref<128x64xf32, #tpu.memory_space<vmem>>, vector<128x64xf32>
    %dot_general3A = arith.constant dense<0.000000e+00> : vector<10240x64xf32>
    %dot_general3A_70 = tpu.matmul %select_n3A_66, %get3A_69, %dot_general3A {dimension_numbers = #tpu.dot_dimension_numbers<[1], [0], [0], [1], [0, 0, 1, 1], [], []>, transpose_lhs_hint = false} : vector<10240x128xf32>, vector<128x64xf32>, vector<10240x64xf32> -> vector<10240x64xf32>
    %mul3A_71 = vector.broadcast %get3A_1 : vector<10240x1xf32> to vector<10240x64xf32>
    %mul3A_72 = arith.mulf %dot_general3A_70, %mul3A_71 : vector<10240x64xf32>
    %swap3A = arith.constant 0 : index
    %swap3A_73 = arith.constant 0 : index
    %swap3A_74 = vector.load %arg9[%swap3A, %swap3A_73] : memref<10240x64xf32, #tpu.memory_space<vmem>>, vector<10240x64xf32>
    tpu.vector_store %arg9[%swap3A, %swap3A_73], %mul3A_72 {strides = array<i32>} : memref<10240x64xf32, #tpu.memory_space<vmem>>, vector<10240x64xf32>,
    %get3A_75 = arith.constant 0 : index
    %get3A_76 = arith.constant 0 : index
    %get3A_77 = vector.load %arg7[%get3A_75, %get3A_76] : memref<128x64xf32, #tpu.memory_space<vmem>>, vector<128x64xf32>
    %dot_general3A_78 = arith.constant dense<0.000000e+00> : vector<10240x64xf32>
    %dot_general3A_79 = tpu.matmul %select_n3A_66, %get3A_77, %dot_general3A_78 {dimension_numbers = #tpu.dot_dimension_numbers<[1], [0], [0], [1], [0, 0, 1, 1], [], []>, transpose_lhs_hint = false} : vector<10240x128xf32>, vector<128x64xf32>, vector<10240x64xf32> -> vector<10240x64xf32>
    %get3A_80 = arith.constant 0 : index
    %get3A_81 = vector.load %arg8[%get3A_80] : memref<64xf32, #tpu.memory_space<vmem>>, vector<64xf32>
    %broadcast_in_dim3A_82 = vector.shape_cast %get3A_81 : vector<64xf32> to vector<1x64xf32>
    %add3A_83 = vector.broadcast %broadcast_in_dim3A_82 : vector<1x64xf32> to vector<10240x64xf32>
    %add3A_84 = arith.addf %dot_general3A_79, %add3A_83 : vector<10240x64xf32>
    %swap3A_85 = arith.constant 0 : index
    %swap3A_86 = arith.constant 0 : index
    %swap3A_87 = vector.load %arg10[%swap3A_85, %swap3A_86] : memref<10240x64xf32, #tpu.memory_space<vmem>>, vector<10240x64xf32>
    tpu.vector_store %arg10[%swap3A_85, %swap3A_86], %add3A_84 {strides = array<i32>} : memref<10240x64xf32, #tpu.memory_space<vmem>>, vector<10240x64xf32>,
    return
  }
}

module attributes {stable_mosaic.version = 14 : i64} {
  func.func @_tc3_body(%arg0: memref<2x10240x64xf32, #tpu.memory_space<vmem>>, %arg1: memref<10240x64xf32, #tpu.memory_space<vmem>>, %arg2: memref<10240x64xf32, #tpu.memory_space<vmem>>, %arg3: memref<10240x1xf32, #tpu.memory_space<vmem>>, %arg4: memref<64xf32, #tpu.memory_space<vmem>>, %arg5: memref<64xf32, #tpu.memory_space<vmem>>, %arg6: memref<64xf32, #tpu.memory_space<vmem>>, %arg7: memref<64xf32, #tpu.memory_space<vmem>>, %arg8: memref<64xf32, #tpu.memory_space<vmem>>, %arg9: memref<64x16xf32, #tpu.memory_space<vmem>>, %arg10: memref<10240x16xf32, #tpu.memory_space<vmem>>) attributes {dimension_semantics = [], scalar_prefetch = 0 : i64, scratch_operands = 0 : i64, tpu.core_type = #tpu.core_type<tc>} {
    %get3A = arith.constant 0 : index
    %get3A_0 = arith.constant 0 : index
    %get3A_1 = vector.load %arg3[%get3A, %get3A_0] : memref<10240x1xf32, #tpu.memory_space<vmem>>, vector<10240x1xf32>
    %get3A_2 = arith.constant 0 : index
    %get3A_3 = arith.constant 0 : index
    %get3A_4 = arith.constant 0 : index
    %get3A_5 = vector.load %arg0[%get3A_2, %get3A_3, %get3A_4] : memref<2x10240x64xf32, #tpu.memory_space<vmem>>, vector<1x10240x64xf32>
    %get3A_6 = vector.shape_cast %get3A_5 : vector<1x10240x64xf32> to vector<10240x64xf32>
    %get3A_7 = arith.constant 1 : index
    %get3A_8 = arith.constant 0 : index
    %get3A_9 = arith.constant 0 : index
    %get3A_10 = vector.load %arg0[%get3A_7, %get3A_8, %get3A_9] : memref<2x10240x64xf32, #tpu.memory_space<vmem>>, vector<1x10240x64xf32>
    %get3A_11 = vector.shape_cast %get3A_10 : vector<1x10240x64xf32> to vector<10240x64xf32>
    %add3A = arith.addf %get3A_6, %get3A_11 : vector<10240x64xf32>
    %get3A_12 = arith.constant 0 : index
    %get3A_13 = arith.constant 0 : index
    %get3A_14 = vector.load %arg1[%get3A_12, %get3A_13] : memref<10240x64xf32, #tpu.memory_space<vmem>>, vector<10240x64xf32>
    %add3A_15 = arith.addf %add3A, %get3A_14 : vector<10240x64xf32>
    %mul3A = vector.broadcast %get3A_1 : vector<10240x1xf32> to vector<10240x64xf32>
    %mul3A_16 = arith.mulf %mul3A, %add3A_15 : vector<10240x64xf32>
    %get3A_17 = arith.constant 0 : index
    %get3A_18 = vector.load %arg4[%get3A_17] : memref<64xf32, #tpu.memory_space<vmem>>, vector<64xf32>
    %broadcast_in_dim3A = vector.shape_cast %get3A_18 : vector<64xf32> to vector<1x64xf32>
    %add3A_19 = vector.broadcast %broadcast_in_dim3A : vector<1x64xf32> to vector<10240x64xf32>
    %add3A_20 = arith.addf %mul3A_16, %add3A_19 : vector<10240x64xf32>
    %iota3A = tpu.iota {dimensions = array<i32: 0>} : vector<10240x1xi32>
    %lt3A = arith.constant 10000 : i32
    %lt3A_21 = vector.broadcast %lt3A : i32 to vector<10240x1xi32>
    %lt3A_22 = arith.cmpi slt, %iota3A, %lt3A_21 : vector<10240x1xi32>
    %jit3A = arith.constant 0.000000e+00 : f32
    %broadcast_in_dim3A_23 = vector.shape_cast %lt3A_22 : vector<10240x1xi1> to vector<10240x1xi1>
    %broadcast_in_dim3A_24 = vector.broadcast %broadcast_in_dim3A_23 : vector<10240x1xi1> to vector<10240x64xi1>
    %broadcast_in_dim3A_25 = vector.broadcast %jit3A : f32 to vector<10240x64xf32>
    %select_n3A = arith.select %broadcast_in_dim3A_24, %add3A_20, %broadcast_in_dim3A_25 : vector<10240x64xi1>, vector<10240x64xf32>
    %reduce_sum3A = arith.constant dense<0.000000e+00> : vector<64xf32>
    %reduce_sum3A_26 = vector.multi_reduction <add>, %select_n3A, %reduce_sum3A [0] : vector<10240x64xf32> to vector<64xf32>
    %broadcast_in_dim3A_27 = vector.shape_cast %reduce_sum3A_26 : vector<64xf32> to vector<1x64xf32>
    %div3A = arith.constant 1.000000e+04 : f32
    %div3A_28 = vector.broadcast %div3A : f32 to vector<1x64xf32>
    %div3A_29 = arith.divf %broadcast_in_dim3A_27, %div3A_28 : vector<1x64xf32>
    %sub3A = vector.broadcast %div3A_29 : vector<1x64xf32> to vector<10240x64xf32>
    %sub3A_30 = arith.subf %add3A_20, %sub3A : vector<10240x64xf32>
    %jit3A_31 = arith.constant 0.000000e+00 : f32
    %broadcast_in_dim3A_32 = vector.shape_cast %lt3A_22 : vector<10240x1xi1> to vector<10240x1xi1>
    %broadcast_in_dim3A_33 = vector.broadcast %broadcast_in_dim3A_32 : vector<10240x1xi1> to vector<10240x64xi1>
    %broadcast_in_dim3A_34 = vector.broadcast %jit3A_31 : f32 to vector<10240x64xf32>
    %select_n3A_35 = arith.select %broadcast_in_dim3A_33, %sub3A_30, %broadcast_in_dim3A_34 : vector<10240x64xi1>, vector<10240x64xf32>
    %mul3A_36 = arith.mulf %select_n3A_35, %select_n3A_35 : vector<10240x64xf32>
    %reduce_sum3A_37 = arith.constant dense<0.000000e+00> : vector<64xf32>
    %reduce_sum3A_38 = vector.multi_reduction <add>, %mul3A_36, %reduce_sum3A_37 [0] : vector<10240x64xf32> to vector<64xf32>
    %broadcast_in_dim3A_39 = vector.shape_cast %reduce_sum3A_38 : vector<64xf32> to vector<1x64xf32>
    %div3A_40 = arith.constant 1.000000e+04 : f32
    %div3A_41 = vector.broadcast %div3A_40 : f32 to vector<1x64xf32>
    %div3A_42 = arith.divf %broadcast_in_dim3A_39, %div3A_41 : vector<1x64xf32>
    %get3A_43 = arith.constant 0 : index
    %get3A_44 = vector.load %arg5[%get3A_43] : memref<64xf32, #tpu.memory_space<vmem>>, vector<64xf32>
    %sub3A_45 = vector.broadcast %div3A_29 : vector<1x64xf32> to vector<10240x64xf32>
    %sub3A_46 = arith.subf %add3A_20, %sub3A_45 : vector<10240x64xf32>
    %broadcast_in_dim3A_47 = vector.shape_cast %get3A_44 : vector<64xf32> to vector<1x64xf32>
    %mul3A_48 = vector.broadcast %broadcast_in_dim3A_47 : vector<1x64xf32> to vector<10240x64xf32>
    %mul3A_49 = arith.mulf %mul3A_48, %sub3A_46 : vector<10240x64xf32>
    %add3A_50 = arith.constant 9.99999974E-6 : f32
    %add3A_51 = vector.broadcast %add3A_50 : f32 to vector<1x64xf32>
    %add3A_52 = arith.addf %div3A_42, %add3A_51 : vector<1x64xf32>
    %rsqrt3A = math.rsqrt %add3A_52 : vector<1x64xf32>
    %mul3A_53 = vector.broadcast %rsqrt3A : vector<1x64xf32> to vector<10240x64xf32>
    %mul3A_54 = arith.mulf %mul3A_49, %mul3A_53 : vector<10240x64xf32>
    %get3A_55 = arith.constant 0 : index
    %get3A_56 = vector.load %arg6[%get3A_55] : memref<64xf32, #tpu.memory_space<vmem>>, vector<64xf32>
    %broadcast_in_dim3A_57 = vector.shape_cast %get3A_56 : vector<64xf32> to vector<1x64xf32>
    %add3A_58 = vector.broadcast %broadcast_in_dim3A_57 : vector<1x64xf32> to vector<10240x64xf32>
    %add3A_59 = arith.addf %mul3A_54, %add3A_58 : vector<10240x64xf32>
    %max3A = arith.constant 0.000000e+00 : f32
    %max3A_60 = vector.broadcast %max3A : f32 to vector<10240x64xf32>
    %max3A_61 = arith.maximumf %add3A_59, %max3A_60 : vector<10240x64xf32>
    %jit3A_62 = arith.constant 0.000000e+00 : f32
    %broadcast_in_dim3A_63 = vector.shape_cast %lt3A_22 : vector<10240x1xi1> to vector<10240x1xi1>
    %broadcast_in_dim3A_64 = vector.broadcast %broadcast_in_dim3A_63 : vector<10240x1xi1> to vector<10240x64xi1>
    %broadcast_in_dim3A_65 = vector.broadcast %jit3A_62 : f32 to vector<10240x64xf32>
    %select_n3A_66 = arith.select %broadcast_in_dim3A_64, %max3A_61, %broadcast_in_dim3A_65 : vector<10240x64xi1>, vector<10240x64xf32>
    %get3A_67 = arith.constant 0 : index
    %get3A_68 = arith.constant 0 : index
    %get3A_69 = vector.load %arg2[%get3A_67, %get3A_68] : memref<10240x64xf32, #tpu.memory_space<vmem>>, vector<10240x64xf32>
    %add3A_70 = arith.addf %get3A_69, %select_n3A_66 : vector<10240x64xf32>
    %reduce_sum3A_71 = arith.constant dense<0.000000e+00> : vector<10240xf32>
    %reduce_sum3A_72 = vector.multi_reduction <add>, %add3A_70, %reduce_sum3A_71 [1] : vector<10240x64xf32> to vector<10240xf32>
    %broadcast_in_dim3A_73 = vector.shape_cast %reduce_sum3A_72 : vector<10240xf32> to vector<10240x1xf32>
    %div3A_74 = arith.constant 6.400000e+01 : f32
    %div3A_75 = vector.broadcast %div3A_74 : f32 to vector<10240x1xf32>
    %div3A_76 = arith.divf %broadcast_in_dim3A_73, %div3A_75 : vector<10240x1xf32>
    %sub3A_77 = vector.broadcast %div3A_76 : vector<10240x1xf32> to vector<10240x64xf32>
    %sub3A_78 = arith.subf %add3A_70, %sub3A_77 : vector<10240x64xf32>
    %sub3A_79 = vector.broadcast %div3A_76 : vector<10240x1xf32> to vector<10240x64xf32>
    %sub3A_80 = arith.subf %add3A_70, %sub3A_79 : vector<10240x64xf32>
    %mul3A_81 = arith.mulf %sub3A_78, %sub3A_80 : vector<10240x64xf32>
    %reduce_sum3A_82 = arith.constant dense<0.000000e+00> : vector<10240xf32>
    %reduce_sum3A_83 = vector.multi_reduction <add>, %mul3A_81, %reduce_sum3A_82 [1] : vector<10240x64xf32> to vector<10240xf32>
    %broadcast_in_dim3A_84 = vector.shape_cast %reduce_sum3A_83 : vector<10240xf32> to vector<10240x1xf32>
    %div3A_85 = arith.constant 6.400000e+01 : f32
    %div3A_86 = vector.broadcast %div3A_85 : f32 to vector<10240x1xf32>
    %div3A_87 = arith.divf %broadcast_in_dim3A_84, %div3A_86 : vector<10240x1xf32>
    %get3A_88 = arith.constant 0 : index
    %get3A_89 = vector.load %arg7[%get3A_88] : memref<64xf32, #tpu.memory_space<vmem>>, vector<64xf32>
    %sub3A_90 = vector.broadcast %div3A_76 : vector<10240x1xf32> to vector<10240x64xf32>
    %sub3A_91 = arith.subf %add3A_70, %sub3A_90 : vector<10240x64xf32>
    %broadcast_in_dim3A_92 = vector.shape_cast %get3A_89 : vector<64xf32> to vector<1x64xf32>
    %mul3A_93 = vector.broadcast %broadcast_in_dim3A_92 : vector<1x64xf32> to vector<10240x64xf32>
    %mul3A_94 = arith.mulf %mul3A_93, %sub3A_91 : vector<10240x64xf32>
    %add3A_95 = arith.constant 9.99999974E-6 : f32
    %add3A_96 = vector.broadcast %add3A_95 : f32 to vector<10240x1xf32>
    %add3A_97 = arith.addf %div3A_87, %add3A_96 : vector<10240x1xf32>
    %rsqrt3A_98 = math.rsqrt %add3A_97 : vector<10240x1xf32>
    %mul3A_99 = vector.broadcast %rsqrt3A_98 : vector<10240x1xf32> to vector<10240x64xf32>
    %mul3A_100 = arith.mulf %mul3A_94, %mul3A_99 : vector<10240x64xf32>
    %get3A_101 = arith.constant 0 : index
    %get3A_102 = vector.load %arg8[%get3A_101] : memref<64xf32, #tpu.memory_space<vmem>>, vector<64xf32>
    %broadcast_in_dim3A_103 = vector.shape_cast %get3A_102 : vector<64xf32> to vector<1x64xf32>
    %add3A_104 = vector.broadcast %broadcast_in_dim3A_103 : vector<1x64xf32> to vector<10240x64xf32>
    %add3A_105 = arith.addf %mul3A_100, %add3A_104 : vector<10240x64xf32>
    %max3A_106 = arith.constant 0.000000e+00 : f32
    %max3A_107 = vector.broadcast %max3A_106 : f32 to vector<10240x64xf32>
    %max3A_108 = arith.maximumf %add3A_105, %max3A_107 : vector<10240x64xf32>
    %jit3A_109 = arith.constant 0.000000e+00 : f32
    %broadcast_in_dim3A_110 = vector.shape_cast %lt3A_22 : vector<10240x1xi1> to vector<10240x1xi1>
    %broadcast_in_dim3A_111 = vector.broadcast %broadcast_in_dim3A_110 : vector<10240x1xi1> to vector<10240x64xi1>
    %broadcast_in_dim3A_112 = vector.broadcast %jit3A_109 : f32 to vector<10240x64xf32>
    %select_n3A_113 = arith.select %broadcast_in_dim3A_111, %max3A_108, %broadcast_in_dim3A_112 : vector<10240x64xi1>, vector<10240x64xf32>
    %get3A_114 = arith.constant 0 : index
    %get3A_115 = arith.constant 0 : index
    %get3A_116 = vector.load %arg9[%get3A_114, %get3A_115] : memref<64x16xf32, #tpu.memory_space<vmem>>, vector<64x16xf32>
    %dot_general3A = arith.constant dense<0.000000e+00> : vector<10240x16xf32>
    %dot_general3A_117 = tpu.matmul %select_n3A_113, %get3A_116, %dot_general3A {dimension_numbers = #tpu.dot_dimension_numbers<[1], [0], [0], [1], [0, 0, 1, 1], [], []>, transpose_lhs_hint = false} : vector<10240x64xf32>, vector<64x16xf32>, vector<10240x16xf32> -> vector<10240x16xf32>
    %mul3A_118 = vector.broadcast %get3A_1 : vector<10240x1xf32> to vector<10240x16xf32>
    %mul3A_119 = arith.mulf %dot_general3A_117, %mul3A_118 : vector<10240x16xf32>
    %swap3A = arith.constant 0 : index
    %swap3A_120 = arith.constant 0 : index
    %swap3A_121 = vector.load %arg10[%swap3A, %swap3A_120] : memref<10240x16xf32, #tpu.memory_space<vmem>>, vector<10240x16xf32>
    tpu.vector_store %arg10[%swap3A, %swap3A_120], %mul3A_119 {strides = array<i32>} : memref<10240x16xf32, #tpu.memory_space<vmem>>, vector<10240x16xf32>,
    return
  }
}

module attributes {stable_mosaic.version = 14 : i64} {
  func.func @_tc4_body(%arg0: memref<2x10240x16xf32, #tpu.memory_space<vmem>>, %arg1: memref<10240x16xf32, #tpu.memory_space<vmem>>, %arg2: memref<10240x1xf32, #tpu.memory_space<vmem>>, %arg3: memref<16xf32, #tpu.memory_space<vmem>>, %arg4: memref<10240x16xf32, #tpu.memory_space<vmem>>) attributes {dimension_semantics = [], scalar_prefetch = 0 : i64, scratch_operands = 0 : i64, tpu.core_type = #tpu.core_type<tc>} {
    %get3A = arith.constant 0 : index
    %get3A_0 = arith.constant 0 : index
    %get3A_1 = vector.load %arg2[%get3A, %get3A_0] : memref<10240x1xf32, #tpu.memory_space<vmem>>, vector<10240x1xf32>
    %get3A_2 = arith.constant 0 : index
    %get3A_3 = arith.constant 0 : index
    %get3A_4 = arith.constant 0 : index
    %get3A_5 = vector.load %arg0[%get3A_2, %get3A_3, %get3A_4] : memref<2x10240x16xf32, #tpu.memory_space<vmem>>, vector<1x10240x16xf32>
    %get3A_6 = vector.shape_cast %get3A_5 : vector<1x10240x16xf32> to vector<10240x16xf32>
    %get3A_7 = arith.constant 1 : index
    %get3A_8 = arith.constant 0 : index
    %get3A_9 = arith.constant 0 : index
    %get3A_10 = vector.load %arg0[%get3A_7, %get3A_8, %get3A_9] : memref<2x10240x16xf32, #tpu.memory_space<vmem>>, vector<1x10240x16xf32>
    %get3A_11 = vector.shape_cast %get3A_10 : vector<1x10240x16xf32> to vector<10240x16xf32>
    %add3A = arith.addf %get3A_6, %get3A_11 : vector<10240x16xf32>
    %get3A_12 = arith.constant 0 : index
    %get3A_13 = arith.constant 0 : index
    %get3A_14 = vector.load %arg1[%get3A_12, %get3A_13] : memref<10240x16xf32, #tpu.memory_space<vmem>>, vector<10240x16xf32>
    %add3A_15 = arith.addf %add3A, %get3A_14 : vector<10240x16xf32>
    %mul3A = vector.broadcast %get3A_1 : vector<10240x1xf32> to vector<10240x16xf32>
    %mul3A_16 = arith.mulf %mul3A, %add3A_15 : vector<10240x16xf32>
    %get3A_17 = arith.constant 0 : index
    %get3A_18 = vector.load %arg3[%get3A_17] : memref<16xf32, #tpu.memory_space<vmem>>, vector<16xf32>
    %broadcast_in_dim3A = vector.shape_cast %get3A_18 : vector<16xf32> to vector<1x16xf32>
    %add3A_19 = vector.broadcast %broadcast_in_dim3A : vector<1x16xf32> to vector<10240x16xf32>
    %add3A_20 = arith.addf %mul3A_16, %add3A_19 : vector<10240x16xf32>
    %iota3A = tpu.iota {dimensions = array<i32: 1>} : vector<10240x16xi32>
    %lt3A = arith.constant 2 : i32
    %lt3A_21 = vector.broadcast %lt3A : i32 to vector<10240x16xi32>
    %lt3A_22 = arith.cmpi slt, %iota3A, %lt3A_21 : vector<10240x16xi32>
    %jit3A = arith.constant 0xFF800000 : f32
    %broadcast_in_dim3A_23 = vector.broadcast %jit3A : f32 to vector<10240x16xf32>
    %select_n3A = arith.select %lt3A_22, %add3A_20, %broadcast_in_dim3A_23 : vector<10240x16xi1>, vector<10240x16xf32>
    %reduce_max3A = arith.constant dense<0xFF800000> : vector<10240xf32>
    %reduce_max3A_24 = vector.multi_reduction <maximumf>, %select_n3A, %reduce_max3A [1] : vector<10240x16xf32> to vector<10240xf32>
    %broadcast_in_dim3A_25 = vector.shape_cast %reduce_max3A_24 : vector<10240xf32> to vector<10240x1xf32>
    %sub3A = vector.broadcast %broadcast_in_dim3A_25 : vector<10240x1xf32> to vector<10240x16xf32>
    %sub3A_26 = arith.subf %add3A_20, %sub3A : vector<10240x16xf32>
    %exp3A = math.exp %sub3A_26 : vector<10240x16xf32>
    %jit3A_27 = arith.constant 0.000000e+00 : f32
    %broadcast_in_dim3A_28 = vector.broadcast %jit3A_27 : f32 to vector<10240x16xf32>
    %select_n3A_29 = arith.select %lt3A_22, %exp3A, %broadcast_in_dim3A_28 : vector<10240x16xi1>, vector<10240x16xf32>
    %reduce_sum3A = arith.constant dense<0.000000e+00> : vector<10240xf32>
    %reduce_sum3A_30 = vector.multi_reduction <add>, %select_n3A_29, %reduce_sum3A [1] : vector<10240x16xf32> to vector<10240xf32>
    %broadcast_in_dim3A_31 = vector.shape_cast %reduce_sum3A_30 : vector<10240xf32> to vector<10240x1xf32>
    %log3A = math.log %broadcast_in_dim3A_31 : vector<10240x1xf32>
    %add3A_32 = arith.addf %broadcast_in_dim3A_25, %log3A : vector<10240x1xf32>
    %sub3A_33 = vector.broadcast %add3A_32 : vector<10240x1xf32> to vector<10240x16xf32>
    %sub3A_34 = arith.subf %add3A_20, %sub3A_33 : vector<10240x16xf32>
    %swap3A = arith.constant 0 : index
    %swap3A_35 = arith.constant 0 : index
    %swap3A_36 = vector.load %arg4[%swap3A, %swap3A_35] : memref<10240x16xf32, #tpu.memory_space<vmem>>, vector<10240x16xf32>
    tpu.vector_store %arg4[%swap3A, %swap3A_35], %sub3A_34 {strides = array<i32>} : memref<10240x16xf32, #tpu.memory_space<vmem>>, vector<10240x16xf32>,
    return
  }
}

</mosaic_0001>

<sc_bundles>
// kernel: kernel.11.cloned.1.call-start
scs
__scs_entry_jumppad:
0x0: {  	(pc) =	sbr.rel $0x88, $3  }
0x1: {  	(tag) =	ssettag $0x0;
	lr =	simm.s32 $0x1  }
0x2: {  	[smem:$0x3F91] =	sst lr;
	_ =	strace $0xD0000000  }
0x3: {  	_ = 	snop  }
0x4: {  	_ = 	snop  }
0x5: {  	_ = 	snop  }
0x6: {  	_ = 	snop  }
0x7: {  	_ = 	snop  }
__scs_overlays_trampoline_lowered:
0x8: {  	[smem:$0x3FA0] =	sst s0  }
0x9: {  	[smem:$0x3FA1] =	sst s1  }
0xa: {  	[smem:$0x3FA2] =	sst s2  }
0xb: {  	[smem:$0x3FA3] =	sst s3  }
0xc: {  	[smem:$0x3FA4] =	sst s4  }
0xd: {  	[smem:$0x3FA5] =	sst s5  }
0xe: {  	[smem:$0x3FA6] =	sst s6  }
0xf: {  	[smem:$0x3FA7] =	sst s7  }
0x10: {  	[smem:$0x3FA8] =	sst s8  }
0x11: {  	[smem:$0x3FA9] =	sst s9;
	s0 =	simm.s32 @!p0 $0x0  }
0x12: {  	s1 =	sld [smem:$0x3F8F];
	s0 =	simm.s32 @p0 $0x1  }
0x13: {  	[smem:$0x3FAA] =	sst s0;
	s0 =	simm.s32 @!p1 $0x0  }
0x14: {  	s2 =	sld [smem:$0x3F8E];
	s0 =	simm.s32 @p1 $0x1  }
0x15: {  	[smem:$0x3FAB] =	sst s0;
	s0 =	simm.s32 @!p2 $0x0  }
0x16: {  	s3 =	sld [smem:$0x3FDB];
	s0 =	simm.s32 @p2 $0x1  }
0x17: {  	s4 =	simm.s32 $0x1BF5;
	[smem:$0x3FAD] =	sst s0  }
0x18: {  	s0 =	sld [smem:$0x3F90];
	_ =	swait.ge [sflag:s4], $0x0  }
0x19: {  	s7 =	sld [smem:$0x3F91]  }
0x1a: {  	s8 =	sadd.s32 $0xFFFFE003, lr  }
0x1b: {  	s9 =	sadd.s32 $0xFFFFFEF7, lr;
	s5 =	simm.s32 $0xFFFFFFFF;
	p2 =	slt.u32 s8, $0xFFFFF086  }
0x1c: {  	p1 =	slt.u32 s9, $0xF7A;
	s5 =	simm.s32 @!p2 $0x0  }
0x1d: {  	s5 =	simm.s32 @p1 $0x1;
	p0 =	seq.s32 s7, s2  }
0x1e: {  	s7 =	smul.u32 @!p0 $0xF7A, s2;
	p2 =	seq.s32 @!p0 s5, $0x0  }
0x1f: {  	s9 =	smul.u32 $0xF7A, s1;
	s8 =	simm.s32 @!p0 $0x1BF5;
	p2 =	por !p2, p0  }
0x20: {  	[sflag:s8] =	ssyncset.s32 @!p0 $0xFFFFF086;
	s6 =	sadd.s32 @!p0 s3, s7;
	s7 =	simm.s32 @!p0 $0x108  }
0x21: {  	s3 =	sadd.s32 s3, s9;
	s6 =	sadd.s32 @!p0 $0x88, s6;
	s7 =	simm.s32 @p2 $0x1082  }
0x22: {  	[simem:s7], [sflag:s8] =	dma.local @!p0 [hbm:s6], $0xF7A  }
0x23: {  	s9 =	sor.u32 $0xD0000000, s2;
	s6 =	simm.s32 $0x108;
	_ =	swait.ge @!p0 [sflag:s8], $0x0  }
0x24: {  	s3 =	sadd.s32 $0x88, s3;
	s6 =	simm.s32 @!p1 $0x1082;
	[sflag:s4] =	ssyncset.s32 $0xFFFFF086  }
0x25: {  	[simem:s6], [sflag:s4] =	dma.local [hbm:s3], $0xF7A  }
0x26: {  	[smem:$0x3F91] =	sst s1;
	(tag) =	ssettag s2;
	_ =	strace s9  }
0x27: {  	s1 =	sld [smem:$0x3FA1]  }
0x28: {  	s2 =	sld [smem:$0x3FA2]  }
0x29: {  	s4 =	sld [smem:$0x3FA4]  }
0x2a: {  	p0 =	seq.s32 s5, $0x0;
	s5 =	sld [smem:$0x3FA5]  }
0x2b: {  	s6 =	sld [smem:$0x3FA6]  }
0x2c: {  	s7 =	sld [smem:$0x3FA7]  }
0x2d: {  	s3 =	simm.s32 $0x108;
	s8 =	sld [smem:$0x3FA8]  }
0x2e: {  	s3 =	simm.s32 @!p0 $0x1082;
	s9 =	sld [smem:$0x3FA9]  }
0x2f: {  	lr =	sadd.s32 s0, s3;
	s0 =	sld [smem:$0x3FA0]  }
0x30: {  	s3 =	sld [smem:$0x3FA3]  }
0x31: {  	[smem:$0x3FAC] =	sst s10  }
0x32: {  	s10 =	sld [smem:$0x3FAA];
	_ =	sdelay $0x3  }
0x33: {  	p0 =	seq.s32 s10, $0x1;
	s10 =	sld [smem:$0x3FAC];
	_ =	sdelay $0x3  }
0x34: {  	[smem:$0x3FAC] =	sst s10  }
0x35: {  	s10 =	sld [smem:$0x3FAB];
	_ =	sdelay $0x3  }
0x36: {  	p1 =	seq.s32 s10, $0x1;
	s10 =	sld [smem:$0x3FAC];
	_ =	sdelay $0x3  }
0x37: {  	[smem:$0x3FAC] =	sst s10  }
0x38: {  	s10 =	sld [smem:$0x3FAD]  }
0x39: {  	_ = 	snop;
	(pc) =	sbr.ind lr, $3  }
0x3a: {  	_ = 	snop  }
0x3b: {  	_ = 	snop  }
0x3c: {  	p2 =	seq.s32 s10, $0x1;
	s10 =	sld [smem:$0x3FAC]  }
0x3d: {  	_ =	shalt  }
0x3e: {  	_ =	shalt  }
0x3f: {  	_ =	shalt  }
0x40: {  	_ =	shalt  }
0x41: {  	_ =	shalt  }
0x42: {  	_ =	shalt  }
0x43: {  	_ =	shalt  }
0x44: {  	_ =	shalt  }
0x45: {  	_ =	shalt  }
0x46: {  	_ =	shalt  }
0x47: {  	_ =	shalt  }
0x48: {  	_ =	shalt  }
0x49: {  	_ =	shalt  }
0x4a: {  	_ =	shalt  }
0x4b: {  	_ =	shalt  }
0x4c: {  	_ =	shalt  }
0x4d: {  	_ =	shalt  }
0x4e: {  	_ =	shalt  }
0x4f: {  	_ =	shalt  }
0x50: {  	_ =	shalt  }
0x51: {  	_ =	shalt  }
0x52: {  	_ =	shalt  }
0x53: {  	_ =	shalt  }
0x54: {  	_ =	shalt  }
0x55: {  	_ =	shalt  }
0x56: {  	_ =	shalt  }
0x57: {  	_ =	shalt  }
0x58: {  	_ =	shalt  }
0x59: {  	_ =	shalt  }
0x5a: {  	_ =	shalt  }
0x5b: {  	_ =	shalt  }
0x5c: {  	_ =	shalt  }
0x5d: {  	_ =	shalt  }
0x5e: {  	_ =	shalt  }
0x5f: {  	_ =	shalt  }
0x60: {  	_ =	shalt  }
0x61: {  	_ =	shalt  }
0x62: {  	_ =	shalt  }
0x63: {  	_ =	shalt  }
0x64: {  	_ =	shalt  }
0x65: {  	_ =	shalt  }
0x66: {  	_ =	shalt  }
0x67: {  	_ =	shalt  }
0x68: {  	_ =	shalt  }
0x69: {  	_ =	shalt  }
0x6a: {  	_ =	shalt  }
0x6b: {  	_ =	shalt  }
0x6c: {  	_ =	shalt  }
0x6d: {  	_ =	shalt  }
0x6e: {  	_ =	shalt  }
0x6f: {  	_ =	shalt  }
0x70: {  	_ =	shalt  }
0x71: {  	_ =	shalt  }
0x72: {  	_ =	shalt  }
0x73: {  	_ =	shalt  }
0x74: {  	_ =	shalt  }
0x75: {  	_ =	shalt  }
0x76: {  	_ =	shalt  }
0x77: {  	_ =	shalt  }
0x78: {  	_ =	shalt  }
0x79: {  	_ =	shalt  }
0x7a: {  	_ =	shalt  }
0x7b: {  	_ =	shalt  }
0x7c: {  	_ =	shalt  }
0x7d: {  	_ =	shalt  }
0x7e: {  	_ =	shalt  }
0x7f: {  	_ =	shalt  }
0x80: {  	_ =	shalt  }
0x81: {  	_ =	shalt  }
0x82: {  	_ =	shalt  }
0x83: {  	_ =	shalt  }
0x84: {  	_ =	shalt  }
0x85: {  	_ =	shalt  }
0x86: {  	_ =	shalt  }
0x87: {  	_ =	shalt  }
.Lfunc_end0:
.L_simem_size_0:
called_computation_lowered:
.L_overlay_start_0:
0x88: {  	s2 =	sld [smem:$0x3FD9]  }
0x89: {  	s3 =	sld [smem:$0x3FFE];
	_ =	sdelay $0x1  }
0x8a: {  	s1 =	srdreg.scid  }
0x8b: {  	s0 =	sand.u32 $0x1, s1  }
0x8c: {  	s16 =	sshll.u32 s0, $0xA;
	s2 =	sadd.s32 s3, s2  }
0x8d: {  	s2 =	sadd.s32 s2, s16  }
0x8e: {  	[smem:$0x3FB8] =	sst s2  }
0x8f: {  	_ = 	snop  }
0x90: {  	(tm) =	ssettm $0x1  }
0x91: {  	s17 =	sld [smem:$0x3FFB];
	_ =	sdelay $0x3  }
0x92: {  	_ =	strace s17  }
0x93: {  	s2 =	sld [smem:$0x3FFC];
	_ =	sdelay $0x3  }
0x94: {  	_ =	strace s2  }
0x95: {  	s2 =	sld [smem:$0x3FFD];
	_ =	sdelay $0x3  }
0x96: {  	_ =	strace s2  }
0x97: {  	_ =	strace $0x8FFFFFFF  }
0x98: {  	s18 =	sld [smem:$0x3FDB];
	_ =	sdelay $0x1  }
0x99: {  	s19 =	simm.s32 $_scs_section_size  }
0x9a: {  	s4 =	simm.s32 $_size__tile_overlayer_lowered;
	s5 =	simm.s32 $_tile_overlayer_lowered  }
0x9b: {  	s22 =	simm.s32 $0x1BFF;
	s21 =	sshll.u32 s5, $0x1;
	s2 =	sadd.s32 s19, s18  }
0x9c: {  	s6 =	simm.s32 $0x0;
	s20 =	sshll.u32 s4, $0x1;
	s4 =	sadd.s32 s21, s2  }
0x9d: {  	[timem:s6], [sflag:s22] =	dma.local [hbm:s4], s20  }
0x9e: {  	_ =	swait.ge [sflag:s22], s20  }
0x9f: {  	s3 =	ssub.s32 $0x0, s20;
	[sflag:s22] =	ssyncset.done $0x0  }
0xa0: {  	[sflag:s22] =	ssyncadd.s32 s3;
	_ =	sdelay $0x1  }
0xa1: {  	s23 =	simm.s32 $0x1B8B  }
0xa2: {  	_ =	swait.ge [sflag:s23], $0x1  }
0xa3: {  	[sflag:s23] =	ssyncset.done $0x0  }
0xa4: {  	s25 =	simm.s32 $0x1B8E;
	s24 =	sld [smem:$0x3FFE];
	[sflag:s23] =	ssyncadd.s32 $0xFFFFFFFF  }
0xa5: {  	s26 =	simm.s32 $execute0_lowered;
	[smem:$0x3FD2] =	sst s25  }
0xa6: {  	s4 =	sshll.u32 s26, $0x1;
	_ =	strace $0x80000046;
	[dreg:$0x1] =	wrdreg $0xFFFFFFFF  }
0xa7: {  	s28 =	simm.s32 $_size_execute0_lowered;
	s2 =	sadd.s32 s2, s4;
	[dreg:$0x0] =	wrdreg $0x0  }
0xa8: {  	s4 =	sshll.u32 s28, $0x1;
	[dreg:$0x2] =	wrdreg s2  }
0xa9: {  	[dreg:$0x3] =	wrdreg s4  }
0xaa: {  	[dreg:$0x4] =	wrdreg $0xC0  }
0xab: {  	_ =	task [dreg:s6], $0x5FFFF  }
0xac: {  	[dreg:$0x1] =	wrdreg $0xFFFFFFFF  }
0xad: {  	[dreg:$0x0] =	wrdreg $0x60  }
0xae: {  	[dreg:$0x2] =	wrdreg s24  }
0xaf: {  	[dreg:$0x3] =	wrdreg $0x28800  }
0xb0: {  	[dreg:$0x4] =	wrdreg $0x9  }
0xb1: {  	_ =	task.clear_ibuf [dreg:s6], $0x5FFFF;
	_ =	strace $0x90000046  }
0xb2: {  	s29 =	simm.s32 $0x9;
	_ =	strace $0x80000048  }
0xb3: {  	_ =	swait.ge [sflag:s29], $0x1  }
0xb4: {  	[sflag:s29] =	ssyncadd.s32 $0xFFFFFFFF  }
0xb5: {  	_ =	strace $0x90000048  }
0xb6: {  	_ =	sfence  }
0xb7: {  	s30 =	sld [smem:$0x0];
	_ =	sdelay $0x2  }
0xb8: {  	s31 =	sshll.u32 s1, $0xD;
	s1 =	sshrl.u32 s1, $0x2  }
0xb9: {  	s3 =	sand.u32 $0x4000, s31;
	s1 =	sadd.s32 s1, s30  }
0xba: {  	s0 =	sor.u32 s3, s0;
	s1 =	sshll.u32 s1, $0x11  }
0xbb: {  	s0 =	sor.u32 s1, s0  }
0xbc: {  	s0 =	sadd.s32 $0x8F2B, s0  }
0xbd: {  	[sflag:s0] =	ssyncadd.remote.s32 $0x1  }
0xbe: {  	_ =	sfence.sel $0xFFFF  }
0xbf: {  	[dreg:$0x0] =	wrdreg $0xFFFFFFFF;
	(pc) =	sbr.abs _section_cstart, $3  }
0xc0: {  	[dreg:$0x1] =	wrdreg $0xFFFFFFFF  }
0xc1: {  	_ =	task.clear_ibuf [dreg:s6], $0x2FFFF;
	_ =	strace $0x9FFFFFFF  }
0xc2: {  	(tm) =	ssettm $0x7FFFFFFF  }
0xc3: {  	_ =	shalt  }
tec
execute0_lowered:
.L_overlay_start_1:
0x0: {  	(tag) =	ssettag $0x1  }
0x1: {  	s1 =	srdreg.scid;
	s5 =	rddreg [dreg:$0x0]  }
0x2: {  	s0 =	stileid.u32;
	s2 =	rddreg [dreg:$0x1]  }
0x3: {  	s3 =	simm.s32 $0x0;
	s4 =	sand.u32 $0x1, s1;
	s13 =	smul.u32 $0x280, s0  }
0x4: {  	s24 =	sshll.u32 s0, $0x1;
	[smem:$0x7FF] =	sst s3;
	s9 =	smul.u32 $0xA00, s0  }
0x5: {  	s15 =	sadd.s32 $0x17800, s5;
	s1 =	sor.u32 s4, s24;
	s14 =	smul.u32 $0x2800, s4  }
0x6: {  	s4 =	ssub.s32 $0x2, s4;
	s6 =	smul.u32 $0x500, s1;
	s1 =	rddreg [dreg:$0x2]  }
0x7: {  	_ =	strace $0x80000047;
	s7 =	sshrl.u32 s4, $0x1;
	s26 =	sshrl.u32 s9, $0x2  }
0x8: {  	s16 =	sadd.s32 $0x80, s13;
	s19 =	sadd.s32 s13, s2;
	s17 =	sadd.s32 $0x100, s13  }
0x9: {  	s18 =	sadd.s32 $0x180, s13;
	s22 =	sadd.s32 $0x200, s13;
	s8 =	sadd.s32 s14, s13  }
0xa: {  	s7 =	ssub.s32 s4, s7;
	s12 =	sadd.s32 s14, s16;
	s20 =	sadd.s32 s16, s2  }
0xb: {  	s28 =	sadd.s32 s14, s17;
	s21 =	sadd.s32 s14, s18;
	s30 =	sadd.s32 s14, s22  }
0xc: {  	s23 =	sadd.s32 s17, s2;
	s24 =	sadd.s32 s18, s2;
	s17 =	simm.s32 $0x2800  }
0xd: {  	s18 =	simm.s32 $0x80;
	s19 =	sshrl.u32 s19, $0x3;
	s6 =	sadd.s32 s6, s5  }
0xe: {  	s25 =	sshrl.u32 s8, $0x3;
	s12 =	sshrl.u32 s12, $0x3;
	s16 =	sshrl.u32 s28, $0x3  }
0xf: {  	s29 =	sshrl.u32 s21, $0x3;
	s31 =	sshrl.u32 s30, $0x3;
	s20 =	sshrl.u32 s20, $0x3  }
0x10: {  	s21 =	sshrl.u32 s23, $0x3;
	s4 =	sadd.s32 $0x3800, s6;
	s5 =	sadd.s32 s15, s25  }
0x11: {  	s6 =	smax.u32 s7, $0x1;
	s7 =	sadd.s32 s26, s2;
	s12 =	sadd.s32 s15, s12  }
0x12: {  	s13 =	sadd.s32 s15, s16;
	s14 =	sadd.s32 s15, s29;
	s15 =	sadd.s32 s15, s31  }
0x13: {  	s25 =	sadd.s32 s22, s2;
	s16 =	simm.s32 $0x1;
	s22 =	sshrl.u32 s24, $0x3  }
0x14: {  	s24 =	simm.s32 $0x0;
	s8 =	sadd.s32 $0x80, s7;
	s9 =	sadd.s32 $0x100, s7  }
0x15: {  	v0 =	vimm.f32 $0.0e+00;
	v1 =	vimm.f32 $1.000000000e+00;
	s10 =	sadd.s32 $0x180, s7;
	s11 =	sadd.s32 $0x200, s7;
	s23 =	sshrl.u32 s25, $0x3  }
.LBB2_1:
0x16: {  	[tilespmem:s3], [sflag:$0x1] =	stream.linear.gather [hbm4b:s4+s3], $0x2800, $0x38;
	[tilespmem:$0x2B00] =	vst v63  }
0x17: {  	_ =	swait.ge [sflag:s16], $0x2800  }
0x18: {  	[sflag:s16] =	ssyncset.done $0x0  }
0x19: {  	[sflag:s16] =	ssyncadd.s32 $0xFFFFD800  }
0x1a: {  	[tilespmem:$0x2800] =	vst v0  }
0x1b: {  	[tilespmem:$0x2810] =	vst v0  }
0x1c: {  	[tilespmem:$0x2820] =	vst v0  }
0x1d: {  	[tilespmem:$0x2830] =	vst v0  }
0x1e: {  	[tilespmem:$0x2840] =	vst v0  }
0x1f: {  	[tilespmem:$0x2850] =	vst v0  }
0x20: {  	[tilespmem:$0x2860] =	vst v0  }
0x21: {  	[tilespmem:$0x2870] =	vst v0  }
0x22: {  	[spmem:s7] =	stream.linear.scatter [tilespmem:s17], [sflag:$0x1], $0x80, $0x38;
	[tilespmem:$0x2B00] =	vst v63  }
0x23: {  	_ =	swait.ge [sflag:s16], $0x80  }
0x24: {  	[sflag:s16] =	ssyncset.done $0x0  }
0x25: {  	[sflag:s16] =	ssyncadd.s32 $0xFFFFFF80  }
0x26: {  	[spmem:s8] =	stream.linear.scatter [tilespmem:s17], [sflag:$0x1], $0x80, $0x38;
	[tilespmem:$0x2B00] =	vst v63  }
0x27: {  	_ =	swait.ge [sflag:s16], $0x80  }
0x28: {  	[sflag:s16] =	ssyncset.done $0x0  }
0x29: {  	[sflag:s16] =	ssyncadd.s32 $0xFFFFFF80  }
0x2a: {  	[spmem:s9] =	stream.linear.scatter [tilespmem:s17], [sflag:$0x1], $0x80, $0x38;
	[tilespmem:$0x2B00] =	vst v63  }
0x2b: {  	_ =	swait.ge [sflag:s16], $0x80  }
0x2c: {  	[sflag:s16] =	ssyncset.done $0x0  }
0x2d: {  	[sflag:s16] =	ssyncadd.s32 $0xFFFFFF80  }
0x2e: {  	[spmem:s10] =	stream.linear.scatter [tilespmem:s17], [sflag:$0x1], $0x80, $0x38;
	[tilespmem:$0x2B00] =	vst v63  }
0x2f: {  	_ =	swait.ge [sflag:s16], $0x80  }
0x30: {  	[sflag:s16] =	ssyncset.done $0x0  }
0x31: {  	[sflag:s16] =	ssyncadd.s32 $0xFFFFFF80  }
0x32: {  	[spmem:s11] =	stream.linear.scatter [tilespmem:s17], [sflag:$0x1], $0x80, $0x38;
	[tilespmem:$0x2B00] =	vst v63  }
0x33: {  	_ =	swait.ge [sflag:s16], $0x80  }
0x34: {  	[sflag:s16] =	ssyncset.done $0x0  }
0x35: {  	[sflag:s16] =	ssyncadd.s32 $0xFFFFFF80  }
0x36: {  	[tilespmem:$0x2800] =	vst v1  }
0x37: {  	[tilespmem:$0x2810] =	vst v1  }
0x38: {  	[tilespmem:$0x2820] =	vst v1  }
0x39: {  	[tilespmem:$0x2830] =	vst v1  }
0x3a: {  	[tilespmem:$0x2840] =	vst v1  }
0x3b: {  	[tilespmem:$0x2850] =	vst v1  }
0x3c: {  	[tilespmem:$0x2860] =	vst v1  }
0x3d: {  	[tilespmem:$0x2870] =	vst v1  }
0x3e: {  	s25 =	simm.s32 $0x0;
	[bflag:$0x0] =	sbarrier.arrive $0xFFFF  }
0x3f: {  	[spmem:s2] =	stream.indirect.scatter.add.f32 [tilespmem:s17], [sflag:$0x1], $0x1, s25, s18, $0xb8;
	[tilespmem:$0x2B00] =	vst v63  }
0x40: {  	_ =	swait.ge [sflag:s16], $0x80  }
0x41: {  	s25 =	simm.s32 $0x200;
	[sflag:s16] =	ssyncset.done $0x0  }
.LBB2_2:
0x42: {  	s26 =	sshra.s32 s25, $0x2;
	[sflag:s16] =	ssyncadd.s32 $0xFFFFFF80;
	p0 =	sne.s32 s25, $0x9E00  }
0x43: {  	[spmem:s2] =	stream.indirect.scatter.add.f32 [tilespmem:s17], [sflag:$0x1], $0x1, s26, s18, $0xb8;
	[tilespmem:$0x2B00] =	vst v63  }
.Ltmp0:
0x44: {  	_ = 	snop;
	(pc) =	sbr.rel @p0 .LBB2_2-.Ltmp0, $4  }
0x45: {  	_ = 	snop  }
0x46: {  	s25 =	sadd.s32 $0x200, s25  }
0x47: {  	_ =	swait.ge [sflag:s16], $0x80  }
0x48: {  	[sflag:s16] =	ssyncset.done $0x0  }
0x49: {  	[sflag:s16] =	ssyncadd.s32 $0xFFFFFF80;
	s25 =	sshll.u32 s0, $0x6  }
0x4a: {  	[bflag:$0x0] =	sbarrier.arrive $0xFFFF;
	s25 =	sor.u32 $0x1C01, s25  }
0x4b: {  	[hbm:s5], [sflag:s25] =	dma.local [spmem:s19], $0x10  }
0x4c: {  	_ =	swait.ge [sflag:s16], $0x10  }
0x4d: {  	[sflag:s16] =	ssyncset.done $0x0  }
0x4e: {  	[sflag:s16] =	ssyncadd.s32 $0xFFFFFFF0  }
0x4f: {  	[hbm:s12], [sflag:s25] =	dma.local [spmem:s20], $0x10  }
0x50: {  	_ =	swait.ge [sflag:s16], $0x10  }
0x51: {  	[sflag:s16] =	ssyncset.done $0x0  }
0x52: {  	[sflag:s16] =	ssyncadd.s32 $0xFFFFFFF0  }
0x53: {  	[hbm:s13], [sflag:s25] =	dma.local [spmem:s21], $0x10  }
0x54: {  	_ =	swait.ge [sflag:s16], $0x10  }
0x55: {  	[sflag:s16] =	ssyncset.done $0x0  }
0x56: {  	[sflag:s16] =	ssyncadd.s32 $0xFFFFFFF0  }
0x57: {  	[hbm:s14], [sflag:s25] =	dma.local [spmem:s22], $0x10  }
0x58: {  	s24 =	sadd.s32 $0x1, s24;
	_ =	swait.ge [sflag:s16], $0x10  }
0x59: {  	p0 =	sne.s32 s24, s6;
	[sflag:s16] =	ssyncset.done $0x0  }
.Ltmp1:
0x5a: {  	[sflag:s16] =	ssyncadd.s32 $0xFFFFFFF0;
	(pc) =	sbr.rel @p0 .LBB2_1-.Ltmp1, $4  }
0x5b: {  	[hbm:s15], [sflag:s25] =	dma.local [spmem:s23], $0x10  }
0x5c: {  	_ =	swait.ge [sflag:s16], $0x10  }
0x5d: {  	[sflag:s16] =	ssyncset.done $0x0  }
0x5e: {  	[sflag:s16] =	ssyncadd.s32 $0xFFFFFFF0  }
0x5f: {  	_ =	sfence.sel $0x180000  }
0x60: {  	[bflag:$0x0] =	sbarrier.arrive $0xFFFF  }
0x61: {  	p0 =	sne.s32 s0, $0x0;
	_ =	strace $0x90000047  }
0x62: {  	s0 =	sadd.s32 @!p0 $0x100000, s1;
	[bflag:$0x2] =	sbarrier.arrive $0xFFFF  }
0x63: {  	[sflag:s0] =	ssyncadd.tile.s32 @!p0 $0x1;
	_ =	shalt  }
.Lfunc_end2:
_tile_overlayer_lowered:
.L_overlay_start_2:
0x64: {  	(tag) =	ssettag $0x2  }
0x65: {  	s0 =	rddreg [dreg:$0x0];
	s2 =	stileid.u32  }
0x66: {  	s1 =	rddreg [dreg:$0x1];
	p0 =	sne.s32 s2, $0x0  }
0x67: {  	s3 =	rddreg [dreg:$0x2];
	[bflag:$0x3] =	sbarrier.arrive $0xFFFF;
	s2 =	simm.s32 @!p0 $0x1C01  }
0x68: {  	[timem:s3], [sflag:s2] =	dma.local @!p0 [hbm:s0], s1  }
0x69: {  	s0 =	simm.s32 @!p0 $0x1  }
0x6a: {  	_ =	swait.ge @!p0 [sflag:s0], s1  }
0x6b: {  	s1 =	ssub.s32 @!p0 $0x0, s1;
	[sflag:s0] =	ssyncset.done @!p0 $0x0  }
0x6c: {  	[sflag:s0] =	ssyncadd.s32 @!p0 s1  }
0x6d: {  	[bflag:$0x3] =	sbarrier.arrive $0xFFFF  }
0x6e: {  	_ =	shalt  }

// kernel: kernel.14.cloned.1.call-start
scs
__scs_entry_jumppad:
0x0: {  	(pc) =	sbr.rel $0x88, $3  }
0x1: {  	(tag) =	ssettag $0x0;
	lr =	simm.s32 $0x1  }
0x2: {  	[smem:$0x3F91] =	sst lr;
	_ =	strace $0xD0000000  }
0x3: {  	_ = 	snop  }
0x4: {  	_ = 	snop  }
0x5: {  	_ = 	snop  }
0x6: {  	_ = 	snop  }
0x7: {  	_ = 	snop  }
__scs_overlays_trampoline_lowered:
0x8: {  	[smem:$0x3FA0] =	sst s0  }
0x9: {  	[smem:$0x3FA1] =	sst s1  }
0xa: {  	[smem:$0x3FA2] =	sst s2  }
0xb: {  	[smem:$0x3FA3] =	sst s3  }
0xc: {  	[smem:$0x3FA4] =	sst s4  }
0xd: {  	[smem:$0x3FA5] =	sst s5  }
0xe: {  	[smem:$0x3FA6] =	sst s6  }
0xf: {  	[smem:$0x3FA7] =	sst s7  }
0x10: {  	[smem:$0x3FA8] =	sst s8  }
0x11: {  	[smem:$0x3FA9] =	sst s9;
	s0 =	simm.s32 @!p0 $0x0  }
0x12: {  	s1 =	sld [smem:$0x3F8F];
	s0 =	simm.s32 @p0 $0x1  }
0x13: {  	[smem:$0x3FAA] =	sst s0;
	s0 =	simm.s32 @!p1 $0x0  }
0x14: {  	s2 =	sld [smem:$0x3F8E];
	s0 =	simm.s32 @p1 $0x1  }
0x15: {  	[smem:$0x3FAB] =	sst s0;
	s0 =	simm.s32 @!p2 $0x0  }
0x16: {  	s3 =	sld [smem:$0x3FDB];
	s0 =	simm.s32 @p2 $0x1  }
0x17: {  	s4 =	simm.s32 $0x1BF5;
	[smem:$0x3FAD] =	sst s0  }
0x18: {  	s0 =	sld [smem:$0x3F90];
	_ =	swait.ge [sflag:s4], $0x0  }
0x19: {  	s7 =	sld [smem:$0x3F91]  }
0x1a: {  	s8 =	sadd.s32 $0xFFFFE003, lr  }
0x1b: {  	s9 =	sadd.s32 $0xFFFFFEF7, lr;
	s5 =	simm.s32 $0xFFFFFFFF;
	p2 =	slt.u32 s8, $0xFFFFF086  }
0x1c: {  	p1 =	slt.u32 s9, $0xF7A;
	s5 =	simm.s32 @!p2 $0x0  }
0x1d: {  	s5 =	simm.s32 @p1 $0x1;
	p0 =	seq.s32 s7, s2  }
0x1e: {  	s7 =	smul.u32 @!p0 $0xF7A, s2;
	p2 =	seq.s32 @!p0 s5, $0x0  }
0x1f: {  	s9 =	smul.u32 $0xF7A, s1;
	s8 =	simm.s32 @!p0 $0x1BF5;
	p2 =	por !p2, p0  }
0x20: {  	[sflag:s8] =	ssyncset.s32 @!p0 $0xFFFFF086;
	s6 =	sadd.s32 @!p0 s3, s7;
	s7 =	simm.s32 @!p0 $0x108  }
0x21: {  	s3 =	sadd.s32 s3, s9;
	s6 =	sadd.s32 @!p0 $0x88, s6;
	s7 =	simm.s32 @p2 $0x1082  }
0x22: {  	[simem:s7], [sflag:s8] =	dma.local @!p0 [hbm:s6], $0xF7A  }
0x23: {  	s9 =	sor.u32 $0xD0000000, s2;
	s6 =	simm.s32 $0x108;
	_ =	swait.ge @!p0 [sflag:s8], $0x0  }
0x24: {  	s3 =	sadd.s32 $0x88, s3;
	s6 =	simm.s32 @!p1 $0x1082;
	[sflag:s4] =	ssyncset.s32 $0xFFFFF086  }
0x25: {  	[simem:s6], [sflag:s4] =	dma.local [hbm:s3], $0xF7A  }
0x26: {  	[smem:$0x3F91] =	sst s1;
	(tag) =	ssettag s2;
	_ =	strace s9  }
0x27: {  	s1 =	sld [smem:$0x3FA1]  }
0x28: {  	s2 =	sld [smem:$0x3FA2]  }
0x29: {  	s4 =	sld [smem:$0x3FA4]  }
0x2a: {  	p0 =	seq.s32 s5, $0x0;
	s5 =	sld [smem:$0x3FA5]  }
0x2b: {  	s6 =	sld [smem:$0x3FA6]  }
0x2c: {  	s7 =	sld [smem:$0x3FA7]  }
0x2d: {  	s3 =	simm.s32 $0x108;
	s8 =	sld [smem:$0x3FA8]  }
0x2e: {  	s3 =	simm.s32 @!p0 $0x1082;
	s9 =	sld [smem:$0x3FA9]  }
0x2f: {  	lr =	sadd.s32 s0, s3;
	s0 =	sld [smem:$0x3FA0]  }
0x30: {  	s3 =	sld [smem:$0x3FA3]  }
0x31: {  	[smem:$0x3FAC] =	sst s10  }
0x32: {  	s10 =	sld [smem:$0x3FAA];
	_ =	sdelay $0x3  }
0x33: {  	p0 =	seq.s32 s10, $0x1;
	s10 =	sld [smem:$0x3FAC];
	_ =	sdelay $0x3  }
0x34: {  	[smem:$0x3FAC] =	sst s10  }
0x35: {  	s10 =	sld [smem:$0x3FAB];
	_ =	sdelay $0x3  }
0x36: {  	p1 =	seq.s32 s10, $0x1;
	s10 =	sld [smem:$0x3FAC];
	_ =	sdelay $0x3  }
0x37: {  	[smem:$0x3FAC] =	sst s10  }
0x38: {  	s10 =	sld [smem:$0x3FAD]  }
0x39: {  	_ = 	snop;
	(pc) =	sbr.ind lr, $3  }
0x3a: {  	_ = 	snop  }
0x3b: {  	_ = 	snop  }
0x3c: {  	p2 =	seq.s32 s10, $0x1;
	s10 =	sld [smem:$0x3FAC]  }
0x3d: {  	_ =	shalt  }
0x3e: {  	_ =	shalt  }
0x3f: {  	_ =	shalt  }
0x40: {  	_ =	shalt  }
0x41: {  	_ =	shalt  }
0x42: {  	_ =	shalt  }
0x43: {  	_ =	shalt  }
0x44: {  	_ =	shalt  }
0x45: {  	_ =	shalt  }
0x46: {  	_ =	shalt  }
0x47: {  	_ =	shalt  }
0x48: {  	_ =	shalt  }
0x49: {  	_ =	shalt  }
0x4a: {  	_ =	shalt  }
0x4b: {  	_ =	shalt  }
0x4c: {  	_ =	shalt  }
0x4d: {  	_ =	shalt  }
0x4e: {  	_ =	shalt  }
0x4f: {  	_ =	shalt  }
0x50: {  	_ =	shalt  }
0x51: {  	_ =	shalt  }
0x52: {  	_ =	shalt  }
0x53: {  	_ =	shalt  }
0x54: {  	_ =	shalt  }
0x55: {  	_ =	shalt  }
0x56: {  	_ =	shalt  }
0x57: {  	_ =	shalt  }
0x58: {  	_ =	shalt  }
0x59: {  	_ =	shalt  }
0x5a: {  	_ =	shalt  }
0x5b: {  	_ =	shalt  }
0x5c: {  	_ =	shalt  }
0x5d: {  	_ =	shalt  }
0x5e: {  	_ =	shalt  }
0x5f: {  	_ =	shalt  }
0x60: {  	_ =	shalt  }
0x61: {  	_ =	shalt  }
0x62: {  	_ =	shalt  }
0x63: {  	_ =	shalt  }
0x64: {  	_ =	shalt  }
0x65: {  	_ =	shalt  }
0x66: {  	_ =	shalt  }
0x67: {  	_ =	shalt  }
0x68: {  	_ =	shalt  }
0x69: {  	_ =	shalt  }
0x6a: {  	_ =	shalt  }
0x6b: {  	_ =	shalt  }
0x6c: {  	_ =	shalt  }
0x6d: {  	_ =	shalt  }
0x6e: {  	_ =	shalt  }
0x6f: {  	_ =	shalt  }
0x70: {  	_ =	shalt  }
0x71: {  	_ =	shalt  }
0x72: {  	_ =	shalt  }
0x73: {  	_ =	shalt  }
0x74: {  	_ =	shalt  }
0x75: {  	_ =	shalt  }
0x76: {  	_ =	shalt  }
0x77: {  	_ =	shalt  }
0x78: {  	_ =	shalt  }
0x79: {  	_ =	shalt  }
0x7a: {  	_ =	shalt  }
0x7b: {  	_ =	shalt  }
0x7c: {  	_ =	shalt  }
0x7d: {  	_ =	shalt  }
0x7e: {  	_ =	shalt  }
0x7f: {  	_ =	shalt  }
0x80: {  	_ =	shalt  }
0x81: {  	_ =	shalt  }
0x82: {  	_ =	shalt  }
0x83: {  	_ =	shalt  }
0x84: {  	_ =	shalt  }
0x85: {  	_ =	shalt  }
0x86: {  	_ =	shalt  }
0x87: {  	_ =	shalt  }
.Lfunc_end0:
.L_simem_size_0:
called_computation.1_lowered:
.L_overlay_start_0:
0x88: {  	s2 =	sld [smem:$0x3FD9]  }
0x89: {  	s3 =	sld [smem:$0x3FFE];
	_ =	sdelay $0x1  }
0x8a: {  	s1 =	srdreg.scid  }
0x8b: {  	s0 =	sand.u32 $0x1, s1  }
0x8c: {  	s16 =	sshll.u32 s0, $0xA;
	s2 =	sadd.s32 s3, s2  }
0x8d: {  	s2 =	sadd.s32 s2, s16  }
0x8e: {  	[smem:$0x3FB8] =	sst s2  }
0x8f: {  	_ = 	snop  }
0x90: {  	(tm) =	ssettm $0x1  }
0x91: {  	s17 =	sld [smem:$0x3FFB];
	_ =	sdelay $0x3  }
0x92: {  	_ =	strace s17  }
0x93: {  	s2 =	sld [smem:$0x3FFC];
	_ =	sdelay $0x3  }
0x94: {  	_ =	strace s2  }
0x95: {  	s2 =	sld [smem:$0x3FFD];
	_ =	sdelay $0x3  }
0x96: {  	_ =	strace s2  }
0x97: {  	_ =	strace $0x8FFFFFFF  }
0x98: {  	s18 =	sld [smem:$0x3FDB];
	_ =	sdelay $0x1  }
0x99: {  	s19 =	simm.s32 $_scs_section_size  }
0x9a: {  	s4 =	simm.s32 $_size__tile_overlayer_lowered;
	s5 =	simm.s32 $_tile_overlayer_lowered  }
0x9b: {  	s22 =	simm.s32 $0x1BFF;
	s21 =	sshll.u32 s5, $0x1;
	s2 =	sadd.s32 s19, s18  }
0x9c: {  	s6 =	simm.s32 $0x0;
	s20 =	sshll.u32 s4, $0x1;
	s4 =	sadd.s32 s21, s2  }
0x9d: {  	[timem:s6], [sflag:s22] =	dma.local [hbm:s4], s20  }
0x9e: {  	_ =	swait.ge [sflag:s22], s20  }
0x9f: {  	s3 =	ssub.s32 $0x0, s20;
	[sflag:s22] =	ssyncset.done $0x0  }
0xa0: {  	[sflag:s22] =	ssyncadd.s32 s3;
	_ =	sdelay $0x1  }
0xa1: {  	s23 =	simm.s32 $0x1B8B  }
0xa2: {  	_ =	swait.ge [sflag:s23], $0x1  }
0xa3: {  	[sflag:s23] =	ssyncset.done $0x0  }
0xa4: {  	s25 =	simm.s32 $0x1B8E;
	s24 =	sld [smem:$0x3FFE];
	[sflag:s23] =	ssyncadd.s32 $0xFFFFFFFF  }
0xa5: {  	s26 =	simm.s32 $execute0_lowered;
	[smem:$0x3FD2] =	sst s25  }
0xa6: {  	s4 =	sshll.u32 s26, $0x1;
	_ =	strace $0x80000049;
	[dreg:$0x1] =	wrdreg $0xFFFFFFFF  }
0xa7: {  	s28 =	simm.s32 $_size_execute0_lowered;
	s2 =	sadd.s32 s2, s4;
	[dreg:$0x0] =	wrdreg $0x0  }
0xa8: {  	s4 =	sshll.u32 s28, $0x1;
	[dreg:$0x2] =	wrdreg s2  }
0xa9: {  	[dreg:$0x3] =	wrdreg s4  }
0xaa: {  	[dreg:$0x4] =	wrdreg $0xC0  }
0xab: {  	_ =	task [dreg:s6], $0x5FFFF  }
0xac: {  	[dreg:$0x1] =	wrdreg $0xFFFFFFFF  }
0xad: {  	[dreg:$0x0] =	wrdreg $0x60  }
0xae: {  	[dreg:$0x2] =	wrdreg s24  }
0xaf: {  	[dreg:$0x3] =	wrdreg $0x90000  }
0xb0: {  	[dreg:$0x4] =	wrdreg $0x130000  }
0xb1: {  	[dreg:$0x5] =	wrdreg $0x9  }
0xb2: {  	_ =	task.clear_ibuf [dreg:s6], $0x6FFFF;
	_ =	strace $0x90000049  }
0xb3: {  	s29 =	simm.s32 $0x9;
	_ =	strace $0x8000004B  }
0xb4: {  	_ =	swait.ge [sflag:s29], $0x1  }
0xb5: {  	[sflag:s29] =	ssyncadd.s32 $0xFFFFFFFF  }
0xb6: {  	_ =	strace $0x9000004B  }
0xb7: {  	_ =	sfence  }
0xb8: {  	s30 =	sld [smem:$0x0];
	_ =	sdelay $0x2  }
0xb9: {  	s31 =	sshll.u32 s1, $0xD;
	s1 =	sshrl.u32 s1, $0x2  }
0xba: {  	s3 =	sand.u32 $0x4000, s31;
	s1 =	sadd.s32 s1, s30  }
0xbb: {  	s0 =	sor.u32 s3, s0;
	s1 =	sshll.u32 s1, $0x11  }
0xbc: {  	s0 =	sor.u32 s1, s0  }
0xbd: {  	s0 =	sadd.s32 $0x8F2B, s0  }
0xbe: {  	[sflag:s0] =	ssyncadd.remote.s32 $0x1  }
0xbf: {  	_ =	sfence.sel $0xFFFF  }
0xc0: {  	[dreg:$0x0] =	wrdreg $0xFFFFFFFF;
	(pc) =	sbr.abs _section_cstart, $3  }
0xc1: {  	[dreg:$0x1] =	wrdreg $0xFFFFFFFF  }
0xc2: {  	_ =	task.clear_ibuf [dreg:s6], $0x2FFFF;
	_ =	strace $0x9FFFFFFF  }
0xc3: {  	(tm) =	ssettm $0x7FFFFFFF  }
tec
execute0_lowered:
.L_overlay_start_1:
0x0: {  	(tag) =	ssettag $0x1  }
0x1: {  	s0 =	rddreg [dreg:$0x0]  }
0x2: {  	s1 =	srdreg.scid;
	s2 =	rddreg [dreg:$0x1]  }
0x3: {  	s10 =	stileid.u32;
	s3 =	rddreg [dreg:$0x2];
	s28 =	simm.s32 $0x80  }
0x4: {  	s29 =	simm.s32 $0x7000;
	s30 =	simm.s32 $0x1;
	s8 =	smul.u32 $0xA000, s10  }
0x5: {  	s1 =	sand.u32 $0x1, s1;
	s4 =	sshll.u32 s10, $0x1;
	s7 =	smul.u32 $0x28000, s10  }
0x6: {  	s31 =	simm.s32 $0x2;
	s17 =	smul.u32 $0x280, s10;
	s5 =	sor.u32 s1, s4  }
0x7: {  	s4 =	simm.s32 $0x0;
	s19 =	ssub.s32 $0x2, s1;
	s1 =	smul.u32 $0x2800, s1  }
0x8: {  	s5 =	smul.u32 $0x500, s5;
	[smem:$0x7FF] =	sst s4;
	s6 =	sshrl.u32 s8, $0x3  }
0x9: {  	s20 =	sshrl.u32 s19, $0x1;
	s7 =	sshrl.u32 s7, $0x2;
	s23 =	sadd.s32 $0x80, s17  }
0xa: {  	s18 =	sadd.s32 $0x100, s17;
	_ =	strace $0x8000004A;
	s9 =	sadd.s32 s6, s0  }
0xb: {  	s10 =	ssub.s32 s19, s20;
	s7 =	sadd.s32 s7, s2;
	s22 =	sadd.s32 s1, s17  }
0xc: {  	s20 =	sadd.s32 s8, s3;
	s14 =	sadd.s32 s1, s23;
	s16 =	sadd.s32 s1, s18  }
0xd: {  	s19 =	sadd.s32 $0x180, s17;
	s18 =	sshll.u32 s18, $0x6;
	s5 =	sadd.s32 s5, s0  }
0xe: {  	s0 =	sadd.s32 $0x36200, s0;
	s8 =	sadd.s32 $0x22200, s9;
	s10 =	smax.u32 s10, $0x1  }
0xf: {  	s11 =	sadd.s32 $0x2000, s7;
	s12 =	sadd.s32 $0x4000, s7;
	s13 =	sadd.s32 $0x6000, s7  }
0x10: {  	s15 =	sshll.u32 s14, $0x3;
	s14 =	sadd.s32 $0x8000, s7;
	s16 =	sshll.u32 s16, $0x3  }
0x11: {  	s24 =	sshll.u32 s19, $0x6;
	s21 =	sadd.s32 $0x18200, s5;
	s5 =	sadd.s32 $0xD800, s5  }
0x12: {  	s15 =	sadd.s32 s0, s15;
	s16 =	sadd.s32 s0, s16;
	[dreg:$0x4] =	wrdreg s21  }
0x13: {  	s24 =	sadd.s32 s24, s2;
	[dreg:$0x5] =	wrdreg s5;
	s5 =	sshll.u32 s22, $0x3  }
0x14: {  	s21 =	sadd.s32 s1, s19;
	s22 =	sadd.s32 $0x200, s17;
	s19 =	simm.s32 $0x3  }
0x15: {  	s24 =	sshrl.u32 s24, $0x3;
	s9 =	sadd.s32 s0, s5;
	s5 =	sshll.u32 s23, $0x6  }
0x16: {  	s21 =	sshll.u32 s21, $0x3;
	s23 =	sadd.s32 s18, s2;
	s1 =	sadd.s32 s1, s22  }
0x17: {  	s25 =	sshll.u32 s22, $0x6;
	s5 =	sadd.s32 s5, s2;
	s17 =	sadd.s32 s0, s21  }
0x18: {  	s1 =	sshll.u32 s1, $0x3;
	s26 =	sadd.s32 s25, s2;
	s21 =	sshrl.u32 s20, $0x3  }
0x19: {  	s23 =	sshrl.u32 s23, $0x3;
	s20 =	simm.s32 $0x0;
	s18 =	sadd.s32 s0, s1  }
0x1a: {  	v0 =	vimm.f32 $0.0e+00;
	s22 =	sshrl.u32 s5, $0x3;
	s25 =	sshrl.u32 s26, $0x3;
	s26 =	simm.s32 $0x5000  }
.LBB2_1:
0x1b: {  	s0 =	rddreg [dreg:$0x4]  }
0x1c: {  	[tilespmem:s4], [sflag:$0x3] =	stream.linear.gather [hbm4b:s0+s4], $0x2800, $0x38;
	[tilespmem:$0x1D000] =	vst v63  }
0x1d: {  	_ =	swait.ge [sflag:s19], $0x2800  }
0x1e: {  	s1 =	simm.s32 $0x2800;
	[sflag:s19] =	ssyncset.done $0x0  }
0x1f: {  	s5 =	sand.u32 $0x7F00, s4;
	s6 =	rddreg [dreg:$0x5];
	[sflag:s19] =	ssyncadd.s32 $0xFFFFD800  }
0x20: {  	[tilespmem:s1], [sflag:$0x3] =	stream.linear.gather [hbm4b:s6+s4], $0x2800, $0x38;
	[tilespmem:$0x1D000] =	vst v63  }
0x21: {  	s5 =	sshrl.u32 s5, $0x2;
	_ =	swait.ge [sflag:s19], $0x2800  }
0x22: {  	s0 =	simm.s32 $0x40;
	s6 =	sand.u32 $0x30, s4;
	[sflag:s19] =	ssyncset.done $0x0  }
0x23: {  	s1 =	simm.s32 $0x0;
	s5 =	sor.u32 s6, s5;
	[sflag:s19] =	ssyncadd.s32 $0xFFFFD800  }
.LBB2_2:
0x24: {  	p0 =	sne.s32 s0, $0x7FC0  }
0x25: {  	[tilespmem:s5+$0x5000] =	vst v0;
	s1 =	sadd.s32 $0x10, s1;
	s5 =	smov.u32 s0;
	s0 =	sadd.s32 $0x40, s0  }
.Ltmp0:
0x26: {  	(pc) =	sbr.rel @p0 .LBB2_2-.Ltmp0, $4  }
0x27: {  	_ = 	snop  }
0x28: {  	s5 =	sand.u32 $0x7F00, s5  }
0x29: {  	s6 =	sand.u32 $0x30, s1;
	s5 =	sshrl.u32 s5, $0x2  }
0x2a: {  	s5 =	sor.u32 s6, s5  }
0x2b: {  	[tilespmem:s5+$0x5000] =	vst v0  }
0x2c: {  	[spmem:s7] =	stream.linear.scatter [tilespmem:s26], [sflag:$0x3], $0x2000, $0x38;
	[tilespmem:$0x1D000] =	vst v63  }
0x2d: {  	_ =	swait.ge [sflag:s19], $0x2000  }
0x2e: {  	[sflag:s19] =	ssyncset.done $0x0  }
0x2f: {  	[sflag:s19] =	ssyncadd.s32 $0xFFFFE000  }
0x30: {  	[spmem:s11] =	stream.linear.scatter [tilespmem:s26], [sflag:$0x3], $0x2000, $0x38;
	[tilespmem:$0x1D000] =	vst v63  }
0x31: {  	_ =	swait.ge [sflag:s19], $0x2000  }
0x32: {  	[sflag:s19] =	ssyncset.done $0x0  }
0x33: {  	[sflag:s19] =	ssyncadd.s32 $0xFFFFE000  }
0x34: {  	[spmem:s12] =	stream.linear.scatter [tilespmem:s26], [sflag:$0x3], $0x2000, $0x38;
	[tilespmem:$0x1D000] =	vst v63  }
0x35: {  	_ =	swait.ge [sflag:s19], $0x2000  }
0x36: {  	[sflag:s19] =	ssyncset.done $0x0  }
0x37: {  	[sflag:s19] =	ssyncadd.s32 $0xFFFFE000  }
0x38: {  	[spmem:s13] =	stream.linear.scatter [tilespmem:s26], [sflag:$0x3], $0x2000, $0x38;
	[tilespmem:$0x1D000] =	vst v63  }
0x39: {  	_ =	swait.ge [sflag:s19], $0x2000  }
0x3a: {  	[sflag:s19] =	ssyncset.done $0x0  }
0x3b: {  	[sflag:s19] =	ssyncadd.s32 $0xFFFFE000  }
0x3c: {  	[spmem:s14] =	stream.linear.scatter [tilespmem:s26], [sflag:$0x3], $0x2000, $0x38;
	[tilespmem:$0x1D000] =	vst v63  }
0x3d: {  	s0 =	stileid.u32;
	_ =	swait.ge [sflag:s19], $0x2000  }
0x3e: {  	s0 =	sshll.u32 s0, $0x6;
	[sflag:s19] =	ssyncset.done $0x0  }
0x3f: {  	s1 =	sor.u32 $0x1C03, s0;
	[sflag:s19] =	ssyncadd.s32 $0xFFFFE000  }
0x40: {  	[spmem:s21], [sflag:s1] =	dma.local [hbm:s8], $0x1400  }
0x41: {  	_ =	swait.ge [sflag:s19], $0x1400  }
0x42: {  	[sflag:s19] =	ssyncset.done $0x0  }
0x43: {  	[sflag:s19] =	ssyncadd.s32 $0xFFFFEC00  }
0x44: {  	s5 =	simm.s32 $0x0;
	[bflag:$0x0] =	sbarrier.arrive $0xFFFF  }
0x45: {  	[tilespmem:s26], [sflag:$0x1] =	stream.indirect.gather [spmem:s3], $0x40, s5, s28, $0xb8;
	[tilespmem:$0x1D000] =	vst v63  }
0x46: {  	_ = 	snop  }
0x47: {  	[tilespmem:s29], [sflag:$0x2] =	stream.indirect.gather [spmem:s3], $0x40, s28, s28, $0xb8;
	[tilespmem:$0x1D000] =	vst v63  }
0x48: {  	_ =	swait.ge [sflag:s30], $0x2000  }
0x49: {  	[sflag:s30] =	ssyncset.done $0x0  }
0x4a: {  	s6 =	simm.s32 $0x2800;
	[sflag:s30] =	ssyncadd.s32 $0xFFFFE000  }
0x4b: {  	[spmem:s2] =	stream.indirect.scatter.add.f32 [tilespmem:s26], [sflag:$0x3], $0x40, s6, s28, $0xb8;
	[tilespmem:$0x1D000] =	vst v63  }
0x4c: {  	_ =	swait.ge [sflag:s19], $0x2000  }
0x4d: {  	[sflag:s19] =	ssyncset.done $0x0  }
0x4e: {  	s5 =	simm.s32 $0x100;
	[sflag:s19] =	ssyncadd.s32 $0xFFFFE000  }
0x4f: {  	[tilespmem:s26], [sflag:$0x1] =	stream.indirect.gather [spmem:s3], $0x40, s5, s28, $0xb8;
	[tilespmem:$0x1D000] =	vst v63  }
0x50: {  	_ =	swait.ge [sflag:s31], $0x2000  }
0x51: {  	[sflag:s31] =	ssyncset.done $0x0  }
0x52: {  	s6 =	simm.s32 $0x2880;
	[sflag:s31] =	ssyncadd.s32 $0xFFFFE000  }
0x53: {  	[spmem:s2] =	stream.indirect.scatter.add.f32 [tilespmem:s29], [sflag:$0x3], $0x40, s6, s28, $0xb8;
	[tilespmem:$0x1D000] =	vst v63  }
0x54: {  	_ =	swait.ge [sflag:s19], $0x2000  }
0x55: {  	[sflag:s19] =	ssyncset.done $0x0  }
0x56: {  	s0 =	simm.s32 $0x400;
	s5 =	simm.s32 $0x180;
	[sflag:s19] =	ssyncadd.s32 $0xFFFFE000  }
.LBB2_4:
0x57: {  	[tilespmem:s29], [sflag:$0x2] =	stream.indirect.gather [spmem:s3], $0x40, s5, s28, $0xb8;
	[tilespmem:$0x1D000] =	vst v63  }
0x58: {  	s5 =	smov.u32 s0  }
0x59: {  	p0 =	sne.s32 s0, $0x9800;
	s0 =	sadd.s32 $0x400, s0;
	_ =	swait.ge [sflag:s30], $0x2000  }
0x5a: {  	s5 =	sshra.s32 s5, $0x2;
	[sflag:s30] =	ssyncset.done $0x0  }
0x5b: {  	s6 =	sadd.s32 $0x2800, s5;
	[sflag:s30] =	ssyncadd.s32 $0xFFFFE000  }
0x5c: {  	[spmem:s2] =	stream.indirect.scatter.add.f32 [tilespmem:s26], [sflag:$0x3], $0x40, s6, s28, $0xb8;
	[tilespmem:$0x1D000] =	vst v63  }
0x5d: {  	_ =	swait.ge [sflag:s19], $0x2000  }
0x5e: {  	[sflag:s19] =	ssyncset.done $0x0  }
0x5f: {  	s6 =	sadd.s32 $0x100, s5;
	[sflag:s19] =	ssyncadd.s32 $0xFFFFE000  }
0x60: {  	[tilespmem:s26], [sflag:$0x1] =	stream.indirect.gather [spmem:s3], $0x40, s6, s28, $0xb8;
	[tilespmem:$0x1D000] =	vst v63  }
0x61: {  	_ =	swait.ge [sflag:s31], $0x2000  }
0x62: {  	[sflag:s31] =	ssyncset.done $0x0  }
.Ltmp1:
0x63: {  	s6 =	sadd.s32 $0x2880, s5;
	[sflag:s31] =	ssyncadd.s32 $0xFFFFE000;
	(pc) =	sbr.rel @p0 .LBB2_4-.Ltmp1, $4  }
0x64: {  	[spmem:s2] =	stream.indirect.scatter.add.f32 [tilespmem:s29], [sflag:$0x3], $0x40, s6, s28, $0xb8;
	[tilespmem:$0x1D000] =	vst v63  }
0x65: {  	_ =	swait.ge [sflag:s19], $0x2000  }
0x66: {  	[sflag:s19] =	ssyncset.done $0x0  }
0x67: {  	s5 =	sadd.s32 $0x180, s5;
	[sflag:s19] =	ssyncadd.s32 $0xFFFFE000  }
0x68: {  	[tilespmem:s29], [sflag:$0x2] =	stream.indirect.gather [spmem:s3], $0x40, s5, s28, $0xb8;
	[tilespmem:$0x1D000] =	vst v63  }
0x69: {  	_ =	swait.ge [sflag:s30], $0x2000  }
0x6a: {  	[sflag:s30] =	ssyncset.done $0x0  }
0x6b: {  	s0 =	simm.s32 $0x4F00;
	[sflag:s30] =	ssyncadd.s32 $0xFFFFE000  }
0x6c: {  	[spmem:s2] =	stream.indirect.scatter.add.f32 [tilespmem:s26], [sflag:$0x3], $0x40, s0, s28, $0xb8;
	[tilespmem:$0x1D000] =	vst v63  }
0x6d: {  	_ =	swait.ge [sflag:s19], $0x2000  }
0x6e: {  	[sflag:s19] =	ssyncset.done $0x0  }
0x6f: {  	[sflag:s19] =	ssyncadd.s32 $0xFFFFE000  }
0x70: {  	_ =	swait.ge [sflag:s31], $0x2000  }
0x71: {  	[sflag:s31] =	ssyncset.done $0x0  }
0x72: {  	s5 =	simm.s32 $0x4F80;
	[sflag:s31] =	ssyncadd.s32 $0xFFFFE000  }
0x73: {  	[spmem:s2] =	stream.indirect.scatter.add.f32 [tilespmem:s29], [sflag:$0x3], $0x40, s5, s28, $0xb8;
	[tilespmem:$0x1D000] =	vst v63  }
0x74: {  	_ =	swait.ge [sflag:s19], $0x2000  }
0x75: {  	[sflag:s19] =	ssyncset.done $0x0  }
0x76: {  	[sflag:s19] =	ssyncadd.s32 $0xFFFFE000  }
0x77: {  	s6 =	sshrl.u32 s7, $0x3;
	[bflag:$0x0] =	sbarrier.arrive $0xFFFF  }
0x78: {  	[hbm:s9], [sflag:s1] =	dma.local [spmem:s6], $0x400  }
0x79: {  	_ =	swait.ge [sflag:s19], $0x400  }
0x7a: {  	[sflag:s19] =	ssyncset.done $0x0  }
0x7b: {  	[sflag:s19] =	ssyncadd.s32 $0xFFFFFC00  }
0x7c: {  	[hbm:s15], [sflag:s1] =	dma.local [spmem:s22], $0x400  }
0x7d: {  	_ =	swait.ge [sflag:s19], $0x400  }
0x7e: {  	[sflag:s19] =	ssyncset.done $0x0  }
0x7f: {  	[sflag:s19] =	ssyncadd.s32 $0xFFFFFC00  }
0x80: {  	[hbm:s16], [sflag:s1] =	dma.local [spmem:s23], $0x400  }
0x81: {  	_ =	swait.ge [sflag:s19], $0x400  }
0x82: {  	[sflag:s19] =	ssyncset.done $0x0  }
0x83: {  	[sflag:s19] =	ssyncadd.s32 $0xFFFFFC00  }
0x84: {  	[hbm:s17], [sflag:s1] =	dma.local [spmem:s24], $0x400  }
0x85: {  	s20 =	sadd.s32 $0x1, s20;
	_ =	swait.ge [sflag:s19], $0x400  }
0x86: {  	p0 =	sne.s32 s20, s10;
	[sflag:s19] =	ssyncset.done $0x0  }
.Ltmp2:
0x87: {  	[sflag:s19] =	ssyncadd.s32 $0xFFFFFC00;
	(pc) =	sbr.rel @p0 .LBB2_1-.Ltmp2, $4  }
0x88: {  	[hbm:s18], [sflag:s1] =	dma.local [spmem:s25], $0x400  }
0x89: {  	_ =	swait.ge [sflag:s19], $0x400  }
0x8a: {  	[sflag:s19] =	ssyncset.done $0x0  }
0x8b: {  	[sflag:s19] =	ssyncadd.s32 $0xFFFFFC00  }
0x8c: {  	_ =	sfence.sel $0x180000  }
0x8d: {  	[bflag:$0x0] =	sbarrier.arrive $0xFFFF  }
0x8e: {  	_ =	strace $0x9000004A  }
0x8f: {  	s0 =	stileid.u32;
	[bflag:$0x2] =	sbarrier.arrive $0xFFFF  }
0x90: {  	p0 =	sne.s32 s0, $0x0;
	s0 =	rddreg [dreg:$0x3]  }
0x91: {  	s0 =	sadd.s32 @!p0 $0x100000, s0  }
0x92: {  	[sflag:s0] =	ssyncadd.tile.s32 @!p0 $0x1;
	_ =	shalt  }
.Lfunc_end2:
_tile_overlayer_lowered:
.L_overlay_start_2:
0x93: {  	(tag) =	ssettag $0x2  }
0x94: {  	s0 =	rddreg [dreg:$0x0];
	s2 =	stileid.u32  }
0x95: {  	s1 =	rddreg [dreg:$0x1];
	p0 =	sne.s32 s2, $0x0  }
0x96: {  	s3 =	rddreg [dreg:$0x2];
	[bflag:$0x3] =	sbarrier.arrive $0xFFFF;
	s2 =	simm.s32 @!p0 $0x1C03  }
0x97: {  	[timem:s3], [sflag:s2] =	dma.local @!p0 [hbm:s0], s1  }
0x98: {  	s0 =	simm.s32 @!p0 $0x3  }
0x99: {  	_ =	swait.ge @!p0 [sflag:s0], s1  }
0x9a: {  	s1 =	ssub.s32 @!p0 $0x0, s1;
	[sflag:s0] =	ssyncset.done @!p0 $0x0  }
0x9b: {  	[sflag:s0] =	ssyncadd.s32 @!p0 s1  }
0x9c: {  	[bflag:$0x3] =	sbarrier.arrive $0xFFFF  }
0x9d: {  	_ =	shalt  }

// kernel: kernel.17.cloned.1.call-start
scs
__scs_entry_jumppad:
0x0: {  	(pc) =	sbr.rel $0x88, $3  }
0x1: {  	(tag) =	ssettag $0x0;
	lr =	simm.s32 $0x1  }
0x2: {  	[smem:$0x3F91] =	sst lr;
	_ =	strace $0xD0000000  }
0x3: {  	_ = 	snop  }
0x4: {  	_ = 	snop  }
0x5: {  	_ = 	snop  }
0x6: {  	_ = 	snop  }
0x7: {  	_ = 	snop  }
__scs_overlays_trampoline_lowered:
0x8: {  	[smem:$0x3FA0] =	sst s0  }
0x9: {  	[smem:$0x3FA1] =	sst s1  }
0xa: {  	[smem:$0x3FA2] =	sst s2  }
0xb: {  	[smem:$0x3FA3] =	sst s3  }
0xc: {  	[smem:$0x3FA4] =	sst s4  }
0xd: {  	[smem:$0x3FA5] =	sst s5  }
0xe: {  	[smem:$0x3FA6] =	sst s6  }
0xf: {  	[smem:$0x3FA7] =	sst s7  }
0x10: {  	[smem:$0x3FA8] =	sst s8  }
0x11: {  	[smem:$0x3FA9] =	sst s9;
	s0 =	simm.s32 @!p0 $0x0  }
0x12: {  	s1 =	sld [smem:$0x3F8F];
	s0 =	simm.s32 @p0 $0x1  }
0x13: {  	[smem:$0x3FAA] =	sst s0;
	s0 =	simm.s32 @!p1 $0x0  }
0x14: {  	s2 =	sld [smem:$0x3F8E];
	s0 =	simm.s32 @p1 $0x1  }
0x15: {  	[smem:$0x3FAB] =	sst s0;
	s0 =	simm.s32 @!p2 $0x0  }
0x16: {  	s3 =	sld [smem:$0x3FDB];
	s0 =	simm.s32 @p2 $0x1  }
0x17: {  	s4 =	simm.s32 $0x1BF5;
	[smem:$0x3FAD] =	sst s0  }
0x18: {  	s0 =	sld [smem:$0x3F90];
	_ =	swait.ge [sflag:s4], $0x0  }
0x19: {  	s7 =	sld [smem:$0x3F91]  }
0x1a: {  	s8 =	sadd.s32 $0xFFFFE003, lr  }
0x1b: {  	s9 =	sadd.s32 $0xFFFFFEF7, lr;
	s5 =	simm.s32 $0xFFFFFFFF;
	p2 =	slt.u32 s8, $0xFFFFF086  }
0x1c: {  	p1 =	slt.u32 s9, $0xF7A;
	s5 =	simm.s32 @!p2 $0x0  }
0x1d: {  	s5 =	simm.s32 @p1 $0x1;
	p0 =	seq.s32 s7, s2  }
0x1e: {  	s7 =	smul.u32 @!p0 $0xF7A, s2;
	p2 =	seq.s32 @!p0 s5, $0x0  }
0x1f: {  	s9 =	smul.u32 $0xF7A, s1;
	s8 =	simm.s32 @!p0 $0x1BF5;
	p2 =	por !p2, p0  }
0x20: {  	[sflag:s8] =	ssyncset.s32 @!p0 $0xFFFFF086;
	s6 =	sadd.s32 @!p0 s3, s7;
	s7 =	simm.s32 @!p0 $0x108  }
0x21: {  	s3 =	sadd.s32 s3, s9;
	s6 =	sadd.s32 @!p0 $0x88, s6;
	s7 =	simm.s32 @p2 $0x1082  }
0x22: {  	[simem:s7], [sflag:s8] =	dma.local @!p0 [hbm:s6], $0xF7A  }
0x23: {  	s9 =	sor.u32 $0xD0000000, s2;
	s6 =	simm.s32 $0x108;
	_ =	swait.ge @!p0 [sflag:s8], $0x0  }
0x24: {  	s3 =	sadd.s32 $0x88, s3;
	s6 =	simm.s32 @!p1 $0x1082;
	[sflag:s4] =	ssyncset.s32 $0xFFFFF086  }
0x25: {  	[simem:s6], [sflag:s4] =	dma.local [hbm:s3], $0xF7A  }
0x26: {  	[smem:$0x3F91] =	sst s1;
	(tag) =	ssettag s2;
	_ =	strace s9  }
0x27: {  	s1 =	sld [smem:$0x3FA1]  }
0x28: {  	s2 =	sld [smem:$0x3FA2]  }
0x29: {  	s4 =	sld [smem:$0x3FA4]  }
0x2a: {  	p0 =	seq.s32 s5, $0x0;
	s5 =	sld [smem:$0x3FA5]  }
0x2b: {  	s6 =	sld [smem:$0x3FA6]  }
0x2c: {  	s7 =	sld [smem:$0x3FA7]  }
0x2d: {  	s3 =	simm.s32 $0x108;
	s8 =	sld [smem:$0x3FA8]  }
0x2e: {  	s3 =	simm.s32 @!p0 $0x1082;
	s9 =	sld [smem:$0x3FA9]  }
0x2f: {  	lr =	sadd.s32 s0, s3;
	s0 =	sld [smem:$0x3FA0]  }
0x30: {  	s3 =	sld [smem:$0x3FA3]  }
0x31: {  	[smem:$0x3FAC] =	sst s10  }
0x32: {  	s10 =	sld [smem:$0x3FAA];
	_ =	sdelay $0x3  }
0x33: {  	p0 =	seq.s32 s10, $0x1;
	s10 =	sld [smem:$0x3FAC];
	_ =	sdelay $0x3  }
0x34: {  	[smem:$0x3FAC] =	sst s10  }
0x35: {  	s10 =	sld [smem:$0x3FAB];
	_ =	sdelay $0x3  }
0x36: {  	p1 =	seq.s32 s10, $0x1;
	s10 =	sld [smem:$0x3FAC];
	_ =	sdelay $0x3  }
0x37: {  	[smem:$0x3FAC] =	sst s10  }
0x38: {  	s10 =	sld [smem:$0x3FAD]  }
0x39: {  	_ = 	snop;
	(pc) =	sbr.ind lr, $3  }
0x3a: {  	_ = 	snop  }
0x3b: {  	_ = 	snop  }
0x3c: {  	p2 =	seq.s32 s10, $0x1;
	s10 =	sld [smem:$0x3FAC]  }
0x3d: {  	_ =	shalt  }
0x3e: {  	_ =	shalt  }
0x3f: {  	_ =	shalt  }
0x40: {  	_ =	shalt  }
0x41: {  	_ =	shalt  }
0x42: {  	_ =	shalt  }
0x43: {  	_ =	shalt  }
0x44: {  	_ =	shalt  }
0x45: {  	_ =	shalt  }
0x46: {  	_ =	shalt  }
0x47: {  	_ =	shalt  }
0x48: {  	_ =	shalt  }
0x49: {  	_ =	shalt  }
0x4a: {  	_ =	shalt  }
0x4b: {  	_ =	shalt  }
0x4c: {  	_ =	shalt  }
0x4d: {  	_ =	shalt  }
0x4e: {  	_ =	shalt  }
0x4f: {  	_ =	shalt  }
0x50: {  	_ =	shalt  }
0x51: {  	_ =	shalt  }
0x52: {  	_ =	shalt  }
0x53: {  	_ =	shalt  }
0x54: {  	_ =	shalt  }
0x55: {  	_ =	shalt  }
0x56: {  	_ =	shalt  }
0x57: {  	_ =	shalt  }
0x58: {  	_ =	shalt  }
0x59: {  	_ =	shalt  }
0x5a: {  	_ =	shalt  }
0x5b: {  	_ =	shalt  }
0x5c: {  	_ =	shalt  }
0x5d: {  	_ =	shalt  }
0x5e: {  	_ =	shalt  }
0x5f: {  	_ =	shalt  }
0x60: {  	_ =	shalt  }
0x61: {  	_ =	shalt  }
0x62: {  	_ =	shalt  }
0x63: {  	_ =	shalt  }
0x64: {  	_ =	shalt  }
0x65: {  	_ =	shalt  }
0x66: {  	_ =	shalt  }
0x67: {  	_ =	shalt  }
0x68: {  	_ =	shalt  }
0x69: {  	_ =	shalt  }
0x6a: {  	_ =	shalt  }
0x6b: {  	_ =	shalt  }
0x6c: {  	_ =	shalt  }
0x6d: {  	_ =	shalt  }
0x6e: {  	_ =	shalt  }
0x6f: {  	_ =	shalt  }
0x70: {  	_ =	shalt  }
0x71: {  	_ =	shalt  }
0x72: {  	_ =	shalt  }
0x73: {  	_ =	shalt  }
0x74: {  	_ =	shalt  }
0x75: {  	_ =	shalt  }
0x76: {  	_ =	shalt  }
0x77: {  	_ =	shalt  }
0x78: {  	_ =	shalt  }
0x79: {  	_ =	shalt  }
0x7a: {  	_ =	shalt  }
0x7b: {  	_ =	shalt  }
0x7c: {  	_ =	shalt  }
0x7d: {  	_ =	shalt  }
0x7e: {  	_ =	shalt  }
0x7f: {  	_ =	shalt  }
0x80: {  	_ =	shalt  }
0x81: {  	_ =	shalt  }
0x82: {  	_ =	shalt  }
0x83: {  	_ =	shalt  }
0x84: {  	_ =	shalt  }
0x85: {  	_ =	shalt  }
0x86: {  	_ =	shalt  }
0x87: {  	_ =	shalt  }
.Lfunc_end0:
.L_simem_size_0:
called_computation.2_lowered:
.L_overlay_start_0:
0x88: {  	s2 =	sld [smem:$0x3FD9]  }
0x89: {  	s3 =	sld [smem:$0x3FFE];
	_ =	sdelay $0x1  }
0x8a: {  	s1 =	srdreg.scid  }
0x8b: {  	s0 =	sand.u32 $0x1, s1  }
0x8c: {  	s17 =	sshll.u32 s0, $0xA;
	s2 =	sadd.s32 s3, s2  }
0x8d: {  	s2 =	sadd.s32 s2, s17  }
0x8e: {  	[smem:$0x3FB8] =	sst s2  }
0x8f: {  	_ = 	snop  }
0x90: {  	(tm) =	ssettm $0x1  }
0x91: {  	s18 =	sld [smem:$0x3FFB];
	_ =	sdelay $0x3  }
0x92: {  	_ =	strace s18  }
0x93: {  	s2 =	sld [smem:$0x3FFC];
	_ =	sdelay $0x3  }
0x94: {  	_ =	strace s2  }
0x95: {  	s2 =	sld [smem:$0x3FFD];
	_ =	sdelay $0x3  }
0x96: {  	_ =	strace s2  }
0x97: {  	_ =	strace $0x8FFFFFFF  }
0x98: {  	s19 =	sld [smem:$0x3FDB];
	_ =	sdelay $0x1  }
0x99: {  	s20 =	simm.s32 $_scs_section_size  }
0x9a: {  	s4 =	simm.s32 $_size__tile_overlayer_lowered;
	s5 =	simm.s32 $_tile_overlayer_lowered  }
0x9b: {  	s6 =	simm.s32 $0x1BFF;
	s21 =	sshll.u32 s5, $0x1;
	s3 =	sadd.s32 s20, s19  }
0x9c: {  	s22 =	simm.s32 $0x0;
	s4 =	sshll.u32 s4, $0x1;
	s5 =	sadd.s32 s21, s3  }
0x9d: {  	[timem:s22], [sflag:s6] =	dma.local [hbm:s5], s4  }
0x9e: {  	_ =	swait.ge [sflag:s6], s4  }
0x9f: {  	s4 =	ssub.s32 $0x0, s4;
	[sflag:s6] =	ssyncset.done $0x0  }
0xa0: {  	[sflag:s6] =	ssyncadd.s32 s4;
	_ =	sdelay $0x1  }
0xa1: {  	s23 =	simm.s32 $0x1B8B  }
0xa2: {  	_ =	swait.ge [sflag:s23], $0x1  }
0xa3: {  	[sflag:s23] =	ssyncset.done $0x0  }
0xa4: {  	[sflag:s23] =	ssyncadd.s32 $0xFFFFFFFF  }
0xa5: {  	s4 =	sld [smem:$0x0]  }
0xa6: {  	s5 =	sand.u32 $0xFFFFFFFE, s1  }
0xa7: {  	p0 =	sne.s32 s1, s5  }
0xa8: {  	s5 =	sshll.u32 @p0 s5, $0xE  }
0xa9: {  	s5 =	sadd.s32 @p0 $0x11B8D, s5;
	s6 =	sshll.u32 @p0 s4, $0x11  }
0xaa: {  	s5 =	sor.u32 @p0 s6, s5  }
0xab: {  	[sflag:s5] =	ssyncadd.remote.s32 @p0 $0x1;
	_ =	sdelay $0x1  }
0xac: {  	s5 =	simm.s32 @p0 $0x1B8D  }
0xad: {  	_ =	swait.eq @p0 [sflag:s5], $0x1  }
0xae: {  	[sflag:s5] =	ssyncadd.s32 @p0 $0xFFFFFFFF  }
0xaf: {  	s6 =	sshll.u32 @!p0 s1, $0xE  }
0xb0: {  	s6 =	sor.u32 @!p0 $0x4000, s6;
	s5 =	simm.s32 @!p0 $0x1B8D  }
0xb1: {  	s4 =	sshll.u32 @!p0 s4, $0x11;
	s6 =	sadd.s32 @!p0 $0x11B8D, s6;
	_ =	swait.eq @!p0 [sflag:s5], $0x1  }
0xb2: {  	s4 =	sor.u32 @!p0 s4, s6;
	[sflag:s5] =	ssyncadd.s32 @!p0 $0xFFFFFFFF  }
0xb3: {  	s25 =	simm.s32 $0x1B8E;
	s24 =	sld [smem:$0x3FFE];
	[sflag:s4] =	ssyncadd.remote.s32 @!p0 $0x1  }
0xb4: {  	s26 =	simm.s32 $execute0_lowered;
	[smem:$0x3FD2] =	sst s25  }
0xb5: {  	s5 =	sshll.u32 s26, $0x1;
	_ =	strace $0x8000004C;
	[dreg:$0x1] =	wrdreg $0xFFFFFFFF  }
0xb6: {  	s28 =	simm.s32 $_size_execute0_lowered;
	s3 =	sadd.s32 s3, s5;
	[dreg:$0x0] =	wrdreg $0x0  }
0xb7: {  	s5 =	sshll.u32 s28, $0x1;
	[dreg:$0x2] =	wrdreg s3  }
0xb8: {  	[dreg:$0x3] =	wrdreg s5  }
0xb9: {  	[dreg:$0x4] =	wrdreg $0xC0  }
0xba: {  	_ =	task [dreg:s22], $0x5FFFF  }
0xbb: {  	[dreg:$0x1] =	wrdreg $0xFFFFFFFF  }
0xbc: {  	[dreg:$0x0] =	wrdreg $0x60  }
0xbd: {  	[dreg:$0x2] =	wrdreg s24  }
0xbe: {  	[dreg:$0x3] =	wrdreg $0x90000  }
0xbf: {  	[dreg:$0x4] =	wrdreg $0x130000  }
0xc0: {  	[dreg:$0x5] =	wrdreg $0xA  }
0xc1: {  	_ =	task.clear_ibuf [dreg:s22], $0x6FFFF;
	_ =	strace $0x9000004C  }
0xc2: {  	s29 =	simm.s32 $0xA;
	_ =	strace $0x8000004E  }
0xc3: {  	_ =	swait.ge [sflag:s29], $0x1  }
0xc4: {  	[sflag:s29] =	ssyncadd.s32 $0xFFFFFFFF  }
0xc5: {  	_ =	strace $0x9000004E  }
0xc6: {  	_ =	sfence  }
0xc7: {  	s30 =	sld [smem:$0x0];
	_ =	sdelay $0x2  }
0xc8: {  	s31 =	sshll.u32 s1, $0xD;
	s1 =	sshrl.u32 s1, $0x2  }
0xc9: {  	s4 =	sand.u32 $0x4000, s31;
	s1 =	sadd.s32 s1, s30  }
0xca: {  	s0 =	sor.u32 s4, s0;
	s1 =	sshll.u32 s1, $0x11  }
0xcb: {  	s0 =	sor.u32 s1, s0  }
0xcc: {  	s0 =	sadd.s32 $0x8F2B, s0  }
0xcd: {  	[sflag:s0] =	ssyncadd.remote.s32 $0x1  }
0xce: {  	_ =	sfence.sel $0xFFFF  }
0xcf: {  	[dreg:$0x0] =	wrdreg $0xFFFFFFFF;
	(pc) =	sbr.abs _section_cstart, $3  }
0xd0: {  	[dreg:$0x1] =	wrdreg $0xFFFFFFFF  }
0xd1: {  	_ =	task.clear_ibuf [dreg:s22], $0x2FFFF;
	_ =	strace $0x9FFFFFFF  }
0xd2: {  	(tm) =	ssettm $0x7FFFFFFF  }
0xd3: {  	_ =	shalt  }
tec
execute0_lowered:
.L_overlay_start_1:
0x0: {  	(tag) =	ssettag $0x1  }
0x1: {  	s0 =	rddreg [dreg:$0x0]  }
0x2: {  	s1 =	srdreg.scid;
	s2 =	rddreg [dreg:$0x1]  }
0x3: {  	s10 =	stileid.u32;
	s3 =	rddreg [dreg:$0x2];
	s28 =	simm.s32 $0x80  }
0x4: {  	s29 =	simm.s32 $0x7000;
	s30 =	simm.s32 $0x1;
	s8 =	smul.u32 $0xA000, s10  }
0x5: {  	s1 =	sand.u32 $0x1, s1;
	s4 =	sshll.u32 s10, $0x1;
	s7 =	smul.u32 $0x28000, s10  }
0x6: {  	s31 =	simm.s32 $0x2;
	s17 =	smul.u32 $0x280, s10;
	s5 =	sor.u32 s1, s4  }
0x7: {  	s4 =	simm.s32 $0x0;
	s19 =	ssub.s32 $0x2, s1;
	s1 =	smul.u32 $0x2800, s1  }
0x8: {  	s5 =	smul.u32 $0x500, s5;
	[smem:$0x7FF] =	sst s4;
	s6 =	sshrl.u32 s8, $0x3  }
0x9: {  	s20 =	sshrl.u32 s19, $0x1;
	s7 =	sshrl.u32 s7, $0x2;
	s23 =	sadd.s32 $0x80, s17  }
0xa: {  	s18 =	sadd.s32 $0x100, s17;
	_ =	strace $0x8000004D;
	s9 =	sadd.s32 s6, s0  }
0xb: {  	s10 =	ssub.s32 s19, s20;
	s7 =	sadd.s32 s7, s2;
	s22 =	sadd.s32 s1, s17  }
0xc: {  	s20 =	sadd.s32 s8, s3;
	s14 =	sadd.s32 s1, s23;
	s16 =	sadd.s32 s1, s18  }
0xd: {  	s19 =	sadd.s32 $0x180, s17;
	s18 =	sshll.u32 s18, $0x6;
	s5 =	sadd.s32 s5, s0  }
0xe: {  	s0 =	sadd.s32 $0x72200, s0;
	s8 =	sadd.s32 $0x5E200, s9;
	s10 =	smax.u32 s10, $0x1  }
0xf: {  	s11 =	sadd.s32 $0x2000, s7;
	s12 =	sadd.s32 $0x4000, s7;
	s13 =	sadd.s32 $0x6000, s7  }
0x10: {  	s15 =	sshll.u32 s14, $0x3;
	s14 =	sadd.s32 $0x8000, s7;
	s16 =	sshll.u32 s16, $0x3  }
0x11: {  	s24 =	sshll.u32 s19, $0x6;
	s21 =	sadd.s32 $0x18200, s5;
	s5 =	sadd.s32 $0xD800, s5  }
0x12: {  	s15 =	sadd.s32 s0, s15;
	s16 =	sadd.s32 s0, s16;
	[dreg:$0x4] =	wrdreg s21  }
0x13: {  	s24 =	sadd.s32 s24, s2;
	[dreg:$0x5] =	wrdreg s5;
	s5 =	sshll.u32 s22, $0x3  }
0x14: {  	s21 =	sadd.s32 s1, s19;
	s22 =	sadd.s32 $0x200, s17;
	s19 =	simm.s32 $0x3  }
0x15: {  	s24 =	sshrl.u32 s24, $0x3;
	s9 =	sadd.s32 s0, s5;
	s5 =	sshll.u32 s23, $0x6  }
0x16: {  	s21 =	sshll.u32 s21, $0x3;
	s23 =	sadd.s32 s18, s2;
	s1 =	sadd.s32 s1, s22  }
0x17: {  	s25 =	sshll.u32 s22, $0x6;
	s5 =	sadd.s32 s5, s2;
	s17 =	sadd.s32 s0, s21  }
0x18: {  	s1 =	sshll.u32 s1, $0x3;
	s26 =	sadd.s32 s25, s2;
	s21 =	sshrl.u32 s20, $0x3  }
0x19: {  	s23 =	sshrl.u32 s23, $0x3;
	s20 =	simm.s32 $0x0;
	s18 =	sadd.s32 s0, s1  }
0x1a: {  	v0 =	vimm.f32 $0.0e+00;
	s22 =	sshrl.u32 s5, $0x3;
	s25 =	sshrl.u32 s26, $0x3;
	s26 =	simm.s32 $0x5000  }
.LBB2_1:
0x1b: {  	s0 =	rddreg [dreg:$0x4]  }
0x1c: {  	[tilespmem:s4], [sflag:$0x3] =	stream.linear.gather [hbm4b:s0+s4], $0x2800, $0x38;
	[tilespmem:$0x1D000] =	vst v63  }
0x1d: {  	_ =	swait.ge [sflag:s19], $0x2800  }
0x1e: {  	s1 =	simm.s32 $0x2800;
	[sflag:s19] =	ssyncset.done $0x0  }
0x1f: {  	s5 =	sand.u32 $0x7F00, s4;
	s6 =	rddreg [dreg:$0x5];
	[sflag:s19] =	ssyncadd.s32 $0xFFFFD800  }
0x20: {  	[tilespmem:s1], [sflag:$0x3] =	stream.linear.gather [hbm4b:s6+s4], $0x2800, $0x38;
	[tilespmem:$0x1D000] =	vst v63  }
0x21: {  	s5 =	sshrl.u32 s5, $0x2;
	_ =	swait.ge [sflag:s19], $0x2800  }
0x22: {  	s0 =	simm.s32 $0x40;
	s6 =	sand.u32 $0x30, s4;
	[sflag:s19] =	ssyncset.done $0x0  }
0x23: {  	s1 =	simm.s32 $0x0;
	s5 =	sor.u32 s6, s5;
	[sflag:s19] =	ssyncadd.s32 $0xFFFFD800  }
.LBB2_2:
0x24: {  	p0 =	sne.s32 s0, $0x7FC0  }
0x25: {  	[tilespmem:s5+$0x5000] =	vst v0;
	s1 =	sadd.s32 $0x10, s1;
	s5 =	smov.u32 s0;
	s0 =	sadd.s32 $0x40, s0  }
.Ltmp0:
0x26: {  	(pc) =	sbr.rel @p0 .LBB2_2-.Ltmp0, $4  }
0x27: {  	_ = 	snop  }
0x28: {  	s5 =	sand.u32 $0x7F00, s5  }
0x29: {  	s6 =	sand.u32 $0x30, s1;
	s5 =	sshrl.u32 s5, $0x2  }
0x2a: {  	s5 =	sor.u32 s6, s5  }
0x2b: {  	[tilespmem:s5+$0x5000] =	vst v0  }
0x2c: {  	[spmem:s7] =	stream.linear.scatter [tilespmem:s26], [sflag:$0x3], $0x2000, $0x38;
	[tilespmem:$0x1D000] =	vst v63  }
0x2d: {  	_ =	swait.ge [sflag:s19], $0x2000  }
0x2e: {  	[sflag:s19] =	ssyncset.done $0x0  }
0x2f: {  	[sflag:s19] =	ssyncadd.s32 $0xFFFFE000  }
0x30: {  	[spmem:s11] =	stream.linear.scatter [tilespmem:s26], [sflag:$0x3], $0x2000, $0x38;
	[tilespmem:$0x1D000] =	vst v63  }
0x31: {  	_ =	swait.ge [sflag:s19], $0x2000  }
0x32: {  	[sflag:s19] =	ssyncset.done $0x0  }
0x33: {  	[sflag:s19] =	ssyncadd.s32 $0xFFFFE000  }
0x34: {  	[spmem:s12] =	stream.linear.scatter [tilespmem:s26], [sflag:$0x3], $0x2000, $0x38;
	[tilespmem:$0x1D000] =	vst v63  }
0x35: {  	_ =	swait.ge [sflag:s19], $0x2000  }
0x36: {  	[sflag:s19] =	ssyncset.done $0x0  }
0x37: {  	[sflag:s19] =	ssyncadd.s32 $0xFFFFE000  }
0x38: {  	[spmem:s13] =	stream.linear.scatter [tilespmem:s26], [sflag:$0x3], $0x2000, $0x38;
	[tilespmem:$0x1D000] =	vst v63  }
0x39: {  	_ =	swait.ge [sflag:s19], $0x2000  }
0x3a: {  	[sflag:s19] =	ssyncset.done $0x0  }
0x3b: {  	[sflag:s19] =	ssyncadd.s32 $0xFFFFE000  }
0x3c: {  	[spmem:s14] =	stream.linear.scatter [tilespmem:s26], [sflag:$0x3], $0x2000, $0x38;
	[tilespmem:$0x1D000] =	vst v63  }
0x3d: {  	s0 =	stileid.u32;
	_ =	swait.ge [sflag:s19], $0x2000  }
0x3e: {  	s0 =	sshll.u32 s0, $0x6;
	[sflag:s19] =	ssyncset.done $0x0  }
0x3f: {  	s1 =	sor.u32 $0x1C03, s0;
	[sflag:s19] =	ssyncadd.s32 $0xFFFFE000  }
0x40: {  	[spmem:s21], [sflag:s1] =	dma.local [hbm:s8], $0x1400  }
0x41: {  	_ =	swait.ge [sflag:s19], $0x1400  }
0x42: {  	[sflag:s19] =	ssyncset.done $0x0  }
0x43: {  	[sflag:s19] =	ssyncadd.s32 $0xFFFFEC00  }
0x44: {  	s5 =	simm.s32 $0x0;
	[bflag:$0x0] =	sbarrier.arrive $0xFFFF  }
0x45: {  	[tilespmem:s26], [sflag:$0x1] =	stream.indirect.gather [spmem:s3], $0x40, s5, s28, $0xb8;
	[tilespmem:$0x1D000] =	vst v63  }
0x46: {  	_ = 	snop  }
0x47: {  	[tilespmem:s29], [sflag:$0x2] =	stream.indirect.gather [spmem:s3], $0x40, s28, s28, $0xb8;
	[tilespmem:$0x1D000] =	vst v63  }
0x48: {  	_ =	swait.ge [sflag:s30], $0x2000  }
0x49: {  	[sflag:s30] =	ssyncset.done $0x0  }
0x4a: {  	s6 =	simm.s32 $0x2800;
	[sflag:s30] =	ssyncadd.s32 $0xFFFFE000  }
0x4b: {  	[spmem:s2] =	stream.indirect.scatter.add.f32 [tilespmem:s26], [sflag:$0x3], $0x40, s6, s28, $0xb8;
	[tilespmem:$0x1D000] =	vst v63  }
0x4c: {  	_ =	swait.ge [sflag:s19], $0x2000  }
0x4d: {  	[sflag:s19] =	ssyncset.done $0x0  }
0x4e: {  	s5 =	simm.s32 $0x100;
	[sflag:s19] =	ssyncadd.s32 $0xFFFFE000  }
0x4f: {  	[tilespmem:s26], [sflag:$0x1] =	stream.indirect.gather [spmem:s3], $0x40, s5, s28, $0xb8;
	[tilespmem:$0x1D000] =	vst v63  }
0x50: {  	_ =	swait.ge [sflag:s31], $0x2000  }
0x51: {  	[sflag:s31] =	ssyncset.done $0x0  }
0x52: {  	s6 =	simm.s32 $0x2880;
	[sflag:s31] =	ssyncadd.s32 $0xFFFFE000  }
0x53: {  	[spmem:s2] =	stream.indirect.scatter.add.f32 [tilespmem:s29], [sflag:$0x3], $0x40, s6, s28, $0xb8;
	[tilespmem:$0x1D000] =	vst v63  }
0x54: {  	_ =	swait.ge [sflag:s19], $0x2000  }
0x55: {  	[sflag:s19] =	ssyncset.done $0x0  }
0x56: {  	s0 =	simm.s32 $0x400;
	s5 =	simm.s32 $0x180;
	[sflag:s19] =	ssyncadd.s32 $0xFFFFE000  }
.LBB2_4:
0x57: {  	[tilespmem:s29], [sflag:$0x2] =	stream.indirect.gather [spmem:s3], $0x40, s5, s28, $0xb8;
	[tilespmem:$0x1D000] =	vst v63  }
0x58: {  	s5 =	smov.u32 s0  }
0x59: {  	p0 =	sne.s32 s0, $0x9800;
	s0 =	sadd.s32 $0x400, s0;
	_ =	swait.ge [sflag:s30], $0x2000  }
0x5a: {  	s5 =	sshra.s32 s5, $0x2;
	[sflag:s30] =	ssyncset.done $0x0  }
0x5b: {  	s6 =	sadd.s32 $0x2800, s5;
	[sflag:s30] =	ssyncadd.s32 $0xFFFFE000  }
0x5c: {  	[spmem:s2] =	stream.indirect.scatter.add.f32 [tilespmem:s26], [sflag:$0x3], $0x40, s6, s28, $0xb8;
	[tilespmem:$0x1D000] =	vst v63  }
0x5d: {  	_ =	swait.ge [sflag:s19], $0x2000  }
0x5e: {  	[sflag:s19] =	ssyncset.done $0x0  }
0x5f: {  	s6 =	sadd.s32 $0x100, s5;
	[sflag:s19] =	ssyncadd.s32 $0xFFFFE000  }
0x60: {  	[tilespmem:s26], [sflag:$0x1] =	stream.indirect.gather [spmem:s3], $0x40, s6, s28, $0xb8;
	[tilespmem:$0x1D000] =	vst v63  }
0x61: {  	_ =	swait.ge [sflag:s31], $0x2000  }
0x62: {  	[sflag:s31] =	ssyncset.done $0x0  }
.Ltmp1:
0x63: {  	s6 =	sadd.s32 $0x2880, s5;
	[sflag:s31] =	ssyncadd.s32 $0xFFFFE000;
	(pc) =	sbr.rel @p0 .LBB2_4-.Ltmp1, $4  }
0x64: {  	[spmem:s2] =	stream.indirect.scatter.add.f32 [tilespmem:s29], [sflag:$0x3], $0x40, s6, s28, $0xb8;
	[tilespmem:$0x1D000] =	vst v63  }
0x65: {  	_ =	swait.ge [sflag:s19], $0x2000  }
0x66: {  	[sflag:s19] =	ssyncset.done $0x0  }
0x67: {  	s5 =	sadd.s32 $0x180, s5;
	[sflag:s19] =	ssyncadd.s32 $0xFFFFE000  }
0x68: {  	[tilespmem:s29], [sflag:$0x2] =	stream.indirect.gather [spmem:s3], $0x40, s5, s28, $0xb8;
	[tilespmem:$0x1D000] =	vst v63  }
0x69: {  	_ =	swait.ge [sflag:s30], $0x2000  }
0x6a: {  	[sflag:s30] =	ssyncset.done $0x0  }
0x6b: {  	s0 =	simm.s32 $0x4F00;
	[sflag:s30] =	ssyncadd.s32 $0xFFFFE000  }
0x6c: {  	[spmem:s2] =	stream.indirect.scatter.add.f32 [tilespmem:s26], [sflag:$0x3], $0x40, s0, s28, $0xb8;
	[tilespmem:$0x1D000] =	vst v63  }
0x6d: {  	_ =	swait.ge [sflag:s19], $0x2000  }
0x6e: {  	[sflag:s19] =	ssyncset.done $0x0  }
0x6f: {  	[sflag:s19] =	ssyncadd.s32 $0xFFFFE000  }
0x70: {  	_ =	swait.ge [sflag:s31], $0x2000  }
0x71: {  	[sflag:s31] =	ssyncset.done $0x0  }
0x72: {  	s5 =	simm.s32 $0x4F80;
	[sflag:s31] =	ssyncadd.s32 $0xFFFFE000  }
0x73: {  	[spmem:s2] =	stream.indirect.scatter.add.f32 [tilespmem:s29], [sflag:$0x3], $0x40, s5, s28, $0xb8;
	[tilespmem:$0x1D000] =	vst v63  }
0x74: {  	_ =	swait.ge [sflag:s19], $0x2000  }
0x75: {  	[sflag:s19] =	ssyncset.done $0x0  }
0x76: {  	[sflag:s19] =	ssyncadd.s32 $0xFFFFE000  }
0x77: {  	s6 =	sshrl.u32 s7, $0x3;
	[bflag:$0x0] =	sbarrier.arrive $0xFFFF  }
0x78: {  	[hbm:s9], [sflag:s1] =	dma.local [spmem:s6], $0x400  }
0x79: {  	_ =	swait.ge [sflag:s19], $0x400  }
0x7a: {  	[sflag:s19] =	ssyncset.done $0x0  }
0x7b: {  	[sflag:s19] =	ssyncadd.s32 $0xFFFFFC00  }
0x7c: {  	[hbm:s15], [sflag:s1] =	dma.local [spmem:s22], $0x400  }
0x7d: {  	_ =	swait.ge [sflag:s19], $0x400  }
0x7e: {  	[sflag:s19] =	ssyncset.done $0x0  }
0x7f: {  	[sflag:s19] =	ssyncadd.s32 $0xFFFFFC00  }
0x80: {  	[hbm:s16], [sflag:s1] =	dma.local [spmem:s23], $0x400  }
0x81: {  	_ =	swait.ge [sflag:s19], $0x400  }
0x82: {  	[sflag:s19] =	ssyncset.done $0x0  }
0x83: {  	[sflag:s19] =	ssyncadd.s32 $0xFFFFFC00  }
0x84: {  	[hbm:s17], [sflag:s1] =	dma.local [spmem:s24], $0x400  }
0x85: {  	s20 =	sadd.s32 $0x1, s20;
	_ =	swait.ge [sflag:s19], $0x400  }
0x86: {  	p0 =	sne.s32 s20, s10;
	[sflag:s19] =	ssyncset.done $0x0  }
.Ltmp2:
0x87: {  	[sflag:s19] =	ssyncadd.s32 $0xFFFFFC00;
	(pc) =	sbr.rel @p0 .LBB2_1-.Ltmp2, $4  }
0x88: {  	[hbm:s18], [sflag:s1] =	dma.local [spmem:s25], $0x400  }
0x89: {  	_ =	swait.ge [sflag:s19], $0x400  }
0x8a: {  	[sflag:s19] =	ssyncset.done $0x0  }
0x8b: {  	[sflag:s19] =	ssyncadd.s32 $0xFFFFFC00  }
0x8c: {  	_ =	sfence.sel $0x180000  }
0x8d: {  	[bflag:$0x0] =	sbarrier.arrive $0xFFFF  }
0x8e: {  	_ =	strace $0x9000004D  }
0x8f: {  	s0 =	stileid.u32;
	[bflag:$0x2] =	sbarrier.arrive $0xFFFF  }
0x90: {  	p0 =	sne.s32 s0, $0x0;
	s0 =	rddreg [dreg:$0x3]  }
0x91: {  	s0 =	sadd.s32 @!p0 $0x100000, s0  }
0x92: {  	[sflag:s0] =	ssyncadd.tile.s32 @!p0 $0x1;
	_ =	shalt  }
.Lfunc_end2:
_tile_overlayer_lowered:
.L_overlay_start_2:
0x93: {  	(tag) =	ssettag $0x2  }
0x94: {  	s0 =	rddreg [dreg:$0x0];
	s2 =	stileid.u32  }
0x95: {  	s1 =	rddreg [dreg:$0x1];
	p0 =	sne.s32 s2, $0x0  }
0x96: {  	s3 =	rddreg [dreg:$0x2];
	[bflag:$0x3] =	sbarrier.arrive $0xFFFF;
	s2 =	simm.s32 @!p0 $0x1C03  }
0x97: {  	[timem:s3], [sflag:s2] =	dma.local @!p0 [hbm:s0], s1  }
0x98: {  	s0 =	simm.s32 @!p0 $0x3  }
0x99: {  	_ =	swait.ge @!p0 [sflag:s0], s1  }
0x9a: {  	s1 =	ssub.s32 @!p0 $0x0, s1;
	[sflag:s0] =	ssyncset.done @!p0 $0x0  }
0x9b: {  	[sflag:s0] =	ssyncadd.s32 @!p0 s1  }
0x9c: {  	[bflag:$0x3] =	sbarrier.arrive $0xFFFF  }
0x9d: {  	_ =	shalt  }

// kernel: kernel.20.cloned.1.call-start
scs
__scs_entry_jumppad:
0x0: {  	(pc) =	sbr.rel $0x88, $3  }
0x1: {  	(tag) =	ssettag $0x0;
	lr =	simm.s32 $0x1  }
0x2: {  	[smem:$0x3F91] =	sst lr;
	_ =	strace $0xD0000000  }
0x3: {  	_ = 	snop  }
0x4: {  	_ = 	snop  }
0x5: {  	_ = 	snop  }
0x6: {  	_ = 	snop  }
0x7: {  	_ = 	snop  }
__scs_overlays_trampoline_lowered:
0x8: {  	[smem:$0x3FA0] =	sst s0  }
0x9: {  	[smem:$0x3FA1] =	sst s1  }
0xa: {  	[smem:$0x3FA2] =	sst s2  }
0xb: {  	[smem:$0x3FA3] =	sst s3  }
0xc: {  	[smem:$0x3FA4] =	sst s4  }
0xd: {  	[smem:$0x3FA5] =	sst s5  }
0xe: {  	[smem:$0x3FA6] =	sst s6  }
0xf: {  	[smem:$0x3FA7] =	sst s7  }
0x10: {  	[smem:$0x3FA8] =	sst s8  }
0x11: {  	[smem:$0x3FA9] =	sst s9;
	s0 =	simm.s32 @!p0 $0x0  }
0x12: {  	s1 =	sld [smem:$0x3F8F];
	s0 =	simm.s32 @p0 $0x1  }
0x13: {  	[smem:$0x3FAA] =	sst s0;
	s0 =	simm.s32 @!p1 $0x0  }
0x14: {  	s2 =	sld [smem:$0x3F8E];
	s0 =	simm.s32 @p1 $0x1  }
0x15: {  	[smem:$0x3FAB] =	sst s0;
	s0 =	simm.s32 @!p2 $0x0  }
0x16: {  	s3 =	sld [smem:$0x3FDB];
	s0 =	simm.s32 @p2 $0x1  }
0x17: {  	s4 =	simm.s32 $0x1BF5;
	[smem:$0x3FAD] =	sst s0  }
0x18: {  	s0 =	sld [smem:$0x3F90];
	_ =	swait.ge [sflag:s4], $0x0  }
0x19: {  	s7 =	sld [smem:$0x3F91]  }
0x1a: {  	s8 =	sadd.s32 $0xFFFFE003, lr  }
0x1b: {  	s9 =	sadd.s32 $0xFFFFFEF7, lr;
	s5 =	simm.s32 $0xFFFFFFFF;
	p2 =	slt.u32 s8, $0xFFFFF086  }
0x1c: {  	p1 =	slt.u32 s9, $0xF7A;
	s5 =	simm.s32 @!p2 $0x0  }
0x1d: {  	s5 =	simm.s32 @p1 $0x1;
	p0 =	seq.s32 s7, s2  }
0x1e: {  	s7 =	smul.u32 @!p0 $0xF7A, s2;
	p2 =	seq.s32 @!p0 s5, $0x0  }
0x1f: {  	s9 =	smul.u32 $0xF7A, s1;
	s8 =	simm.s32 @!p0 $0x1BF5;
	p2 =	por !p2, p0  }
0x20: {  	[sflag:s8] =	ssyncset.s32 @!p0 $0xFFFFF086;
	s6 =	sadd.s32 @!p0 s3, s7;
	s7 =	simm.s32 @!p0 $0x108  }
0x21: {  	s3 =	sadd.s32 s3, s9;
	s6 =	sadd.s32 @!p0 $0x88, s6;
	s7 =	simm.s32 @p2 $0x1082  }
0x22: {  	[simem:s7], [sflag:s8] =	dma.local @!p0 [hbm:s6], $0xF7A  }
0x23: {  	s9 =	sor.u32 $0xD0000000, s2;
	s6 =	simm.s32 $0x108;
	_ =	swait.ge @!p0 [sflag:s8], $0x0  }
0x24: {  	s3 =	sadd.s32 $0x88, s3;
	s6 =	simm.s32 @!p1 $0x1082;
	[sflag:s4] =	ssyncset.s32 $0xFFFFF086  }
0x25: {  	[simem:s6], [sflag:s4] =	dma.local [hbm:s3], $0xF7A  }
0x26: {  	[smem:$0x3F91] =	sst s1;
	(tag) =	ssettag s2;
	_ =	strace s9  }
0x27: {  	s1 =	sld [smem:$0x3FA1]  }
0x28: {  	s2 =	sld [smem:$0x3FA2]  }
0x29: {  	s4 =	sld [smem:$0x3FA4]  }
0x2a: {  	p0 =	seq.s32 s5, $0x0;
	s5 =	sld [smem:$0x3FA5]  }
0x2b: {  	s6 =	sld [smem:$0x3FA6]  }
0x2c: {  	s7 =	sld [smem:$0x3FA7]  }
0x2d: {  	s3 =	simm.s32 $0x108;
	s8 =	sld [smem:$0x3FA8]  }
0x2e: {  	s3 =	simm.s32 @!p0 $0x1082;
	s9 =	sld [smem:$0x3FA9]  }
0x2f: {  	lr =	sadd.s32 s0, s3;
	s0 =	sld [smem:$0x3FA0]  }
0x30: {  	s3 =	sld [smem:$0x3FA3]  }
0x31: {  	[smem:$0x3FAC] =	sst s10  }
0x32: {  	s10 =	sld [smem:$0x3FAA];
	_ =	sdelay $0x3  }
0x33: {  	p0 =	seq.s32 s10, $0x1;
	s10 =	sld [smem:$0x3FAC];
	_ =	sdelay $0x3  }
0x34: {  	[smem:$0x3FAC] =	sst s10  }
0x35: {  	s10 =	sld [smem:$0x3FAB];
	_ =	sdelay $0x3  }
0x36: {  	p1 =	seq.s32 s10, $0x1;
	s10 =	sld [smem:$0x3FAC];
	_ =	sdelay $0x3  }
0x37: {  	[smem:$0x3FAC] =	sst s10  }
0x38: {  	s10 =	sld [smem:$0x3FAD]  }
0x39: {  	_ = 	snop;
	(pc) =	sbr.ind lr, $3  }
0x3a: {  	_ = 	snop  }
0x3b: {  	_ = 	snop  }
0x3c: {  	p2 =	seq.s32 s10, $0x1;
	s10 =	sld [smem:$0x3FAC]  }
0x3d: {  	_ =	shalt  }
0x3e: {  	_ =	shalt  }
0x3f: {  	_ =	shalt  }
0x40: {  	_ =	shalt  }
0x41: {  	_ =	shalt  }
0x42: {  	_ =	shalt  }
0x43: {  	_ =	shalt  }
0x44: {  	_ =	shalt  }
0x45: {  	_ =	shalt  }
0x46: {  	_ =	shalt  }
0x47: {  	_ =	shalt  }
0x48: {  	_ =	shalt  }
0x49: {  	_ =	shalt  }
0x4a: {  	_ =	shalt  }
0x4b: {  	_ =	shalt  }
0x4c: {  	_ =	shalt  }
0x4d: {  	_ =	shalt  }
0x4e: {  	_ =	shalt  }
0x4f: {  	_ =	shalt  }
0x50: {  	_ =	shalt  }
0x51: {  	_ =	shalt  }
0x52: {  	_ =	shalt  }
0x53: {  	_ =	shalt  }
0x54: {  	_ =	shalt  }
0x55: {  	_ =	shalt  }
0x56: {  	_ =	shalt  }
0x57: {  	_ =	shalt  }
0x58: {  	_ =	shalt  }
0x59: {  	_ =	shalt  }
0x5a: {  	_ =	shalt  }
0x5b: {  	_ =	shalt  }
0x5c: {  	_ =	shalt  }
0x5d: {  	_ =	shalt  }
0x5e: {  	_ =	shalt  }
0x5f: {  	_ =	shalt  }
0x60: {  	_ =	shalt  }
0x61: {  	_ =	shalt  }
0x62: {  	_ =	shalt  }
0x63: {  	_ =	shalt  }
0x64: {  	_ =	shalt  }
0x65: {  	_ =	shalt  }
0x66: {  	_ =	shalt  }
0x67: {  	_ =	shalt  }
0x68: {  	_ =	shalt  }
0x69: {  	_ =	shalt  }
0x6a: {  	_ =	shalt  }
0x6b: {  	_ =	shalt  }
0x6c: {  	_ =	shalt  }
0x6d: {  	_ =	shalt  }
0x6e: {  	_ =	shalt  }
0x6f: {  	_ =	shalt  }
0x70: {  	_ =	shalt  }
0x71: {  	_ =	shalt  }
0x72: {  	_ =	shalt  }
0x73: {  	_ =	shalt  }
0x74: {  	_ =	shalt  }
0x75: {  	_ =	shalt  }
0x76: {  	_ =	shalt  }
0x77: {  	_ =	shalt  }
0x78: {  	_ =	shalt  }
0x79: {  	_ =	shalt  }
0x7a: {  	_ =	shalt  }
0x7b: {  	_ =	shalt  }
0x7c: {  	_ =	shalt  }
0x7d: {  	_ =	shalt  }
0x7e: {  	_ =	shalt  }
0x7f: {  	_ =	shalt  }
0x80: {  	_ =	shalt  }
0x81: {  	_ =	shalt  }
0x82: {  	_ =	shalt  }
0x83: {  	_ =	shalt  }
0x84: {  	_ =	shalt  }
0x85: {  	_ =	shalt  }
0x86: {  	_ =	shalt  }
0x87: {  	_ =	shalt  }
.Lfunc_end0:
.L_simem_size_0:
called_computation.3_lowered:
.L_overlay_start_0:
0x88: {  	s2 =	sld [smem:$0x3FD9]  }
0x89: {  	s3 =	sld [smem:$0x3FFE];
	_ =	sdelay $0x1  }
0x8a: {  	s1 =	srdreg.scid  }
0x8b: {  	s0 =	sand.u32 $0x1, s1  }
0x8c: {  	s16 =	sshll.u32 s0, $0xA;
	s2 =	sadd.s32 s3, s2  }
0x8d: {  	s2 =	sadd.s32 s2, s16  }
0x8e: {  	[smem:$0x3FB8] =	sst s2  }
0x8f: {  	_ = 	snop  }
0x90: {  	(tm) =	ssettm $0x1  }
0x91: {  	s17 =	sld [smem:$0x3FFB];
	_ =	sdelay $0x3  }
0x92: {  	_ =	strace s17  }
0x93: {  	s2 =	sld [smem:$0x3FFC];
	_ =	sdelay $0x3  }
0x94: {  	_ =	strace s2  }
0x95: {  	s2 =	sld [smem:$0x3FFD];
	_ =	sdelay $0x3  }
0x96: {  	_ =	strace s2  }
0x97: {  	_ =	strace $0x8FFFFFFF  }
0x98: {  	s18 =	sld [smem:$0x3FDB];
	_ =	sdelay $0x1  }
0x99: {  	s19 =	simm.s32 $_scs_section_size  }
0x9a: {  	s4 =	simm.s32 $_size__tile_overlayer_lowered;
	s5 =	simm.s32 $_tile_overlayer_lowered  }
0x9b: {  	s22 =	simm.s32 $0x1BFF;
	s21 =	sshll.u32 s5, $0x1;
	s2 =	sadd.s32 s19, s18  }
0x9c: {  	s6 =	simm.s32 $0x0;
	s20 =	sshll.u32 s4, $0x1;
	s4 =	sadd.s32 s21, s2  }
0x9d: {  	[timem:s6], [sflag:s22] =	dma.local [hbm:s4], s20  }
0x9e: {  	_ =	swait.ge [sflag:s22], s20  }
0x9f: {  	s3 =	ssub.s32 $0x0, s20;
	[sflag:s22] =	ssyncset.done $0x0  }
0xa0: {  	[sflag:s22] =	ssyncadd.s32 s3;
	_ =	sdelay $0x1  }
0xa1: {  	s23 =	simm.s32 $0x1B8B  }
0xa2: {  	_ =	swait.ge [sflag:s23], $0x1  }
0xa3: {  	[sflag:s23] =	ssyncset.done $0x0  }
0xa4: {  	s25 =	simm.s32 $0x1B8E;
	s24 =	sld [smem:$0x3FFE];
	[sflag:s23] =	ssyncadd.s32 $0xFFFFFFFF  }
0xa5: {  	s26 =	simm.s32 $execute0_lowered;
	[smem:$0x3FD2] =	sst s25  }
0xa6: {  	s4 =	sshll.u32 s26, $0x1;
	_ =	strace $0x8000004F;
	[dreg:$0x1] =	wrdreg $0xFFFFFFFF  }
0xa7: {  	s28 =	simm.s32 $_size_execute0_lowered;
	s2 =	sadd.s32 s2, s4;
	[dreg:$0x0] =	wrdreg $0x0  }
0xa8: {  	s4 =	sshll.u32 s28, $0x1;
	[dreg:$0x2] =	wrdreg s2  }
0xa9: {  	[dreg:$0x3] =	wrdreg s4  }
0xaa: {  	[dreg:$0x4] =	wrdreg $0xC0  }
0xab: {  	_ =	task [dreg:s6], $0x5FFFF  }
0xac: {  	[dreg:$0x1] =	wrdreg $0xFFFFFFFF  }
0xad: {  	[dreg:$0x0] =	wrdreg $0x60  }
0xae: {  	[dreg:$0x2] =	wrdreg s24  }
0xaf: {  	[dreg:$0x3] =	wrdreg $0x90000  }
0xb0: {  	[dreg:$0x4] =	wrdreg $0x130000  }
0xb1: {  	[dreg:$0x5] =	wrdreg $0x9  }
0xb2: {  	_ =	task.clear_ibuf [dreg:s6], $0x6FFFF;
	_ =	strace $0x9000004F  }
0xb3: {  	s29 =	simm.s32 $0x9;
	_ =	strace $0x80000051  }
0xb4: {  	_ =	swait.ge [sflag:s29], $0x1  }
0xb5: {  	[sflag:s29] =	ssyncadd.s32 $0xFFFFFFFF  }
0xb6: {  	_ =	strace $0x90000051  }
0xb7: {  	_ =	sfence  }
0xb8: {  	s30 =	sld [smem:$0x0];
	_ =	sdelay $0x2  }
0xb9: {  	s31 =	sshll.u32 s1, $0xD;
	s1 =	sshrl.u32 s1, $0x2  }
0xba: {  	s3 =	sand.u32 $0x4000, s31;
	s1 =	sadd.s32 s1, s30  }
0xbb: {  	s0 =	sor.u32 s3, s0;
	s1 =	sshll.u32 s1, $0x11  }
0xbc: {  	s0 =	sor.u32 s1, s0  }
0xbd: {  	s0 =	sadd.s32 $0x8F2B, s0  }
0xbe: {  	[sflag:s0] =	ssyncadd.remote.s32 $0x1  }
0xbf: {  	_ =	sfence.sel $0xFFFF  }
0xc0: {  	[dreg:$0x0] =	wrdreg $0xFFFFFFFF;
	(pc) =	sbr.abs _section_cstart, $3  }
0xc1: {  	[dreg:$0x1] =	wrdreg $0xFFFFFFFF  }
0xc2: {  	_ =	task.clear_ibuf [dreg:s6], $0x2FFFF;
	_ =	strace $0x9FFFFFFF  }
0xc3: {  	(tm) =	ssettm $0x7FFFFFFF  }
tec
execute0_lowered:
.L_overlay_start_1:
0x0: {  	(tag) =	ssettag $0x1  }
0x1: {  	s0 =	rddreg [dreg:$0x0]  }
0x2: {  	s1 =	srdreg.scid;
	s2 =	rddreg [dreg:$0x1]  }
0x3: {  	s10 =	stileid.u32;
	s3 =	rddreg [dreg:$0x2];
	s28 =	simm.s32 $0x80  }
0x4: {  	s29 =	simm.s32 $0x7000;
	s30 =	simm.s32 $0x1;
	s8 =	smul.u32 $0xA000, s10  }
0x5: {  	s1 =	sand.u32 $0x1, s1;
	s4 =	sshll.u32 s10, $0x1;
	s7 =	smul.u32 $0x28000, s10  }
0x6: {  	s31 =	simm.s32 $0x2;
	s17 =	smul.u32 $0x280, s10;
	s5 =	sor.u32 s1, s4  }
0x7: {  	s4 =	simm.s32 $0x0;
	s19 =	ssub.s32 $0x2, s1;
	s1 =	smul.u32 $0x2800, s1  }
0x8: {  	s5 =	smul.u32 $0x500, s5;
	[smem:$0x7FF] =	sst s4;
	s6 =	sshrl.u32 s8, $0x3  }
0x9: {  	s20 =	sshrl.u32 s19, $0x1;
	s7 =	sshrl.u32 s7, $0x2;
	s23 =	sadd.s32 $0x80, s17  }
0xa: {  	s18 =	sadd.s32 $0x100, s17;
	_ =	strace $0x80000050;
	s9 =	sadd.s32 s6, s0  }
0xb: {  	s10 =	ssub.s32 s19, s20;
	s7 =	sadd.s32 s7, s2;
	s22 =	sadd.s32 s1, s17  }
0xc: {  	s20 =	sadd.s32 s8, s3;
	s14 =	sadd.s32 s1, s23;
	s16 =	sadd.s32 s1, s18  }
0xd: {  	s19 =	sadd.s32 $0x180, s17;
	s18 =	sshll.u32 s18, $0x6;
	s5 =	sadd.s32 s5, s0  }
0xe: {  	s0 =	sadd.s32 $0x36200, s0;
	s8 =	sadd.s32 $0x22200, s9;
	s10 =	smax.u32 s10, $0x1  }
0xf: {  	s11 =	sadd.s32 $0x2000, s7;
	s12 =	sadd.s32 $0x4000, s7;
	s13 =	sadd.s32 $0x6000, s7  }
0x10: {  	s15 =	sshll.u32 s14, $0x3;
	s14 =	sadd.s32 $0x8000, s7;
	s16 =	sshll.u32 s16, $0x3  }
0x11: {  	s24 =	sshll.u32 s19, $0x6;
	s21 =	sadd.s32 $0x18200, s5;
	s5 =	sadd.s32 $0xD800, s5  }
0x12: {  	s15 =	sadd.s32 s0, s15;
	s16 =	sadd.s32 s0, s16;
	[dreg:$0x4] =	wrdreg s21  }
0x13: {  	s24 =	sadd.s32 s24, s2;
	[dreg:$0x5] =	wrdreg s5;
	s5 =	sshll.u32 s22, $0x3  }
0x14: {  	s21 =	sadd.s32 s1, s19;
	s22 =	sadd.s32 $0x200, s17;
	s19 =	simm.s32 $0x3  }
0x15: {  	s24 =	sshrl.u32 s24, $0x3;
	s9 =	sadd.s32 s0, s5;
	s5 =	sshll.u32 s23, $0x6  }
0x16: {  	s21 =	sshll.u32 s21, $0x3;
	s23 =	sadd.s32 s18, s2;
	s1 =	sadd.s32 s1, s22  }
0x17: {  	s25 =	sshll.u32 s22, $0x6;
	s5 =	sadd.s32 s5, s2;
	s17 =	sadd.s32 s0, s21  }
0x18: {  	s1 =	sshll.u32 s1, $0x3;
	s26 =	sadd.s32 s25, s2;
	s21 =	sshrl.u32 s20, $0x3  }
0x19: {  	s23 =	sshrl.u32 s23, $0x3;
	s20 =	simm.s32 $0x0;
	s18 =	sadd.s32 s0, s1  }
0x1a: {  	v0 =	vimm.f32 $0.0e+00;
	s22 =	sshrl.u32 s5, $0x3;
	s25 =	sshrl.u32 s26, $0x3;
	s26 =	simm.s32 $0x5000  }
.LBB2_1:
0x1b: {  	s0 =	rddreg [dreg:$0x4]  }
0x1c: {  	[tilespmem:s4], [sflag:$0x3] =	stream.linear.gather [hbm4b:s0+s4], $0x2800, $0x38;
	[tilespmem:$0x1D000] =	vst v63  }
0x1d: {  	_ =	swait.ge [sflag:s19], $0x2800  }
0x1e: {  	s1 =	simm.s32 $0x2800;
	[sflag:s19] =	ssyncset.done $0x0  }
0x1f: {  	s5 =	sand.u32 $0x7F00, s4;
	s6 =	rddreg [dreg:$0x5];
	[sflag:s19] =	ssyncadd.s32 $0xFFFFD800  }
0x20: {  	[tilespmem:s1], [sflag:$0x3] =	stream.linear.gather [hbm4b:s6+s4], $0x2800, $0x38;
	[tilespmem:$0x1D000] =	vst v63  }
0x21: {  	s5 =	sshrl.u32 s5, $0x2;
	_ =	swait.ge [sflag:s19], $0x2800  }
0x22: {  	s0 =	simm.s32 $0x40;
	s6 =	sand.u32 $0x30, s4;
	[sflag:s19] =	ssyncset.done $0x0  }
0x23: {  	s1 =	simm.s32 $0x0;
	s5 =	sor.u32 s6, s5;
	[sflag:s19] =	ssyncadd.s32 $0xFFFFD800  }
.LBB2_2:
0x24: {  	p0 =	sne.s32 s0, $0x7FC0  }
0x25: {  	[tilespmem:s5+$0x5000] =	vst v0;
	s1 =	sadd.s32 $0x10, s1;
	s5 =	smov.u32 s0;
	s0 =	sadd.s32 $0x40, s0  }
.Ltmp0:
0x26: {  	(pc) =	sbr.rel @p0 .LBB2_2-.Ltmp0, $4  }
0x27: {  	_ = 	snop  }
0x28: {  	s5 =	sand.u32 $0x7F00, s5  }
0x29: {  	s6 =	sand.u32 $0x30, s1;
	s5 =	sshrl.u32 s5, $0x2  }
0x2a: {  	s5 =	sor.u32 s6, s5  }
0x2b: {  	[tilespmem:s5+$0x5000] =	vst v0  }
0x2c: {  	[spmem:s7] =	stream.linear.scatter [tilespmem:s26], [sflag:$0x3], $0x2000, $0x38;
	[tilespmem:$0x1D000] =	vst v63  }
0x2d: {  	_ =	swait.ge [sflag:s19], $0x2000  }
0x2e: {  	[sflag:s19] =	ssyncset.done $0x0  }
0x2f: {  	[sflag:s19] =	ssyncadd.s32 $0xFFFFE000  }
0x30: {  	[spmem:s11] =	stream.linear.scatter [tilespmem:s26], [sflag:$0x3], $0x2000, $0x38;
	[tilespmem:$0x1D000] =	vst v63  }
0x31: {  	_ =	swait.ge [sflag:s19], $0x2000  }
0x32: {  	[sflag:s19] =	ssyncset.done $0x0  }
0x33: {  	[sflag:s19] =	ssyncadd.s32 $0xFFFFE000  }
0x34: {  	[spmem:s12] =	stream.linear.scatter [tilespmem:s26], [sflag:$0x3], $0x2000, $0x38;
	[tilespmem:$0x1D000] =	vst v63  }
0x35: {  	_ =	swait.ge [sflag:s19], $0x2000  }
0x36: {  	[sflag:s19] =	ssyncset.done $0x0  }
0x37: {  	[sflag:s19] =	ssyncadd.s32 $0xFFFFE000  }
0x38: {  	[spmem:s13] =	stream.linear.scatter [tilespmem:s26], [sflag:$0x3], $0x2000, $0x38;
	[tilespmem:$0x1D000] =	vst v63  }
0x39: {  	_ =	swait.ge [sflag:s19], $0x2000  }
0x3a: {  	[sflag:s19] =	ssyncset.done $0x0  }
0x3b: {  	[sflag:s19] =	ssyncadd.s32 $0xFFFFE000  }
0x3c: {  	[spmem:s14] =	stream.linear.scatter [tilespmem:s26], [sflag:$0x3], $0x2000, $0x38;
	[tilespmem:$0x1D000] =	vst v63  }
0x3d: {  	s0 =	stileid.u32;
	_ =	swait.ge [sflag:s19], $0x2000  }
0x3e: {  	s0 =	sshll.u32 s0, $0x6;
	[sflag:s19] =	ssyncset.done $0x0  }
0x3f: {  	s1 =	sor.u32 $0x1C03, s0;
	[sflag:s19] =	ssyncadd.s32 $0xFFFFE000  }
0x40: {  	[spmem:s21], [sflag:s1] =	dma.local [hbm:s8], $0x1400  }
0x41: {  	_ =	swait.ge [sflag:s19], $0x1400  }
0x42: {  	[sflag:s19] =	ssyncset.done $0x0  }
0x43: {  	[sflag:s19] =	ssyncadd.s32 $0xFFFFEC00  }
0x44: {  	s5 =	simm.s32 $0x0;
	[bflag:$0x0] =	sbarrier.arrive $0xFFFF  }
0x45: {  	[tilespmem:s26], [sflag:$0x1] =	stream.indirect.gather [spmem:s3], $0x40, s5, s28, $0xb8;
	[tilespmem:$0x1D000] =	vst v63  }
0x46: {  	_ = 	snop  }
0x47: {  	[tilespmem:s29], [sflag:$0x2] =	stream.indirect.gather [spmem:s3], $0x40, s28, s28, $0xb8;
	[tilespmem:$0x1D000] =	vst v63  }
0x48: {  	_ =	swait.ge [sflag:s30], $0x2000  }
0x49: {  	[sflag:s30] =	ssyncset.done $0x0  }
0x4a: {  	s6 =	simm.s32 $0x2800;
	[sflag:s30] =	ssyncadd.s32 $0xFFFFE000  }
0x4b: {  	[spmem:s2] =	stream.indirect.scatter.add.f32 [tilespmem:s26], [sflag:$0x3], $0x40, s6, s28, $0xb8;
	[tilespmem:$0x1D000] =	vst v63  }
0x4c: {  	_ =	swait.ge [sflag:s19], $0x2000  }
0x4d: {  	[sflag:s19] =	ssyncset.done $0x0  }
0x4e: {  	s5 =	simm.s32 $0x100;
	[sflag:s19] =	ssyncadd.s32 $0xFFFFE000  }
0x4f: {  	[tilespmem:s26], [sflag:$0x1] =	stream.indirect.gather [spmem:s3], $0x40, s5, s28, $0xb8;
	[tilespmem:$0x1D000] =	vst v63  }
0x50: {  	_ =	swait.ge [sflag:s31], $0x2000  }
0x51: {  	[sflag:s31] =	ssyncset.done $0x0  }
0x52: {  	s6 =	simm.s32 $0x2880;
	[sflag:s31] =	ssyncadd.s32 $0xFFFFE000  }
0x53: {  	[spmem:s2] =	stream.indirect.scatter.add.f32 [tilespmem:s29], [sflag:$0x3], $0x40, s6, s28, $0xb8;
	[tilespmem:$0x1D000] =	vst v63  }
0x54: {  	_ =	swait.ge [sflag:s19], $0x2000  }
0x55: {  	[sflag:s19] =	ssyncset.done $0x0  }
0x56: {  	s0 =	simm.s32 $0x400;
	s5 =	simm.s32 $0x180;
	[sflag:s19] =	ssyncadd.s32 $0xFFFFE000  }
.LBB2_4:
0x57: {  	[tilespmem:s29], [sflag:$0x2] =	stream.indirect.gather [spmem:s3], $0x40, s5, s28, $0xb8;
	[tilespmem:$0x1D000] =	vst v63  }
0x58: {  	s5 =	smov.u32 s0  }
0x59: {  	p0 =	sne.s32 s0, $0x9800;
	s0 =	sadd.s32 $0x400, s0;
	_ =	swait.ge [sflag:s30], $0x2000  }
0x5a: {  	s5 =	sshra.s32 s5, $0x2;
	[sflag:s30] =	ssyncset.done $0x0  }
0x5b: {  	s6 =	sadd.s32 $0x2800, s5;
	[sflag:s30] =	ssyncadd.s32 $0xFFFFE000  }
0x5c: {  	[spmem:s2] =	stream.indirect.scatter.add.f32 [tilespmem:s26], [sflag:$0x3], $0x40, s6, s28, $0xb8;
	[tilespmem:$0x1D000] =	vst v63  }
0x5d: {  	_ =	swait.ge [sflag:s19], $0x2000  }
0x5e: {  	[sflag:s19] =	ssyncset.done $0x0  }
0x5f: {  	s6 =	sadd.s32 $0x100, s5;
	[sflag:s19] =	ssyncadd.s32 $0xFFFFE000  }
0x60: {  	[tilespmem:s26], [sflag:$0x1] =	stream.indirect.gather [spmem:s3], $0x40, s6, s28, $0xb8;
	[tilespmem:$0x1D000] =	vst v63  }
0x61: {  	_ =	swait.ge [sflag:s31], $0x2000  }
0x62: {  	[sflag:s31] =	ssyncset.done $0x0  }
.Ltmp1:
0x63: {  	s6 =	sadd.s32 $0x2880, s5;
	[sflag:s31] =	ssyncadd.s32 $0xFFFFE000;
	(pc) =	sbr.rel @p0 .LBB2_4-.Ltmp1, $4  }
0x64: {  	[spmem:s2] =	stream.indirect.scatter.add.f32 [tilespmem:s29], [sflag:$0x3], $0x40, s6, s28, $0xb8;
	[tilespmem:$0x1D000] =	vst v63  }
0x65: {  	_ =	swait.ge [sflag:s19], $0x2000  }
0x66: {  	[sflag:s19] =	ssyncset.done $0x0  }
0x67: {  	s5 =	sadd.s32 $0x180, s5;
	[sflag:s19] =	ssyncadd.s32 $0xFFFFE000  }
0x68: {  	[tilespmem:s29], [sflag:$0x2] =	stream.indirect.gather [spmem:s3], $0x40, s5, s28, $0xb8;
	[tilespmem:$0x1D000] =	vst v63  }
0x69: {  	_ =	swait.ge [sflag:s30], $0x2000  }
0x6a: {  	[sflag:s30] =	ssyncset.done $0x0  }
0x6b: {  	s0 =	simm.s32 $0x4F00;
	[sflag:s30] =	ssyncadd.s32 $0xFFFFE000  }
0x6c: {  	[spmem:s2] =	stream.indirect.scatter.add.f32 [tilespmem:s26], [sflag:$0x3], $0x40, s0, s28, $0xb8;
	[tilespmem:$0x1D000] =	vst v63  }
0x6d: {  	_ =	swait.ge [sflag:s19], $0x2000  }
0x6e: {  	[sflag:s19] =	ssyncset.done $0x0  }
0x6f: {  	[sflag:s19] =	ssyncadd.s32 $0xFFFFE000  }
0x70: {  	_ =	swait.ge [sflag:s31], $0x2000  }
0x71: {  	[sflag:s31] =	ssyncset.done $0x0  }
0x72: {  	s5 =	simm.s32 $0x4F80;
	[sflag:s31] =	ssyncadd.s32 $0xFFFFE000  }
0x73: {  	[spmem:s2] =	stream.indirect.scatter.add.f32 [tilespmem:s29], [sflag:$0x3], $0x40, s5, s28, $0xb8;
	[tilespmem:$0x1D000] =	vst v63  }
0x74: {  	_ =	swait.ge [sflag:s19], $0x2000  }
0x75: {  	[sflag:s19] =	ssyncset.done $0x0  }
0x76: {  	[sflag:s19] =	ssyncadd.s32 $0xFFFFE000  }
0x77: {  	s6 =	sshrl.u32 s7, $0x3;
	[bflag:$0x0] =	sbarrier.arrive $0xFFFF  }
0x78: {  	[hbm:s9], [sflag:s1] =	dma.local [spmem:s6], $0x400  }
0x79: {  	_ =	swait.ge [sflag:s19], $0x400  }
0x7a: {  	[sflag:s19] =	ssyncset.done $0x0  }
0x7b: {  	[sflag:s19] =	ssyncadd.s32 $0xFFFFFC00  }
0x7c: {  	[hbm:s15], [sflag:s1] =	dma.local [spmem:s22], $0x400  }
0x7d: {  	_ =	swait.ge [sflag:s19], $0x400  }
0x7e: {  	[sflag:s19] =	ssyncset.done $0x0  }
0x7f: {  	[sflag:s19] =	ssyncadd.s32 $0xFFFFFC00  }
0x80: {  	[hbm:s16], [sflag:s1] =	dma.local [spmem:s23], $0x400  }
0x81: {  	_ =	swait.ge [sflag:s19], $0x400  }
0x82: {  	[sflag:s19] =	ssyncset.done $0x0  }
0x83: {  	[sflag:s19] =	ssyncadd.s32 $0xFFFFFC00  }
0x84: {  	[hbm:s17], [sflag:s1] =	dma.local [spmem:s24], $0x400  }
0x85: {  	s20 =	sadd.s32 $0x1, s20;
	_ =	swait.ge [sflag:s19], $0x400  }
0x86: {  	p0 =	sne.s32 s20, s10;
	[sflag:s19] =	ssyncset.done $0x0  }
.Ltmp2:
0x87: {  	[sflag:s19] =	ssyncadd.s32 $0xFFFFFC00;
	(pc) =	sbr.rel @p0 .LBB2_1-.Ltmp2, $4  }
0x88: {  	[hbm:s18], [sflag:s1] =	dma.local [spmem:s25], $0x400  }
0x89: {  	_ =	swait.ge [sflag:s19], $0x400  }
0x8a: {  	[sflag:s19] =	ssyncset.done $0x0  }
0x8b: {  	[sflag:s19] =	ssyncadd.s32 $0xFFFFFC00  }
0x8c: {  	_ =	sfence.sel $0x180000  }
0x8d: {  	[bflag:$0x0] =	sbarrier.arrive $0xFFFF  }
0x8e: {  	_ =	strace $0x90000050  }
0x8f: {  	s0 =	stileid.u32;
	[bflag:$0x2] =	sbarrier.arrive $0xFFFF  }
0x90: {  	p0 =	sne.s32 s0, $0x0;
	s0 =	rddreg [dreg:$0x3]  }
0x91: {  	s0 =	sadd.s32 @!p0 $0x100000, s0  }
0x92: {  	[sflag:s0] =	ssyncadd.tile.s32 @!p0 $0x1;
	_ =	shalt  }
.Lfunc_end2:
_tile_overlayer_lowered:
.L_overlay_start_2:
0x93: {  	(tag) =	ssettag $0x2  }
0x94: {  	s0 =	rddreg [dreg:$0x0];
	s2 =	stileid.u32  }
0x95: {  	s1 =	rddreg [dreg:$0x1];
	p0 =	sne.s32 s2, $0x0  }
0x96: {  	s3 =	rddreg [dreg:$0x2];
	[bflag:$0x3] =	sbarrier.arrive $0xFFFF;
	s2 =	simm.s32 @!p0 $0x1C03  }
0x97: {  	[timem:s3], [sflag:s2] =	dma.local @!p0 [hbm:s0], s1  }
0x98: {  	s0 =	simm.s32 @!p0 $0x3  }
0x99: {  	_ =	swait.ge @!p0 [sflag:s0], s1  }
0x9a: {  	s1 =	ssub.s32 @!p0 $0x0, s1;
	[sflag:s0] =	ssyncset.done @!p0 $0x0  }
0x9b: {  	[sflag:s0] =	ssyncadd.s32 @!p0 s1  }
0x9c: {  	[bflag:$0x3] =	sbarrier.arrive $0xFFFF  }
0x9d: {  	_ =	shalt  }

// kernel: kernel.23.cloned.1.call-start
scs
__scs_entry_jumppad:
0x0: {  	(pc) =	sbr.rel $0x88, $3  }
0x1: {  	(tag) =	ssettag $0x0;
	lr =	simm.s32 $0x1  }
0x2: {  	[smem:$0x3F91] =	sst lr;
	_ =	strace $0xD0000000  }
0x3: {  	_ = 	snop  }
0x4: {  	_ = 	snop  }
0x5: {  	_ = 	snop  }
0x6: {  	_ = 	snop  }
0x7: {  	_ = 	snop  }
__scs_overlays_trampoline_lowered:
0x8: {  	[smem:$0x3FA0] =	sst s0  }
0x9: {  	[smem:$0x3FA1] =	sst s1  }
0xa: {  	[smem:$0x3FA2] =	sst s2  }
0xb: {  	[smem:$0x3FA3] =	sst s3  }
0xc: {  	[smem:$0x3FA4] =	sst s4  }
0xd: {  	[smem:$0x3FA5] =	sst s5  }
0xe: {  	[smem:$0x3FA6] =	sst s6  }
0xf: {  	[smem:$0x3FA7] =	sst s7  }
0x10: {  	[smem:$0x3FA8] =	sst s8  }
0x11: {  	[smem:$0x3FA9] =	sst s9;
	s0 =	simm.s32 @!p0 $0x0  }
0x12: {  	s1 =	sld [smem:$0x3F8F];
	s0 =	simm.s32 @p0 $0x1  }
0x13: {  	[smem:$0x3FAA] =	sst s0;
	s0 =	simm.s32 @!p1 $0x0  }
0x14: {  	s2 =	sld [smem:$0x3F8E];
	s0 =	simm.s32 @p1 $0x1  }
0x15: {  	[smem:$0x3FAB] =	sst s0;
	s0 =	simm.s32 @!p2 $0x0  }
0x16: {  	s3 =	sld [smem:$0x3FDB];
	s0 =	simm.s32 @p2 $0x1  }
0x17: {  	s4 =	simm.s32 $0x1BF5;
	[smem:$0x3FAD] =	sst s0  }
0x18: {  	s0 =	sld [smem:$0x3F90];
	_ =	swait.ge [sflag:s4], $0x0  }
0x19: {  	s7 =	sld [smem:$0x3F91]  }
0x1a: {  	s8 =	sadd.s32 $0xFFFFE003, lr  }
0x1b: {  	s9 =	sadd.s32 $0xFFFFFEF7, lr;
	s5 =	simm.s32 $0xFFFFFFFF;
	p2 =	slt.u32 s8, $0xFFFFF086  }
0x1c: {  	p1 =	slt.u32 s9, $0xF7A;
	s5 =	simm.s32 @!p2 $0x0  }
0x1d: {  	s5 =	simm.s32 @p1 $0x1;
	p0 =	seq.s32 s7, s2  }
0x1e: {  	s7 =	smul.u32 @!p0 $0xF7A, s2;
	p2 =	seq.s32 @!p0 s5, $0x0  }
0x1f: {  	s9 =	smul.u32 $0xF7A, s1;
	s8 =	simm.s32 @!p0 $0x1BF5;
	p2 =	por !p2, p0  }
0x20: {  	[sflag:s8] =	ssyncset.s32 @!p0 $0xFFFFF086;
	s6 =	sadd.s32 @!p0 s3, s7;
	s7 =	simm.s32 @!p0 $0x108  }
0x21: {  	s3 =	sadd.s32 s3, s9;
	s6 =	sadd.s32 @!p0 $0x88, s6;
	s7 =	simm.s32 @p2 $0x1082  }
0x22: {  	[simem:s7], [sflag:s8] =	dma.local @!p0 [hbm:s6], $0xF7A  }
0x23: {  	s9 =	sor.u32 $0xD0000000, s2;
	s6 =	simm.s32 $0x108;
	_ =	swait.ge @!p0 [sflag:s8], $0x0  }
0x24: {  	s3 =	sadd.s32 $0x88, s3;
	s6 =	simm.s32 @!p1 $0x1082;
	[sflag:s4] =	ssyncset.s32 $0xFFFFF086  }
0x25: {  	[simem:s6], [sflag:s4] =	dma.local [hbm:s3], $0xF7A  }
0x26: {  	[smem:$0x3F91] =	sst s1;
	(tag) =	ssettag s2;
	_ =	strace s9  }
0x27: {  	s1 =	sld [smem:$0x3FA1]  }
0x28: {  	s2 =	sld [smem:$0x3FA2]  }
0x29: {  	s4 =	sld [smem:$0x3FA4]  }
0x2a: {  	p0 =	seq.s32 s5, $0x0;
	s5 =	sld [smem:$0x3FA5]  }
0x2b: {  	s6 =	sld [smem:$0x3FA6]  }
0x2c: {  	s7 =	sld [smem:$0x3FA7]  }
0x2d: {  	s3 =	simm.s32 $0x108;
	s8 =	sld [smem:$0x3FA8]  }
0x2e: {  	s3 =	simm.s32 @!p0 $0x1082;
	s9 =	sld [smem:$0x3FA9]  }
0x2f: {  	lr =	sadd.s32 s0, s3;
	s0 =	sld [smem:$0x3FA0]  }
0x30: {  	s3 =	sld [smem:$0x3FA3]  }
0x31: {  	[smem:$0x3FAC] =	sst s10  }
0x32: {  	s10 =	sld [smem:$0x3FAA];
	_ =	sdelay $0x3  }
0x33: {  	p0 =	seq.s32 s10, $0x1;
	s10 =	sld [smem:$0x3FAC];
	_ =	sdelay $0x3  }
0x34: {  	[smem:$0x3FAC] =	sst s10  }
0x35: {  	s10 =	sld [smem:$0x3FAB];
	_ =	sdelay $0x3  }
0x36: {  	p1 =	seq.s32 s10, $0x1;
	s10 =	sld [smem:$0x3FAC];
	_ =	sdelay $0x3  }
0x37: {  	[smem:$0x3FAC] =	sst s10  }
0x38: {  	s10 =	sld [smem:$0x3FAD]  }
0x39: {  	_ = 	snop;
	(pc) =	sbr.ind lr, $3  }
0x3a: {  	_ = 	snop  }
0x3b: {  	_ = 	snop  }
0x3c: {  	p2 =	seq.s32 s10, $0x1;
	s10 =	sld [smem:$0x3FAC]  }
0x3d: {  	_ =	shalt  }
0x3e: {  	_ =	shalt  }
0x3f: {  	_ =	shalt  }
0x40: {  	_ =	shalt  }
0x41: {  	_ =	shalt  }
0x42: {  	_ =	shalt  }
0x43: {  	_ =	shalt  }
0x44: {  	_ =	shalt  }
0x45: {  	_ =	shalt  }
0x46: {  	_ =	shalt  }
0x47: {  	_ =	shalt  }
0x48: {  	_ =	shalt  }
0x49: {  	_ =	shalt  }
0x4a: {  	_ =	shalt  }
0x4b: {  	_ =	shalt  }
0x4c: {  	_ =	shalt  }
0x4d: {  	_ =	shalt  }
0x4e: {  	_ =	shalt  }
0x4f: {  	_ =	shalt  }
0x50: {  	_ =	shalt  }
0x51: {  	_ =	shalt  }
0x52: {  	_ =	shalt  }
0x53: {  	_ =	shalt  }
0x54: {  	_ =	shalt  }
0x55: {  	_ =	shalt  }
0x56: {  	_ =	shalt  }
0x57: {  	_ =	shalt  }
0x58: {  	_ =	shalt  }
0x59: {  	_ =	shalt  }
0x5a: {  	_ =	shalt  }
0x5b: {  	_ =	shalt  }
0x5c: {  	_ =	shalt  }
0x5d: {  	_ =	shalt  }
0x5e: {  	_ =	shalt  }
0x5f: {  	_ =	shalt  }
0x60: {  	_ =	shalt  }
0x61: {  	_ =	shalt  }
0x62: {  	_ =	shalt  }
0x63: {  	_ =	shalt  }
0x64: {  	_ =	shalt  }
0x65: {  	_ =	shalt  }
0x66: {  	_ =	shalt  }
0x67: {  	_ =	shalt  }
0x68: {  	_ =	shalt  }
0x69: {  	_ =	shalt  }
0x6a: {  	_ =	shalt  }
0x6b: {  	_ =	shalt  }
0x6c: {  	_ =	shalt  }
0x6d: {  	_ =	shalt  }
0x6e: {  	_ =	shalt  }
0x6f: {  	_ =	shalt  }
0x70: {  	_ =	shalt  }
0x71: {  	_ =	shalt  }
0x72: {  	_ =	shalt  }
0x73: {  	_ =	shalt  }
0x74: {  	_ =	shalt  }
0x75: {  	_ =	shalt  }
0x76: {  	_ =	shalt  }
0x77: {  	_ =	shalt  }
0x78: {  	_ =	shalt  }
0x79: {  	_ =	shalt  }
0x7a: {  	_ =	shalt  }
0x7b: {  	_ =	shalt  }
0x7c: {  	_ =	shalt  }
0x7d: {  	_ =	shalt  }
0x7e: {  	_ =	shalt  }
0x7f: {  	_ =	shalt  }
0x80: {  	_ =	shalt  }
0x81: {  	_ =	shalt  }
0x82: {  	_ =	shalt  }
0x83: {  	_ =	shalt  }
0x84: {  	_ =	shalt  }
0x85: {  	_ =	shalt  }
0x86: {  	_ =	shalt  }
0x87: {  	_ =	shalt  }
.Lfunc_end0:
.L_simem_size_0:
called_computation.4_lowered:
.L_overlay_start_0:
0x88: {  	s2 =	sld [smem:$0x3FD9]  }
0x89: {  	s3 =	sld [smem:$0x3FFE];
	_ =	sdelay $0x1  }
0x8a: {  	s1 =	srdreg.scid  }
0x8b: {  	s0 =	sand.u32 $0x1, s1  }
0x8c: {  	s16 =	sshll.u32 s0, $0xA;
	s2 =	sadd.s32 s3, s2  }
0x8d: {  	s2 =	sadd.s32 s2, s16  }
0x8e: {  	[smem:$0x3FB8] =	sst s2  }
0x8f: {  	_ = 	snop  }
0x90: {  	(tm) =	ssettm $0x1  }
0x91: {  	s17 =	sld [smem:$0x3FFB];
	_ =	sdelay $0x3  }
0x92: {  	_ =	strace s17  }
0x93: {  	s2 =	sld [smem:$0x3FFC];
	_ =	sdelay $0x3  }
0x94: {  	_ =	strace s2  }
0x95: {  	s2 =	sld [smem:$0x3FFD];
	_ =	sdelay $0x3  }
0x96: {  	_ =	strace s2  }
0x97: {  	_ =	strace $0x8FFFFFFF  }
0x98: {  	s18 =	sld [smem:$0x3FDB];
	_ =	sdelay $0x1  }
0x99: {  	s19 =	simm.s32 $_scs_section_size  }
0x9a: {  	s4 =	simm.s32 $_size__tile_overlayer_lowered;
	s5 =	simm.s32 $_tile_overlayer_lowered  }
0x9b: {  	s22 =	simm.s32 $0x1BFF;
	s21 =	sshll.u32 s5, $0x1;
	s2 =	sadd.s32 s19, s18  }
0x9c: {  	s6 =	simm.s32 $0x0;
	s20 =	sshll.u32 s4, $0x1;
	s4 =	sadd.s32 s21, s2  }
0x9d: {  	[timem:s6], [sflag:s22] =	dma.local [hbm:s4], s20  }
0x9e: {  	_ =	swait.ge [sflag:s22], s20  }
0x9f: {  	s3 =	ssub.s32 $0x0, s20;
	[sflag:s22] =	ssyncset.done $0x0  }
0xa0: {  	[sflag:s22] =	ssyncadd.s32 s3;
	_ =	sdelay $0x1  }
0xa1: {  	s23 =	simm.s32 $0x1B8B  }
0xa2: {  	_ =	swait.ge [sflag:s23], $0x1  }
0xa3: {  	[sflag:s23] =	ssyncset.done $0x0  }
0xa4: {  	s25 =	simm.s32 $0x1B8E;
	s24 =	sld [smem:$0x3FFE];
	[sflag:s23] =	ssyncadd.s32 $0xFFFFFFFF  }
0xa5: {  	s26 =	simm.s32 $execute0_lowered;
	[smem:$0x3FD2] =	sst s25  }
0xa6: {  	s4 =	sshll.u32 s26, $0x1;
	_ =	strace $0x80000052;
	[dreg:$0x1] =	wrdreg $0xFFFFFFFF  }
0xa7: {  	s28 =	simm.s32 $_size_execute0_lowered;
	s2 =	sadd.s32 s2, s4;
	[dreg:$0x0] =	wrdreg $0x0  }
0xa8: {  	s4 =	sshll.u32 s28, $0x1;
	[dreg:$0x2] =	wrdreg s2  }
0xa9: {  	[dreg:$0x3] =	wrdreg s4  }
0xaa: {  	[dreg:$0x4] =	wrdreg $0xC0  }
0xab: {  	_ =	task [dreg:s6], $0x5FFFF  }
0xac: {  	[dreg:$0x1] =	wrdreg $0xFFFFFFFF  }
0xad: {  	[dreg:$0x0] =	wrdreg $0x60  }
0xae: {  	[dreg:$0x2] =	wrdreg s24  }
0xaf: {  	[dreg:$0x3] =	wrdreg $0x60000  }
0xb0: {  	[dreg:$0x4] =	wrdreg $0x88000  }
0xb1: {  	[dreg:$0x5] =	wrdreg $0x9  }
0xb2: {  	_ =	task.clear_ibuf [dreg:s6], $0x6FFFF;
	_ =	strace $0x90000052  }
0xb3: {  	s29 =	simm.s32 $0x9;
	_ =	strace $0x80000054  }
0xb4: {  	_ =	swait.ge [sflag:s29], $0x1  }
0xb5: {  	[sflag:s29] =	ssyncadd.s32 $0xFFFFFFFF  }
0xb6: {  	_ =	strace $0x90000054  }
0xb7: {  	_ =	sfence  }
0xb8: {  	s30 =	sld [smem:$0x0];
	_ =	sdelay $0x2  }
0xb9: {  	s31 =	sshll.u32 s1, $0xD;
	s1 =	sshrl.u32 s1, $0x2  }
0xba: {  	s3 =	sand.u32 $0x4000, s31;
	s1 =	sadd.s32 s1, s30  }
0xbb: {  	s0 =	sor.u32 s3, s0;
	s1 =	sshll.u32 s1, $0x11  }
0xbc: {  	s0 =	sor.u32 s1, s0  }
0xbd: {  	s0 =	sadd.s32 $0x8F2B, s0  }
0xbe: {  	[sflag:s0] =	ssyncadd.remote.s32 $0x1  }
0xbf: {  	_ =	sfence.sel $0xFFFF  }
0xc0: {  	[dreg:$0x0] =	wrdreg $0xFFFFFFFF;
	(pc) =	sbr.abs _section_cstart, $3  }
0xc1: {  	[dreg:$0x1] =	wrdreg $0xFFFFFFFF  }
0xc2: {  	_ =	task.clear_ibuf [dreg:s6], $0x2FFFF;
	_ =	strace $0x9FFFFFFF  }
0xc3: {  	(tm) =	ssettm $0x7FFFFFFF  }
tec
execute0_lowered:
.L_overlay_start_1:
0x0: {  	(tag) =	ssettag $0x1  }
0x1: {  	s0 =	rddreg [dreg:$0x0]  }
0x2: {  	s1 =	srdreg.scid;
	s2 =	rddreg [dreg:$0x1]  }
0x3: {  	s7 =	stileid.u32;
	s3 =	rddreg [dreg:$0x2]  }
0x4: {  	s5 =	simm.s32 $0x0;
	s28 =	simm.s32 $0x80;
	s29 =	simm.s32 $0x5800  }
0x5: {  	s30 =	simm.s32 $0x1;
	s1 =	sand.u32 $0x1, s1;
	s8 =	smul.u32 $0x2800, s7  }
0x6: {  	s4 =	sshll.u32 s7, $0x1;
	[smem:$0x7FF] =	sst s5;
	s6 =	smul.u32 $0xA000, s7  }
0x7: {  	s4 =	sor.u32 s1, s4;
	s18 =	ssub.s32 $0x2, s1;
	s1 =	smul.u32 $0x2800, s1  }
0x8: {  	s31 =	simm.s32 $0x2;
	_ =	strace $0x80000053;
	s4 =	smul.u32 $0x500, s4  }
0x9: {  	s17 =	sshrl.u32 s8, $0x3;
	s19 =	sshrl.u32 s18, $0x1;
	s21 =	sshrl.u32 s6, $0x2  }
0xa: {  	s9 =	sadd.s32 s17, s0;
	s17 =	smul.u32 $0x280, s7;
	s10 =	ssub.s32 s18, s19  }
0xb: {  	s7 =	sadd.s32 s21, s2;
	s4 =	sadd.s32 s4, s0;
	s0 =	sadd.s32 $0x22200, s0  }
0xc: {  	s10 =	smax.u32 s10, $0x1;
	s11 =	sadd.s32 $0x800, s7;
	s12 =	sadd.s32 $0x1000, s7  }
0xd: {  	s13 =	sadd.s32 $0x1800, s7;
	s20 =	sadd.s32 $0x18200, s4;
	s6 =	sadd.s32 $0xD800, s4  }
0xe: {  	s22 =	sadd.s32 s1, s17;
	s23 =	sadd.s32 $0x80, s17;
	s18 =	sadd.s32 $0x100, s17  }
0xf: {  	s19 =	sadd.s32 $0x180, s17;
	[dreg:$0x4] =	wrdreg s20;
	s20 =	sadd.s32 s8, s3  }
0x10: {  	s8 =	sadd.s32 $0x3800, s9;
	s4 =	sshll.u32 s22, $0x1;
	s14 =	sadd.s32 s1, s23  }
0x11: {  	s16 =	sadd.s32 s1, s18;
	s21 =	sadd.s32 s1, s19;
	s18 =	sshll.u32 s18, $0x4  }
0x12: {  	s22 =	sadd.s32 $0x200, s17;
	s24 =	sshll.u32 s19, $0x4;
	s19 =	simm.s32 $0x3  }
0x13: {  	s9 =	sadd.s32 s0, s4;
	s15 =	sshll.u32 s14, $0x1;
	s14 =	sadd.s32 $0x2000, s7  }
0x14: {  	s4 =	sshll.u32 s23, $0x4;
	s16 =	sshll.u32 s16, $0x1;
	s21 =	sshll.u32 s21, $0x1  }
0x15: {  	s23 =	sadd.s32 s18, s2;
	s1 =	sadd.s32 s1, s22;
	s25 =	sshll.u32 s22, $0x4  }
0x16: {  	s24 =	sadd.s32 s24, s2;
	s15 =	sadd.s32 s0, s15;
	s4 =	sadd.s32 s4, s2  }
0x17: {  	s16 =	sadd.s32 s0, s16;
	s17 =	sadd.s32 s0, s21;
	s1 =	sshll.u32 s1, $0x1  }
0x18: {  	s26 =	sadd.s32 s25, s2;
	s21 =	sshrl.u32 s20, $0x3;
	s23 =	sshrl.u32 s23, $0x3  }
0x19: {  	s24 =	sshrl.u32 s24, $0x3;
	s20 =	simm.s32 $0x0;
	s18 =	sadd.s32 s0, s1  }
0x1a: {  	v0 =	vimm.f32 $0.0e+00;
	s22 =	sshrl.u32 s4, $0x3;
	s25 =	sshrl.u32 s26, $0x3;
	s26 =	simm.s32 $0x5000  }
.LBB2_1:
0x1b: {  	s0 =	simm.s32 $0x0;
	s1 =	rddreg [dreg:$0x4]  }
0x1c: {  	[tilespmem:s0], [sflag:$0x3] =	stream.linear.gather [hbm4b:s1+s0], $0x2800, $0x38;
	[tilespmem:$0xB000] =	vst v63  }
0x1d: {  	_ =	swait.ge [sflag:s19], $0x2800  }
0x1e: {  	[sflag:s19] =	ssyncset.done $0x0  }
0x1f: {  	s5 =	simm.s32 $0x2800;
	[sflag:s19] =	ssyncadd.s32 $0xFFFFD800  }
0x20: {  	[tilespmem:s5], [sflag:$0x3] =	stream.linear.gather [hbm4b:s6+s0], $0x2800, $0x38;
	[tilespmem:$0xB000] =	vst v63  }
0x21: {  	_ =	swait.ge [sflag:s19], $0x2800  }
0x22: {  	[sflag:s19] =	ssyncset.done $0x0  }
0x23: {  	s1 =	simm.s32 $0x0;
	s0 =	simm.s32 $0x40;
	[sflag:s19] =	ssyncadd.s32 $0xFFFFD800  }
.LBB2_2:
0x24: {  	p0 =	sne.s32 s0, $0x1FC0;
	[tilespmem:s1+$0x5000] =	vst v0;
	s1 =	smov.u32 s0;
	s0 =	sadd.s32 $0x40, s0  }
.Ltmp0:
0x25: {  	(pc) =	sbr.rel @p0 .LBB2_2-.Ltmp0, $2  }
0x26: {  	_ =	sdelay $0x2  }
0x27: {  	s1 =	sshra.s32 s1, $0x2  }
0x28: {  	[tilespmem:s1+$0x5000] =	vst v0  }
0x29: {  	[spmem:s7] =	stream.linear.scatter [tilespmem:s26], [sflag:$0x3], $0x800, $0x38;
	[tilespmem:$0xB000] =	vst v63  }
0x2a: {  	_ =	swait.ge [sflag:s19], $0x800  }
0x2b: {  	[sflag:s19] =	ssyncset.done $0x0  }
0x2c: {  	[sflag:s19] =	ssyncadd.s32 $0xFFFFF800  }
0x2d: {  	[spmem:s11] =	stream.linear.scatter [tilespmem:s26], [sflag:$0x3], $0x800, $0x38;
	[tilespmem:$0xB000] =	vst v63  }
0x2e: {  	_ =	swait.ge [sflag:s19], $0x800  }
0x2f: {  	[sflag:s19] =	ssyncset.done $0x0  }
0x30: {  	[sflag:s19] =	ssyncadd.s32 $0xFFFFF800  }
0x31: {  	[spmem:s12] =	stream.linear.scatter [tilespmem:s26], [sflag:$0x3], $0x800, $0x38;
	[tilespmem:$0xB000] =	vst v63  }
0x32: {  	_ =	swait.ge [sflag:s19], $0x800  }
0x33: {  	[sflag:s19] =	ssyncset.done $0x0  }
0x34: {  	[sflag:s19] =	ssyncadd.s32 $0xFFFFF800  }
0x35: {  	[spmem:s13] =	stream.linear.scatter [tilespmem:s26], [sflag:$0x3], $0x800, $0x38;
	[tilespmem:$0xB000] =	vst v63  }
0x36: {  	_ =	swait.ge [sflag:s19], $0x800  }
0x37: {  	[sflag:s19] =	ssyncset.done $0x0  }
0x38: {  	[sflag:s19] =	ssyncadd.s32 $0xFFFFF800  }
0x39: {  	[spmem:s14] =	stream.linear.scatter [tilespmem:s26], [sflag:$0x3], $0x800, $0x38;
	[tilespmem:$0xB000] =	vst v63  }
0x3a: {  	s0 =	stileid.u32;
	_ =	swait.ge [sflag:s19], $0x800  }
0x3b: {  	s0 =	sshll.u32 s0, $0x6;
	[sflag:s19] =	ssyncset.done $0x0  }
0x3c: {  	s1 =	sor.u32 $0x1C03, s0;
	[sflag:s19] =	ssyncadd.s32 $0xFFFFF800  }
0x3d: {  	[spmem:s21], [sflag:s1] =	dma.local [hbm:s8], $0x500  }
0x3e: {  	_ =	swait.ge [sflag:s19], $0x500  }
0x3f: {  	[sflag:s19] =	ssyncset.done $0x0  }
0x40: {  	[sflag:s19] =	ssyncadd.s32 $0xFFFFFB00  }
0x41: {  	s4 =	simm.s32 $0x0;
	[bflag:$0x0] =	sbarrier.arrive $0xFFFF  }
0x42: {  	[tilespmem:s26], [sflag:$0x1] =	stream.indirect.gather [spmem:s3], $0x10, s4, s28, $0xb8;
	[tilespmem:$0xB000] =	vst v63  }
0x43: {  	_ = 	snop  }
0x44: {  	[tilespmem:s29], [sflag:$0x2] =	stream.indirect.gather [spmem:s3], $0x10, s28, s28, $0xb8;
	[tilespmem:$0xB000] =	vst v63  }
0x45: {  	_ =	swait.ge [sflag:s30], $0x800  }
0x46: {  	[sflag:s30] =	ssyncset.done $0x0  }
0x47: {  	s5 =	simm.s32 $0x2800;
	[sflag:s30] =	ssyncadd.s32 $0xFFFFF800  }
0x48: {  	[spmem:s2] =	stream.indirect.scatter.add.f32 [tilespmem:s26], [sflag:$0x3], $0x10, s5, s28, $0xb8;
	[tilespmem:$0xB000] =	vst v63  }
0x49: {  	_ =	swait.ge [sflag:s19], $0x800  }
0x4a: {  	[sflag:s19] =	ssyncset.done $0x0  }
0x4b: {  	s4 =	simm.s32 $0x100;
	[sflag:s19] =	ssyncadd.s32 $0xFFFFF800  }
0x4c: {  	[tilespmem:s26], [sflag:$0x1] =	stream.indirect.gather [spmem:s3], $0x10, s4, s28, $0xb8;
	[tilespmem:$0xB000] =	vst v63  }
0x4d: {  	_ =	swait.ge [sflag:s31], $0x800  }
0x4e: {  	[sflag:s31] =	ssyncset.done $0x0  }
0x4f: {  	s5 =	simm.s32 $0x2880;
	[sflag:s31] =	ssyncadd.s32 $0xFFFFF800  }
0x50: {  	[spmem:s2] =	stream.indirect.scatter.add.f32 [tilespmem:s29], [sflag:$0x3], $0x10, s5, s28, $0xb8;
	[tilespmem:$0xB000] =	vst v63  }
0x51: {  	_ =	swait.ge [sflag:s19], $0x800  }
0x52: {  	[sflag:s19] =	ssyncset.done $0x0  }
0x53: {  	s0 =	simm.s32 $0x400;
	s4 =	simm.s32 $0x180;
	[sflag:s19] =	ssyncadd.s32 $0xFFFFF800  }
.LBB2_4:
0x54: {  	[tilespmem:s29], [sflag:$0x2] =	stream.indirect.gather [spmem:s3], $0x10, s4, s28, $0xb8;
	[tilespmem:$0xB000] =	vst v63  }
0x55: {  	s4 =	smov.u32 s0  }
0x56: {  	p0 =	sne.s32 s0, $0x9800;
	s0 =	sadd.s32 $0x400, s0;
	_ =	swait.ge [sflag:s30], $0x800  }
0x57: {  	s4 =	sshra.s32 s4, $0x2;
	[sflag:s30] =	ssyncset.done $0x0  }
0x58: {  	s5 =	sadd.s32 $0x2800, s4;
	[sflag:s30] =	ssyncadd.s32 $0xFFFFF800  }
0x59: {  	[spmem:s2] =	stream.indirect.scatter.add.f32 [tilespmem:s26], [sflag:$0x3], $0x10, s5, s28, $0xb8;
	[tilespmem:$0xB000] =	vst v63  }
0x5a: {  	_ =	swait.ge [sflag:s19], $0x800  }
0x5b: {  	[sflag:s19] =	ssyncset.done $0x0  }
0x5c: {  	s5 =	sadd.s32 $0x100, s4;
	[sflag:s19] =	ssyncadd.s32 $0xFFFFF800  }
0x5d: {  	[tilespmem:s26], [sflag:$0x1] =	stream.indirect.gather [spmem:s3], $0x10, s5, s28, $0xb8;
	[tilespmem:$0xB000] =	vst v63  }
0x5e: {  	_ =	swait.ge [sflag:s31], $0x800  }
0x5f: {  	[sflag:s31] =	ssyncset.done $0x0  }
.Ltmp1:
0x60: {  	s5 =	sadd.s32 $0x2880, s4;
	[sflag:s31] =	ssyncadd.s32 $0xFFFFF800;
	(pc) =	sbr.rel @p0 .LBB2_4-.Ltmp1, $4  }
0x61: {  	[spmem:s2] =	stream.indirect.scatter.add.f32 [tilespmem:s29], [sflag:$0x3], $0x10, s5, s28, $0xb8;
	[tilespmem:$0xB000] =	vst v63  }
0x62: {  	_ =	swait.ge [sflag:s19], $0x800  }
0x63: {  	[sflag:s19] =	ssyncset.done $0x0  }
0x64: {  	s4 =	sadd.s32 $0x180, s4;
	[sflag:s19] =	ssyncadd.s32 $0xFFFFF800  }
0x65: {  	[tilespmem:s29], [sflag:$0x2] =	stream.indirect.gather [spmem:s3], $0x10, s4, s28, $0xb8;
	[tilespmem:$0xB000] =	vst v63  }
0x66: {  	_ =	swait.ge [sflag:s30], $0x800  }
0x67: {  	[sflag:s30] =	ssyncset.done $0x0  }
0x68: {  	s0 =	simm.s32 $0x4F00;
	[sflag:s30] =	ssyncadd.s32 $0xFFFFF800  }
0x69: {  	[spmem:s2] =	stream.indirect.scatter.add.f32 [tilespmem:s26], [sflag:$0x3], $0x10, s0, s28, $0xb8;
	[tilespmem:$0xB000] =	vst v63  }
0x6a: {  	_ =	swait.ge [sflag:s19], $0x800  }
0x6b: {  	[sflag:s19] =	ssyncset.done $0x0  }
0x6c: {  	[sflag:s19] =	ssyncadd.s32 $0xFFFFF800  }
0x6d: {  	_ =	swait.ge [sflag:s31], $0x800  }
0x6e: {  	[sflag:s31] =	ssyncset.done $0x0  }
0x6f: {  	s4 =	simm.s32 $0x4F80;
	[sflag:s31] =	ssyncadd.s32 $0xFFFFF800  }
0x70: {  	[spmem:s2] =	stream.indirect.scatter.add.f32 [tilespmem:s29], [sflag:$0x3], $0x10, s4, s28, $0xb8;
	[tilespmem:$0xB000] =	vst v63  }
0x71: {  	_ =	swait.ge [sflag:s19], $0x800  }
0x72: {  	[sflag:s19] =	ssyncset.done $0x0  }
0x73: {  	[sflag:s19] =	ssyncadd.s32 $0xFFFFF800  }
0x74: {  	s5 =	sshrl.u32 s7, $0x3;
	[bflag:$0x0] =	sbarrier.arrive $0xFFFF  }
0x75: {  	[hbm:s9], [sflag:s1] =	dma.local [spmem:s5], $0x100  }
0x76: {  	_ =	swait.ge [sflag:s19], $0x100  }
0x77: {  	[sflag:s19] =	ssyncset.done $0x0  }
0x78: {  	[sflag:s19] =	ssyncadd.s32 $0xFFFFFF00  }
0x79: {  	[hbm:s15], [sflag:s1] =	dma.local [spmem:s22], $0x100  }
0x7a: {  	_ =	swait.ge [sflag:s19], $0x100  }
0x7b: {  	[sflag:s19] =	ssyncset.done $0x0  }
0x7c: {  	[sflag:s19] =	ssyncadd.s32 $0xFFFFFF00  }
0x7d: {  	[hbm:s16], [sflag:s1] =	dma.local [spmem:s23], $0x100  }
0x7e: {  	_ =	swait.ge [sflag:s19], $0x100  }
0x7f: {  	[sflag:s19] =	ssyncset.done $0x0  }
0x80: {  	[sflag:s19] =	ssyncadd.s32 $0xFFFFFF00  }
0x81: {  	[hbm:s17], [sflag:s1] =	dma.local [spmem:s24], $0x100  }
0x82: {  	s20 =	sadd.s32 $0x1, s20;
	_ =	swait.ge [sflag:s19], $0x100  }
0x83: {  	p0 =	sne.s32 s20, s10;
	[sflag:s19] =	ssyncset.done $0x0  }
.Ltmp2:
0x84: {  	[sflag:s19] =	ssyncadd.s32 $0xFFFFFF00;
	(pc) =	sbr.rel @p0 .LBB2_1-.Ltmp2, $4  }
0x85: {  	[hbm:s18], [sflag:s1] =	dma.local [spmem:s25], $0x100  }
0x86: {  	_ =	swait.ge [sflag:s19], $0x100  }
0x87: {  	[sflag:s19] =	ssyncset.done $0x0  }
0x88: {  	[sflag:s19] =	ssyncadd.s32 $0xFFFFFF00  }
0x89: {  	_ =	sfence.sel $0x180000  }
0x8a: {  	[bflag:$0x0] =	sbarrier.arrive $0xFFFF  }
0x8b: {  	_ =	strace $0x90000053  }
0x8c: {  	s0 =	stileid.u32;
	[bflag:$0x2] =	sbarrier.arrive $0xFFFF  }
0x8d: {  	p0 =	sne.s32 s0, $0x0;
	s0 =	rddreg [dreg:$0x3]  }
0x8e: {  	s0 =	sadd.s32 @!p0 $0x100000, s0  }
0x8f: {  	[sflag:s0] =	ssyncadd.tile.s32 @!p0 $0x1;
	_ =	shalt  }
.Lfunc_end2:
_tile_overlayer_lowered:
.L_overlay_start_2:
0x90: {  	(tag) =	ssettag $0x2  }
0x91: {  	s0 =	rddreg [dreg:$0x0];
	s2 =	stileid.u32  }
0x92: {  	s1 =	rddreg [dreg:$0x1];
	p0 =	sne.s32 s2, $0x0  }
0x93: {  	s3 =	rddreg [dreg:$0x2];
	[bflag:$0x3] =	sbarrier.arrive $0xFFFF;
	s2 =	simm.s32 @!p0 $0x1C03  }
0x94: {  	[timem:s3], [sflag:s2] =	dma.local @!p0 [hbm:s0], s1  }
0x95: {  	s0 =	simm.s32 @!p0 $0x3  }
0x96: {  	_ =	swait.ge @!p0 [sflag:s0], s1  }
0x97: {  	s1 =	ssub.s32 @!p0 $0x0, s1;
	[sflag:s0] =	ssyncset.done @!p0 $0x0  }
0x98: {  	[sflag:s0] =	ssyncadd.s32 @!p0 s1  }
0x99: {  	[bflag:$0x3] =	sbarrier.arrive $0xFFFF  }
0x9a: {  	_ =	shalt  }

</sc_bundles>
